<compile_context>
chip_gen: v7x
topology: tpu7x:2x2x1
jax: 0.10.2.dev20260603
libtpu: 0.0.44.dev20260713+nightly
codegen_flags: <defaults>
</compile_context>

<pallas_src>
import functools

import jax
import jax.numpy as jnp
from jax import lax
from jax.experimental import pallas as pl
from jax.experimental.pallas import tpu as pltpu
from jax.experimental.pallas import tpu_sc as plsc

_N = 10000
_D = 128
_NP = 10240
_PAD_ROWS = 64
_NC = 2
_NS = 16
_NW = _NC * _NS
_ROWS = 640
_ROWS_OUT = 400
_TPR = _NP // _NS


def _sc_mesh():
    return plsc.VectorSubcoreMesh(core_axis_name="c", subcore_axis_name="s")


def _deg_body(chunks, dstr_hbm, zeros1_hbm, out_hbm, deg_sp, dstv, ones_v):
    c = lax.axis_index("c")
    s = lax.axis_index("s")
    w = s * _NC + c
    r0 = s * _TPR
    pltpu.sync_copy(zeros1_hbm.at[pl.ds(r0, _TPR)], deg_sp.at[pl.ds(r0, _TPR)])
    for j in range(8):
        ones_v[pl.ds(16 * j, 16)] = jnp.ones((16,), jnp.float32)
    pltpu.sync_copy(dstr_hbm.at[w], dstv)
    plsc.subcore_barrier()

    def body(k, carry):
        pltpu.sync_copy(ones_v, deg_sp.at[dstv.at[k]], add=True)
        return carry

    lax.fori_loop(0, chunks, body, 0)
    plsc.subcore_barrier()
    pltpu.sync_copy(deg_sp.at[pl.ds(r0, _TPR)], out_hbm.at[c].at[pl.ds(r0, _TPR)])


def _make_deg_kernel(chunks):
    return pl.kernel(
        functools.partial(_deg_body, chunks),
        out_type=jax.ShapeDtypeStruct((_NC, _NP), jnp.float32),
        mesh=_sc_mesh(),
        scratch_types=[
            pltpu.VMEM_SHARED((_NP,), jnp.float32),
            pltpu.VMEM((chunks, 128), jnp.int32),
            pltpu.VMEM((128,), jnp.float32),
        ],
    )


_CPR = 40


def _agg_body(chunks, hp_hbm, srcr_hbm, dstr_hbm, zeros2_hbm, out_hbm,
              agg_sp, srcv, dstv, buf0, buf1, gsem0, gsem1, zsem):
    c = lax.axis_index("c")
    s = lax.axis_index("s")
    w = s * _NC + c
    r0 = s * _TPR
    pltpu.async_copy(zeros2_hbm.at[pl.ds(r0, _TPR)],
                     agg_sp.at[pl.ds(r0, _TPR)], zsem)
    rounds = chunks // _CPR
    half = _CPR // 2

    for r in range(rounds):
        pltpu.sync_copy(srcr_hbm.at[w].at[pl.ds(r * _CPR, _CPR)], srcv)
        pltpu.sync_copy(dstr_hbm.at[w].at[pl.ds(r * _CPR, _CPR)], dstv)
        pltpu.async_copy(hp_hbm.at[srcv.at[0]], buf0, gsem0)

        if r == 0:
            pltpu.make_async_copy(zeros2_hbm.at[pl.ds(r0, _TPR)],
                                  agg_sp.at[pl.ds(r0, _TPR)], zsem).wait()
            plsc.subcore_barrier()

        def body(j, carry2):
            k0 = 2 * j
            pltpu.async_copy(hp_hbm.at[srcv.at[k0 + 1]], buf1, gsem1)
            pltpu.make_async_copy(hp_hbm.at[srcv.at[k0]], buf0, gsem0).wait()
            pltpu.sync_copy(buf0, agg_sp.at[dstv.at[k0]], add=True)

            @pl.when(j + 1 < half)
            def _():
                pltpu.async_copy(hp_hbm.at[srcv.at[k0 + 2]], buf0, gsem0)

            pltpu.make_async_copy(hp_hbm.at[srcv.at[k0 + 1]], buf1, gsem1).wait()
            pltpu.sync_copy(buf1, agg_sp.at[dstv.at[k0 + 1]], add=True)
            return carry2

        lax.fori_loop(0, half, body, 0)
    plsc.subcore_barrier()
    pltpu.sync_copy(agg_sp.at[pl.ds(r0, _TPR)], out_hbm.at[c].at[pl.ds(r0, _TPR)])


def _make_agg_kernel(chunks):
    return pl.kernel(
        functools.partial(_agg_body, chunks),
        out_type=jax.ShapeDtypeStruct((_NC, _NP, _D), jnp.float32),
        mesh=_sc_mesh(),
        scratch_types=[
            pltpu.VMEM_SHARED((_NP, _D), jnp.float32),
            pltpu.VMEM((_CPR, 128), jnp.int32),
            pltpu.VMEM((_CPR, 128), jnp.int32),
            pltpu.VMEM((128, _D), jnp.float32),
            pltpu.VMEM((128, _D), jnp.float32),
            pltpu.SemaphoreType.DMA,
            pltpu.SemaphoreType.DMA,
            pltpu.SemaphoreType.DMA,
        ],
    )


def _mm_raw_body(x_ref, w_ref, o_ref):
    o_ref[...] = jnp.dot(x_ref[...], w_ref[...],
                         preferred_element_type=jnp.float32)


def _mm_raw(xp, w):
    grid = (_NP // _ROWS,)
    return pl.pallas_call(
        _mm_raw_body,
        grid=grid,
        in_specs=[
            pl.BlockSpec((_ROWS, _D), lambda i: (i, 0)),
            pl.BlockSpec((_D, _D), lambda i: (0, 0)),
        ],
        out_specs=pl.BlockSpec((_ROWS, _D), lambda i: (i, 0)),
        out_shape=jax.ShapeDtypeStruct((_NP, _D), jnp.float32),
    )(xp, w)


def _scale_body(h_ref, d0_ref, d1_ref, hp_ref, dis_ref):
    dis = lax.rsqrt(1.0 + d0_ref[...] + d1_ref[...])
    hp_ref[...] = h_ref[...] * dis
    dis_ref[...] = dis


def _scale(h, d0, d1):
    grid = (_NP // _ROWS,)
    return pl.pallas_call(
        _scale_body,
        grid=grid,
        in_specs=[
            pl.BlockSpec((_ROWS, _D), lambda i: (i, 0)),
            pl.BlockSpec((_ROWS, 1), lambda i: (i, 0)),
            pl.BlockSpec((_ROWS, 1), lambda i: (i, 0)),
        ],
        out_specs=[
            pl.BlockSpec((_ROWS, _D), lambda i: (i, 0)),
            pl.BlockSpec((_ROWS, 1), lambda i: (i, 0)),
        ],
        out_shape=[
            jax.ShapeDtypeStruct((_NP, _D), jnp.float32),
            jax.ShapeDtypeStruct((_NP, 1), jnp.float32),
        ],
    )(h, d0, d1)


def _fused_body(aggp_ref, hp_ref, dis_ref, b_ref, w_ref, o_ref):
    dis = dis_ref[...]
    xl = jnp.maximum(
        dis * (aggp_ref[0] + aggp_ref[1] + hp_ref[...]) + b_ref[...], 0.0)
    h = jnp.dot(xl, w_ref[...], preferred_element_type=jnp.float32)
    o_ref[...] = h * dis


def _fused(aggp, hp, dis, b, w):
    grid = (_NP // _ROWS,)
    return pl.pallas_call(
        _fused_body,
        grid=grid,
        in_specs=[
            pl.BlockSpec((_NC, _ROWS, _D), lambda i: (0, i, 0)),
            pl.BlockSpec((_ROWS, _D), lambda i: (i, 0)),
            pl.BlockSpec((_ROWS, 1), lambda i: (i, 0)),
            pl.BlockSpec((1, _D), lambda i: (0, 0)),
            pl.BlockSpec((_D, _D), lambda i: (0, 0)),
        ],
        out_specs=pl.BlockSpec((_ROWS, _D), lambda i: (i, 0)),
        out_shape=jax.ShapeDtypeStruct((_NP, _D), jnp.float32),
    )(aggp, hp, dis, b, w)


def _epi_body(aggp_ref, hp_ref, dis_ref, b_ref, o_ref):
    o_ref[...] = jnp.maximum(
        dis_ref[...] * (aggp_ref[0] + aggp_ref[1] + hp_ref[...]) + b_ref[...],
        0.0)


def _epi(aggp, hp, dis, b):
    grid = (_N // _ROWS_OUT,)
    return pl.pallas_call(
        _epi_body,
        grid=grid,
        in_specs=[
            pl.BlockSpec((_NC, _ROWS_OUT, _D), lambda i: (0, i, 0)),
            pl.BlockSpec((_ROWS_OUT, _D), lambda i: (i, 0)),
            pl.BlockSpec((_ROWS_OUT, 1), lambda i: (i, 0)),
            pl.BlockSpec((1, _D), lambda i: (0, 0)),
        ],
        out_specs=pl.BlockSpec((_ROWS_OUT, _D), lambda i: (i, 0)),
        out_shape=jax.ShapeDtypeStruct((_N, _D), jnp.float32),
    )(aggp, hp, dis, b)


def kernel(x, edge_index, W0, b0, W1, b1, W2, b2):
    e = edge_index.shape[1]
    chunk_total = -(-e // (_NW * 128))
    chunk_total = -(-chunk_total // _CPR) * _CPR
    ep = chunk_total * _NW * 128

    src = edge_index[0]
    dst = edge_index[1]
    padi = _N + (jnp.arange(ep - e, dtype=jnp.int32) % _PAD_ROWS)
    srcp = jnp.concatenate([src, padi]).reshape(_NW, chunk_total, 128)
    dstp = jnp.concatenate([dst, padi]).reshape(_NW, chunk_total, 128)

    zeros1 = jnp.zeros((_NP,), jnp.float32)
    zeros2 = jnp.zeros((_NP, _D), jnp.float32)
    xp = jnp.pad(x, ((0, _NP - _N), (0, 0)))

    degp = _make_deg_kernel(chunk_total)(dstp, zeros1)
    h1 = _mm_raw(xp, W0)
    d0 = degp[0][:, None]
    d1 = degp[1][:, None]

    agg_k = _make_agg_kernel(chunk_total)

    hp, dis = _scale(h1, d0, d1)
    for b, w_next in ((b0, W1), (b1, W2)):
        aggp = agg_k(hp, srcp, dstp, zeros2)
        hp = _fused(aggp, hp, dis, b.reshape(1, _D), w_next)
    aggp = agg_k(hp, srcp, dstp, zeros2)
    return _epi(aggp, hp, dis, b2.reshape(1, _D))

# --- scband reference (transcript-rebuilt; emitter-appended) ---
"""Pipeline reference for scband-gcnblock-5600637354462 (READ-ONLY COPY).

The authoritative reference and input builder live on the scoring server;
editing this copy changes nothing except your own understanding.
"""

import jax, jax.numpy as jnp
import numpy as np

N = 10000
E = 320000
D = 128
L = 3


def setup_inputs(seed: int = 0) -> dict:
    key = jax.random.key(seed)
    ks = jax.random.split(key, 2 + 2 * L)
    inp = {}
    inp["x"] = jax.random.normal(ks[0], (N, D), dtype=jnp.float32)
    inp["edge_index"] = jax.random.randint(ks[1], (2, E), 0, N, dtype=jnp.int32)
    for i in range(L):
        inp[f"W{i}"] = jax.random.normal(ks[2 + 2 * i], (D, D), dtype=jnp.float32) * (1.0 / np.sqrt(D))
        inp[f"b{i}"] = jnp.zeros((D,), dtype=jnp.float32)
    return inp


def _gcn_conv(x, src, dst, W, b):
    # PyG GCNConv: x' = D^{-1/2} (A + I) D^{-1/2} (x @ W) + b (self-loops already appended)
    n = x.shape[0]
    h = x @ W
    deg = jnp.zeros((n,), dtype=x.dtype).at[dst].add(1.0)
    dis = jnp.where(deg > 0, jax.lax.rsqrt(jnp.maximum(deg, 1e-12)), 0.0)
    norm = dis[src] * dis[dst]
    out = jnp.zeros_like(h).at[dst].add(h[src] * norm[:, None])
    return out + b


def reference(x, edge_index, W0, b0, W1, b1, W2, b2):
    n = x.shape[0]
    loop = jnp.arange(n, dtype=edge_index.dtype)
    src = jnp.concatenate([edge_index[0], loop])
    dst = jnp.concatenate([edge_index[1], loop])
    for W, b in ((W0, b0), (W1, b1), (W2, b2)):
        x = _gcn_conv(x, src, dst, W, b)
        # control is NullControl -> contributes 0
        x = jax.nn.relu(x)
        # dropout_rate = 0.0 (and eval mode) -> identity
    return x

if __name__ == "__main__":
    import jax
    _d = setup_inputs()
    print(jax.jit(kernel)(*tuple(_d.values())))

</pallas_src>

<mosaic_0001>
#map = affine_map<(d0, d1) -> (0, 0)>
#map1 = affine_map<(d0, d1) -> (0, 0, 0)>
module attributes {stable_mosaic.version = 14 : i64} {
  func.func @_agg_body(%arg0: i32, %arg1: i32, %arg2: memref<10240x128xf32, #tpu.memory_space<hbm>>, %arg3: memref<32x80x128xi32, #tpu.memory_space<hbm>>, %arg4: memref<32x80x128xi32, #tpu.memory_space<hbm>>, %arg5: memref<10240x128xf32, #tpu.memory_space<hbm>>, %arg6: memref<2x10240x128xf32, #tpu.memory_space<hbm>>, %arg7: memref<10240x128xf32, #tpu.memory_space<vmem_shared>>, %arg8: memref<40x128xi32, #tpu.memory_space<vmem>>, %arg9: memref<40x128xi32, #tpu.memory_space<vmem>>, %arg10: memref<128x128xf32, #tpu.memory_space<vmem>>, %arg11: memref<128x128xf32, #tpu.memory_space<vmem>>, %arg12: memref<!tpu.dma_semaphore, #tpu.memory_space<semaphore_mem>>, %arg13: memref<!tpu.dma_semaphore, #tpu.memory_space<semaphore_mem>>, %arg14: memref<!tpu.dma_semaphore, #tpu.memory_space<semaphore_mem>>) attributes {dimension_semantics = [#tpu.dimension_semantics<core_parallel>, #tpu.dimension_semantics<subcore_parallel>], iteration_bounds = array<i64: 2, 16>, scalar_prefetch = 0 : i64, scratch_operands = 8 : i64, tpu.core_type = #tpu.core_type<sc_vector_subcore>, window_params = [{transform_indices = #map}, {transform_indices = #map1}, {transform_indices = #map1}, {transform_indices = #map}, {transform_indices = #map1}]} {
    %mul3A = arith.constant 2 : i32
    %mul3A_0 = arith.muli %arg1, %mul3A : i32
    %add3A = arith.addi %mul3A_0, %arg0 : i32
    %mul3A_1 = arith.constant 640 : i32
    %mul3A_2 = arith.muli %arg1, %mul3A_1 : i32
    %dma_start3A = arith.constant 0 : i32
    %dma_start3A_3 = tpu.memref_slice %arg7[%mul3A_2, %dma_start3A] : memref<10240x128xf32, #tpu.memory_space<vmem_shared>> -> memref<640x128xf32, #tpu.memory_space<vmem_shared>>
    %dma_start3A_4 = arith.constant 0 : i32
    %dma_start3A_5 = tpu.memref_slice %arg5[%mul3A_2, %dma_start3A_4] : memref<10240x128xf32, #tpu.memory_space<hbm>> -> memref<640x128xf32, #tpu.memory_space<hbm>>
    tpu.enqueue_dma source(%dma_start3A_5 : memref<640x128xf32, #tpu.memory_space<hbm>>) target(%dma_start3A_3 : memref<640x128xf32, #tpu.memory_space<vmem_shared>>) target_semaphore(%arg14 : memref<!tpu.dma_semaphore, #tpu.memory_space<semaphore_mem>>)
    "tpu.region"() ({
      %run_scoped3A = tpu.sem_alloc : memref<!tpu.dma_semaphore, #tpu.memory_space<semaphore_mem>>
      %dma_start3A_35 = arith.constant 0 : i32
      %dma_start3A_36 = arith.constant 0 : i32
      %dma_start3A_37 = tpu.memref_slice %arg3[%add3A, %dma_start3A_35, %dma_start3A_36] : memref<32x80x128xi32, #tpu.memory_space<hbm>> -> memref<1x80x128xi32, #tpu.memory_space<hbm>>
      %dma_start3A_38 = tpu.memref_squeeze %dma_start3A_37 : memref<1x80x128xi32, #tpu.memory_space<hbm>> -> memref<80x128xi32, #tpu.memory_space<hbm>>
      %dma_start3A_39 = arith.constant 0 : i32
      %dma_start3A_40 = arith.constant 0 : i32
      %dma_start3A_41 = tpu.memref_slice %dma_start3A_38[%dma_start3A_39, %dma_start3A_40] : memref<80x128xi32, #tpu.memory_space<hbm>> -> memref<40x128xi32, #tpu.memory_space<hbm>>
      %dma_start3A_42 = arith.constant 0 : i32
      %dma_start3A_43 = arith.constant 0 : i32
      %dma_start3A_44 = tpu.memref_slice %arg3[%add3A, %dma_start3A_42, %dma_start3A_43] : memref<32x80x128xi32, #tpu.memory_space<hbm>> -> memref<1x80x128xi32, #tpu.memory_space<hbm>>
      %dma_start3A_45 = tpu.memref_squeeze %dma_start3A_44 : memref<1x80x128xi32, #tpu.memory_space<hbm>> -> memref<80x128xi32, #tpu.memory_space<hbm>>
      %dma_start3A_46 = arith.constant 0 : i32
      %dma_start3A_47 = arith.constant 0 : i32
      %dma_start3A_48 = tpu.memref_slice %dma_start3A_45[%dma_start3A_46, %dma_start3A_47] : memref<80x128xi32, #tpu.memory_space<hbm>> -> memref<40x128xi32, #tpu.memory_space<hbm>>
      tpu.enqueue_dma source(%dma_start3A_48 : memref<40x128xi32, #tpu.memory_space<hbm>>) target(%arg8 : memref<40x128xi32, #tpu.memory_space<vmem>>) target_semaphore(%run_scoped3A : memref<!tpu.dma_semaphore, #tpu.memory_space<semaphore_mem>>)
      %dma_wait3A_49 = arith.constant 0 : i32
      %dma_wait3A_50 = arith.constant 0 : i32
      %dma_wait3A_51 = tpu.memref_slice %arg3[%add3A, %dma_wait3A_49, %dma_wait3A_50] : memref<32x80x128xi32, #tpu.memory_space<hbm>> -> memref<1x80x128xi32, #tpu.memory_space<hbm>>
      %dma_wait3A_52 = tpu.memref_squeeze %dma_wait3A_51 : memref<1x80x128xi32, #tpu.memory_space<hbm>> -> memref<80x128xi32, #tpu.memory_space<hbm>>
      %dma_wait3A_53 = arith.constant 0 : i32
      %dma_wait3A_54 = arith.constant 0 : i32
      %dma_wait3A_55 = tpu.memref_slice %dma_wait3A_52[%dma_wait3A_53, %dma_wait3A_54] : memref<80x128xi32, #tpu.memory_space<hbm>> -> memref<40x128xi32, #tpu.memory_space<hbm>>
      %dma_wait3A_56 = arith.constant 0 : i32
      %dma_wait3A_57 = arith.constant 0 : i32
      %dma_wait3A_58 = tpu.memref_slice %arg3[%add3A, %dma_wait3A_56, %dma_wait3A_57] : memref<32x80x128xi32, #tpu.memory_space<hbm>> -> memref<1x80x128xi32, #tpu.memory_space<hbm>>
      %dma_wait3A_59 = tpu.memref_squeeze %dma_wait3A_58 : memref<1x80x128xi32, #tpu.memory_space<hbm>> -> memref<80x128xi32, #tpu.memory_space<hbm>>
      %dma_wait3A_60 = arith.constant 0 : i32
      %dma_wait3A_61 = arith.constant 0 : i32
      %dma_wait3A_62 = tpu.memref_slice %dma_wait3A_59[%dma_wait3A_60, %dma_wait3A_61] : memref<80x128xi32, #tpu.memory_space<hbm>> -> memref<40x128xi32, #tpu.memory_space<hbm>>
      tpu.wait_dma2 semaphore(%run_scoped3A : memref<!tpu.dma_semaphore, #tpu.memory_space<semaphore_mem>>) src(%dma_wait3A_62 : memref<40x128xi32, #tpu.memory_space<hbm>>) dst(%arg8 : memref<40x128xi32, #tpu.memory_space<vmem>>)
      tpu.yield
    }) : () -> ()
    "tpu.region"() ({
      %run_scoped3A = tpu.sem_alloc : memref<!tpu.dma_semaphore, #tpu.memory_space<semaphore_mem>>
      %dma_start3A_35 = arith.constant 0 : i32
      %dma_start3A_36 = arith.constant 0 : i32
      %dma_start3A_37 = tpu.memref_slice %arg4[%add3A, %dma_start3A_35, %dma_start3A_36] : memref<32x80x128xi32, #tpu.memory_space<hbm>> -> memref<1x80x128xi32, #tpu.memory_space<hbm>>
      %dma_start3A_38 = tpu.memref_squeeze %dma_start3A_37 : memref<1x80x128xi32, #tpu.memory_space<hbm>> -> memref<80x128xi32, #tpu.memory_space<hbm>>
      %dma_start3A_39 = arith.constant 0 : i32
      %dma_start3A_40 = arith.constant 0 : i32
      %dma_start3A_41 = tpu.memref_slice %dma_start3A_38[%dma_start3A_39, %dma_start3A_40] : memref<80x128xi32, #tpu.memory_space<hbm>> -> memref<40x128xi32, #tpu.memory_space<hbm>>
      %dma_start3A_42 = arith.constant 0 : i32
      %dma_start3A_43 = arith.constant 0 : i32
      %dma_start3A_44 = tpu.memref_slice %arg4[%add3A, %dma_start3A_42, %dma_start3A_43] : memref<32x80x128xi32, #tpu.memory_space<hbm>> -> memref<1x80x128xi32, #tpu.memory_space<hbm>>
      %dma_start3A_45 = tpu.memref_squeeze %dma_start3A_44 : memref<1x80x128xi32, #tpu.memory_space<hbm>> -> memref<80x128xi32, #tpu.memory_space<hbm>>
      %dma_start3A_46 = arith.constant 0 : i32
      %dma_start3A_47 = arith.constant 0 : i32
      %dma_start3A_48 = tpu.memref_slice %dma_start3A_45[%dma_start3A_46, %dma_start3A_47] : memref<80x128xi32, #tpu.memory_space<hbm>> -> memref<40x128xi32, #tpu.memory_space<hbm>>
      tpu.enqueue_dma source(%dma_start3A_48 : memref<40x128xi32, #tpu.memory_space<hbm>>) target(%arg9 : memref<40x128xi32, #tpu.memory_space<vmem>>) target_semaphore(%run_scoped3A : memref<!tpu.dma_semaphore, #tpu.memory_space<semaphore_mem>>)
      %dma_wait3A_49 = arith.constant 0 : i32
      %dma_wait3A_50 = arith.constant 0 : i32
      %dma_wait3A_51 = tpu.memref_slice %arg4[%add3A, %dma_wait3A_49, %dma_wait3A_50] : memref<32x80x128xi32, #tpu.memory_space<hbm>> -> memref<1x80x128xi32, #tpu.memory_space<hbm>>
      %dma_wait3A_52 = tpu.memref_squeeze %dma_wait3A_51 : memref<1x80x128xi32, #tpu.memory_space<hbm>> -> memref<80x128xi32, #tpu.memory_space<hbm>>
      %dma_wait3A_53 = arith.constant 0 : i32
      %dma_wait3A_54 = arith.constant 0 : i32
      %dma_wait3A_55 = tpu.memref_slice %dma_wait3A_52[%dma_wait3A_53, %dma_wait3A_54] : memref<80x128xi32, #tpu.memory_space<hbm>> -> memref<40x128xi32, #tpu.memory_space<hbm>>
      %dma_wait3A_56 = arith.constant 0 : i32
      %dma_wait3A_57 = arith.constant 0 : i32
      %dma_wait3A_58 = tpu.memref_slice %arg4[%add3A, %dma_wait3A_56, %dma_wait3A_57] : memref<32x80x128xi32, #tpu.memory_space<hbm>> -> memref<1x80x128xi32, #tpu.memory_space<hbm>>
      %dma_wait3A_59 = tpu.memref_squeeze %dma_wait3A_58 : memref<1x80x128xi32, #tpu.memory_space<hbm>> -> memref<80x128xi32, #tpu.memory_space<hbm>>
      %dma_wait3A_60 = arith.constant 0 : i32
      %dma_wait3A_61 = arith.constant 0 : i32
      %dma_wait3A_62 = tpu.memref_slice %dma_wait3A_59[%dma_wait3A_60, %dma_wait3A_61] : memref<80x128xi32, #tpu.memory_space<hbm>> -> memref<40x128xi32, #tpu.memory_space<hbm>>
      tpu.wait_dma2 semaphore(%run_scoped3A : memref<!tpu.dma_semaphore, #tpu.memory_space<semaphore_mem>>) src(%dma_wait3A_62 : memref<40x128xi32, #tpu.memory_space<hbm>>) dst(%arg9 : memref<40x128xi32, #tpu.memory_space<vmem>>)
      tpu.yield
    }) : () -> ()
    %dma_start3A_6 = arith.constant 0 : i32
    %dma_start3A_7 = arith.constant 0 : i32
    %dma_start3A_8 = tpu.memref_slice %arg8[%dma_start3A_6, %dma_start3A_7] : memref<40x128xi32, #tpu.memory_space<vmem>> -> memref<1x128xi32, #tpu.memory_space<vmem>>
    %dma_start3A_9 = tpu.memref_squeeze %dma_start3A_8 : memref<1x128xi32, #tpu.memory_space<vmem>> -> memref<128xi32, #tpu.memory_space<vmem>>
    %dma_start3A_10 = arith.constant 0 : i32
    %dma_start3A_11 = arith.constant 0 : i32
    %dma_start3A_12 = tpu.memref_slice %arg2[%dma_start3A_10, %dma_start3A_11] : memref<10240x128xf32, #tpu.memory_space<hbm>> -> memref<10240x128xf32, #tpu.memory_space<hbm>>
    tpu.enqueue_indirect_dma source(%dma_start3A_12 : memref<10240x128xf32, #tpu.memory_space<hbm>>) target(%arg10 : memref<128x128xf32, #tpu.memory_space<vmem>>) offsets(%dma_start3A_9 : memref<128xi32, #tpu.memory_space<vmem>>) semaphore(%arg12 : memref<!tpu.dma_semaphore, #tpu.memory_space<semaphore_mem>>)
    %dma_wait3A = arith.constant 0 : i32
    %dma_wait3A_13 = tpu.memref_slice %arg7[%mul3A_2, %dma_wait3A] : memref<10240x128xf32, #tpu.memory_space<vmem_shared>> -> memref<640x128xf32, #tpu.memory_space<vmem_shared>>
    %dma_wait3A_14 = arith.constant 0 : i32
    %dma_wait3A_15 = tpu.memref_slice %arg5[%mul3A_2, %dma_wait3A_14] : memref<10240x128xf32, #tpu.memory_space<hbm>> -> memref<640x128xf32, #tpu.memory_space<hbm>>
    tpu.wait_dma2 semaphore(%arg14 : memref<!tpu.dma_semaphore, #tpu.memory_space<semaphore_mem>>) src(%dma_wait3A_15 : memref<640x128xf32, #tpu.memory_space<hbm>>) dst(%dma_wait3A_13 : memref<640x128xf32, #tpu.memory_space<vmem_shared>>)
    %barrier3A = arith.constant 0 : index
    tpu.barrier barrier_id(%barrier3A)
    %scan3A = arith.constant 0 : i32
    %scan3A_16 = arith.constant 0 : i32
    %scan3A_17 = arith.constant 20 : i32
    %scan3A_18 = arith.addi %scan3A_16, %scan3A_17 : i32
    %scan3A_19 = arith.constant 1 : i32
    scf.for %scan3A_35 = %scan3A_16 to %scan3A_18 step %scan3A_19  : i32 {
      %mul3A_36 = arith.constant 2 : i32
      %mul3A_37 = arith.muli %mul3A_36, %scan3A_35 : i32
      %add3A_38 = arith.constant 1 : i32
      %add3A_39 = arith.addi %mul3A_37, %add3A_38 : i32
      %dma_start3A_40 = arith.constant 0 : i32
      %dma_start3A_41 = tpu.memref_slice %arg8[%add3A_39, %dma_start3A_40] : memref<40x128xi32, #tpu.memory_space<vmem>> -> memref<1x128xi32, #tpu.memory_space<vmem>>
      %dma_start3A_42 = tpu.memref_squeeze %dma_start3A_41 : memref<1x128xi32, #tpu.memory_space<vmem>> -> memref<128xi32, #tpu.memory_space<vmem>>
      %dma_start3A_43 = arith.constant 0 : i32
      %dma_start3A_44 = arith.constant 0 : i32
      %dma_start3A_45 = tpu.memref_slice %arg2[%dma_start3A_43, %dma_start3A_44] : memref<10240x128xf32, #tpu.memory_space<hbm>> -> memref<10240x128xf32, #tpu.memory_space<hbm>>
      tpu.enqueue_indirect_dma source(%dma_start3A_45 : memref<10240x128xf32, #tpu.memory_space<hbm>>) target(%arg11 : memref<128x128xf32, #tpu.memory_space<vmem>>) offsets(%dma_start3A_42 : memref<128xi32, #tpu.memory_space<vmem>>) semaphore(%arg13 : memref<!tpu.dma_semaphore, #tpu.memory_space<semaphore_mem>>)
      %dma_wait3A_46 = arith.constant 0 : i32
      %dma_wait3A_47 = tpu.memref_slice %arg8[%mul3A_37, %dma_wait3A_46] : memref<40x128xi32, #tpu.memory_space<vmem>> -> memref<1x128xi32, #tpu.memory_space<vmem>>
      %dma_wait3A_48 = tpu.memref_squeeze %dma_wait3A_47 : memref<1x128xi32, #tpu.memory_space<vmem>> -> memref<128xi32, #tpu.memory_space<vmem>>
      %dma_wait3A_49 = arith.constant 0 : i32
      %dma_wait3A_50 = arith.constant 0 : i32
      %dma_wait3A_51 = tpu.memref_slice %arg2[%dma_wait3A_49, %dma_wait3A_50] : memref<10240x128xf32, #tpu.memory_space<hbm>> -> memref<10240x128xf32, #tpu.memory_space<hbm>>
      tpu.wait_indirect_dma semaphore(%arg12 : memref<!tpu.dma_semaphore, #tpu.memory_space<semaphore_mem>>) src(%dma_wait3A_51 : memref<10240x128xf32, #tpu.memory_space<hbm>>) dst(%arg10 : memref<128x128xf32, #tpu.memory_space<vmem>>)
      "tpu.region"() ({
        %run_scoped3A = tpu.sem_alloc : memref<!tpu.dma_semaphore, #tpu.memory_space<semaphore_mem>>
        %dma_start3A_66 = arith.constant 0 : i32
        %dma_start3A_67 = tpu.memref_slice %arg9[%mul3A_37, %dma_start3A_66] : memref<40x128xi32, #tpu.memory_space<vmem>> -> memref<1x128xi32, #tpu.memory_space<vmem>>
        %dma_start3A_68 = tpu.memref_squeeze %dma_start3A_67 : memref<1x128xi32, #tpu.memory_space<vmem>> -> memref<128xi32, #tpu.memory_space<vmem>>
        %dma_start3A_69 = arith.constant 0 : i32
        %dma_start3A_70 = arith.constant 0 : i32
        %dma_start3A_71 = tpu.memref_slice %arg7[%dma_start3A_69, %dma_start3A_70] : memref<10240x128xf32, #tpu.memory_space<vmem_shared>> -> memref<10240x128xf32, #tpu.memory_space<vmem_shared>>
        tpu.enqueue_indirect_dma source(%arg10 : memref<128x128xf32, #tpu.memory_space<vmem>>) target(%dma_start3A_71 : memref<10240x128xf32, #tpu.memory_space<vmem_shared>>) offsets(%dma_start3A_68 : memref<128xi32, #tpu.memory_space<vmem>>) semaphore(%run_scoped3A : memref<!tpu.dma_semaphore, #tpu.memory_space<semaphore_mem>>) {add = true}
        %dma_wait3A_72 = arith.constant 0 : i32
        %dma_wait3A_73 = tpu.memref_slice %arg9[%mul3A_37, %dma_wait3A_72] : memref<40x128xi32, #tpu.memory_space<vmem>> -> memref<1x128xi32, #tpu.memory_space<vmem>>
        %dma_wait3A_74 = tpu.memref_squeeze %dma_wait3A_73 : memref<1x128xi32, #tpu.memory_space<vmem>> -> memref<128xi32, #tpu.memory_space<vmem>>
        %dma_wait3A_75 = arith.constant 0 : i32
        %dma_wait3A_76 = arith.constant 0 : i32
        %dma_wait3A_77 = tpu.memref_slice %arg7[%dma_wait3A_75, %dma_wait3A_76] : memref<10240x128xf32, #tpu.memory_space<vmem_shared>> -> memref<10240x128xf32, #tpu.memory_space<vmem_shared>>
        tpu.wait_indirect_dma semaphore(%run_scoped3A : memref<!tpu.dma_semaphore, #tpu.memory_space<semaphore_mem>>) src(%arg10 : memref<128x128xf32, #tpu.memory_space<vmem>>) dst(%dma_wait3A_77 : memref<10240x128xf32, #tpu.memory_space<vmem_shared>>)
        tpu.yield
      }) : () -> ()
      %add3A_52 = arith.constant 1 : i32
      %add3A_53 = arith.addi %scan3A_35, %add3A_52 : i32
      %lt3A = arith.constant 20 : i32
      %lt3A_54 = arith.cmpi slt, %add3A_53, %lt3A : i32
      %convert_element_type3A = arith.extui %lt3A_54 : i1 to i32
      %cond3A = arith.constant 0 : i32
      %cond3A_55 = arith.cmpi ne, %convert_element_type3A, %cond3A : i32
      scf.if %cond3A_55 {
        %add3A_66 = arith.constant 2 : i32
        %add3A_67 = arith.addi %mul3A_37, %add3A_66 : i32
        %dma_start3A_68 = arith.constant 0 : i32
        %dma_start3A_69 = tpu.memref_slice %arg8[%add3A_67, %dma_start3A_68] : memref<40x128xi32, #tpu.memory_space<vmem>> -> memref<1x128xi32, #tpu.memory_space<vmem>>
        %dma_start3A_70 = tpu.memref_squeeze %dma_start3A_69 : memref<1x128xi32, #tpu.memory_space<vmem>> -> memref<128xi32, #tpu.memory_space<vmem>>
        %dma_start3A_71 = arith.constant 0 : i32
        %dma_start3A_72 = arith.constant 0 : i32
        %dma_start3A_73 = tpu.memref_slice %arg2[%dma_start3A_71, %dma_start3A_72] : memref<10240x128xf32, #tpu.memory_space<hbm>> -> memref<10240x128xf32, #tpu.memory_space<hbm>>
        tpu.enqueue_indirect_dma source(%dma_start3A_73 : memref<10240x128xf32, #tpu.memory_space<hbm>>) target(%arg10 : memref<128x128xf32, #tpu.memory_space<vmem>>) offsets(%dma_start3A_70 : memref<128xi32, #tpu.memory_space<vmem>>) semaphore(%arg12 : memref<!tpu.dma_semaphore, #tpu.memory_space<semaphore_mem>>)
      } else {
      }
      %add3A_56 = arith.constant 1 : i32
      %add3A_57 = arith.addi %mul3A_37, %add3A_56 : i32
      %dma_wait3A_58 = arith.constant 0 : i32
      %dma_wait3A_59 = tpu.memref_slice %arg8[%add3A_57, %dma_wait3A_58] : memref<40x128xi32, #tpu.memory_space<vmem>> -> memref<1x128xi32, #tpu.memory_space<vmem>>
      %dma_wait3A_60 = tpu.memref_squeeze %dma_wait3A_59 : memref<1x128xi32, #tpu.memory_space<vmem>> -> memref<128xi32, #tpu.memory_space<vmem>>
      %dma_wait3A_61 = arith.constant 0 : i32
      %dma_wait3A_62 = arith.constant 0 : i32
      %dma_wait3A_63 = tpu.memref_slice %arg2[%dma_wait3A_61, %dma_wait3A_62] : memref<10240x128xf32, #tpu.memory_space<hbm>> -> memref<10240x128xf32, #tpu.memory_space<hbm>>
      tpu.wait_indirect_dma semaphore(%arg13 : memref<!tpu.dma_semaphore, #tpu.memory_space<semaphore_mem>>) src(%dma_wait3A_63 : memref<10240x128xf32, #tpu.memory_space<hbm>>) dst(%arg11 : memref<128x128xf32, #tpu.memory_space<vmem>>)
      %add3A_64 = arith.constant 1 : i32
      %add3A_65 = arith.addi %mul3A_37, %add3A_64 : i32
      "tpu.region"() ({
        %run_scoped3A = tpu.sem_alloc : memref<!tpu.dma_semaphore, #tpu.memory_space<semaphore_mem>>
        %dma_start3A_66 = arith.constant 0 : i32
        %dma_start3A_67 = tpu.memref_slice %arg9[%add3A_65, %dma_start3A_66] : memref<40x128xi32, #tpu.memory_space<vmem>> -> memref<1x128xi32, #tpu.memory_space<vmem>>
        %dma_start3A_68 = tpu.memref_squeeze %dma_start3A_67 : memref<1x128xi32, #tpu.memory_space<vmem>> -> memref<128xi32, #tpu.memory_space<vmem>>
        %dma_start3A_69 = arith.constant 0 : i32
        %dma_start3A_70 = arith.constant 0 : i32
        %dma_start3A_71 = tpu.memref_slice %arg7[%dma_start3A_69, %dma_start3A_70] : memref<10240x128xf32, #tpu.memory_space<vmem_shared>> -> memref<10240x128xf32, #tpu.memory_space<vmem_shared>>
        tpu.enqueue_indirect_dma source(%arg11 : memref<128x128xf32, #tpu.memory_space<vmem>>) target(%dma_start3A_71 : memref<10240x128xf32, #tpu.memory_space<vmem_shared>>) offsets(%dma_start3A_68 : memref<128xi32, #tpu.memory_space<vmem>>) semaphore(%run_scoped3A : memref<!tpu.dma_semaphore, #tpu.memory_space<semaphore_mem>>) {add = true}
        %dma_wait3A_72 = arith.constant 0 : i32
        %dma_wait3A_73 = tpu.memref_slice %arg9[%add3A_65, %dma_wait3A_72] : memref<40x128xi32, #tpu.memory_space<vmem>> -> memref<1x128xi32, #tpu.memory_space<vmem>>
        %dma_wait3A_74 = tpu.memref_squeeze %dma_wait3A_73 : memref<1x128xi32, #tpu.memory_space<vmem>> -> memref<128xi32, #tpu.memory_space<vmem>>
        %dma_wait3A_75 = arith.constant 0 : i32
        %dma_wait3A_76 = arith.constant 0 : i32
        %dma_wait3A_77 = tpu.memref_slice %arg7[%dma_wait3A_75, %dma_wait3A_76] : memref<10240x128xf32, #tpu.memory_space<vmem_shared>> -> memref<10240x128xf32, #tpu.memory_space<vmem_shared>>
        tpu.wait_indirect_dma semaphore(%run_scoped3A : memref<!tpu.dma_semaphore, #tpu.memory_space<semaphore_mem>>) src(%arg11 : memref<128x128xf32, #tpu.memory_space<vmem>>) dst(%dma_wait3A_77 : memref<10240x128xf32, #tpu.memory_space<vmem_shared>>)
        tpu.yield
      }) : () -> ()
    }
    %scan3A_20 = arith.constant 20 : i32
    "tpu.region"() ({
      %run_scoped3A = tpu.sem_alloc : memref<!tpu.dma_semaphore, #tpu.memory_space<semaphore_mem>>
      %dma_start3A_35 = arith.constant 0 : i32
      %dma_start3A_36 = arith.constant 0 : i32
      %dma_start3A_37 = tpu.memref_slice %arg3[%add3A, %dma_start3A_35, %dma_start3A_36] : memref<32x80x128xi32, #tpu.memory_space<hbm>> -> memref<1x80x128xi32, #tpu.memory_space<hbm>>
      %dma_start3A_38 = tpu.memref_squeeze %dma_start3A_37 : memref<1x80x128xi32, #tpu.memory_space<hbm>> -> memref<80x128xi32, #tpu.memory_space<hbm>>
      %dma_start3A_39 = arith.constant 40 : i32
      %dma_start3A_40 = arith.constant 0 : i32
      %dma_start3A_41 = tpu.memref_slice %dma_start3A_38[%dma_start3A_39, %dma_start3A_40] : memref<80x128xi32, #tpu.memory_space<hbm>> -> memref<40x128xi32, #tpu.memory_space<hbm>>
      %dma_start3A_42 = arith.constant 0 : i32
      %dma_start3A_43 = arith.constant 0 : i32
      %dma_start3A_44 = tpu.memref_slice %arg3[%add3A, %dma_start3A_42, %dma_start3A_43] : memref<32x80x128xi32, #tpu.memory_space<hbm>> -> memref<1x80x128xi32, #tpu.memory_space<hbm>>
      %dma_start3A_45 = tpu.memref_squeeze %dma_start3A_44 : memref<1x80x128xi32, #tpu.memory_space<hbm>> -> memref<80x128xi32, #tpu.memory_space<hbm>>
      %dma_start3A_46 = arith.constant 40 : i32
      %dma_start3A_47 = arith.constant 0 : i32
      %dma_start3A_48 = tpu.memref_slice %dma_start3A_45[%dma_start3A_46, %dma_start3A_47] : memref<80x128xi32, #tpu.memory_space<hbm>> -> memref<40x128xi32, #tpu.memory_space<hbm>>
      tpu.enqueue_dma source(%dma_start3A_48 : memref<40x128xi32, #tpu.memory_space<hbm>>) target(%arg8 : memref<40x128xi32, #tpu.memory_space<vmem>>) target_semaphore(%run_scoped3A : memref<!tpu.dma_semaphore, #tpu.memory_space<semaphore_mem>>)
      %dma_wait3A_49 = arith.constant 0 : i32
      %dma_wait3A_50 = arith.constant 0 : i32
      %dma_wait3A_51 = tpu.memref_slice %arg3[%add3A, %dma_wait3A_49, %dma_wait3A_50] : memref<32x80x128xi32, #tpu.memory_space<hbm>> -> memref<1x80x128xi32, #tpu.memory_space<hbm>>
      %dma_wait3A_52 = tpu.memref_squeeze %dma_wait3A_51 : memref<1x80x128xi32, #tpu.memory_space<hbm>> -> memref<80x128xi32, #tpu.memory_space<hbm>>
      %dma_wait3A_53 = arith.constant 40 : i32
      %dma_wait3A_54 = arith.constant 0 : i32
      %dma_wait3A_55 = tpu.memref_slice %dma_wait3A_52[%dma_wait3A_53, %dma_wait3A_54] : memref<80x128xi32, #tpu.memory_space<hbm>> -> memref<40x128xi32, #tpu.memory_space<hbm>>
      %dma_wait3A_56 = arith.constant 0 : i32
      %dma_wait3A_57 = arith.constant 0 : i32
      %dma_wait3A_58 = tpu.memref_slice %arg3[%add3A, %dma_wait3A_56, %dma_wait3A_57] : memref<32x80x128xi32, #tpu.memory_space<hbm>> -> memref<1x80x128xi32, #tpu.memory_space<hbm>>
      %dma_wait3A_59 = tpu.memref_squeeze %dma_wait3A_58 : memref<1x80x128xi32, #tpu.memory_space<hbm>> -> memref<80x128xi32, #tpu.memory_space<hbm>>
      %dma_wait3A_60 = arith.constant 40 : i32
      %dma_wait3A_61 = arith.constant 0 : i32
      %dma_wait3A_62 = tpu.memref_slice %dma_wait3A_59[%dma_wait3A_60, %dma_wait3A_61] : memref<80x128xi32, #tpu.memory_space<hbm>> -> memref<40x128xi32, #tpu.memory_space<hbm>>
      tpu.wait_dma2 semaphore(%run_scoped3A : memref<!tpu.dma_semaphore, #tpu.memory_space<semaphore_mem>>) src(%dma_wait3A_62 : memref<40x128xi32, #tpu.memory_space<hbm>>) dst(%arg8 : memref<40x128xi32, #tpu.memory_space<vmem>>)
      tpu.yield
    }) : () -> ()
    "tpu.region"() ({
      %run_scoped3A = tpu.sem_alloc : memref<!tpu.dma_semaphore, #tpu.memory_space<semaphore_mem>>
      %dma_start3A_35 = arith.constant 0 : i32
      %dma_start3A_36 = arith.constant 0 : i32
      %dma_start3A_37 = tpu.memref_slice %arg4[%add3A, %dma_start3A_35, %dma_start3A_36] : memref<32x80x128xi32, #tpu.memory_space<hbm>> -> memref<1x80x128xi32, #tpu.memory_space<hbm>>
      %dma_start3A_38 = tpu.memref_squeeze %dma_start3A_37 : memref<1x80x128xi32, #tpu.memory_space<hbm>> -> memref<80x128xi32, #tpu.memory_space<hbm>>
      %dma_start3A_39 = arith.constant 40 : i32
      %dma_start3A_40 = arith.constant 0 : i32
      %dma_start3A_41 = tpu.memref_slice %dma_start3A_38[%dma_start3A_39, %dma_start3A_40] : memref<80x128xi32, #tpu.memory_space<hbm>> -> memref<40x128xi32, #tpu.memory_space<hbm>>
      %dma_start3A_42 = arith.constant 0 : i32
      %dma_start3A_43 = arith.constant 0 : i32
      %dma_start3A_44 = tpu.memref_slice %arg4[%add3A, %dma_start3A_42, %dma_start3A_43] : memref<32x80x128xi32, #tpu.memory_space<hbm>> -> memref<1x80x128xi32, #tpu.memory_space<hbm>>
      %dma_start3A_45 = tpu.memref_squeeze %dma_start3A_44 : memref<1x80x128xi32, #tpu.memory_space<hbm>> -> memref<80x128xi32, #tpu.memory_space<hbm>>
      %dma_start3A_46 = arith.constant 40 : i32
      %dma_start3A_47 = arith.constant 0 : i32
      %dma_start3A_48 = tpu.memref_slice %dma_start3A_45[%dma_start3A_46, %dma_start3A_47] : memref<80x128xi32, #tpu.memory_space<hbm>> -> memref<40x128xi32, #tpu.memory_space<hbm>>
      tpu.enqueue_dma source(%dma_start3A_48 : memref<40x128xi32, #tpu.memory_space<hbm>>) target(%arg9 : memref<40x128xi32, #tpu.memory_space<vmem>>) target_semaphore(%run_scoped3A : memref<!tpu.dma_semaphore, #tpu.memory_space<semaphore_mem>>)
      %dma_wait3A_49 = arith.constant 0 : i32
      %dma_wait3A_50 = arith.constant 0 : i32
      %dma_wait3A_51 = tpu.memref_slice %arg4[%add3A, %dma_wait3A_49, %dma_wait3A_50] : memref<32x80x128xi32, #tpu.memory_space<hbm>> -> memref<1x80x128xi32, #tpu.memory_space<hbm>>
      %dma_wait3A_52 = tpu.memref_squeeze %dma_wait3A_51 : memref<1x80x128xi32, #tpu.memory_space<hbm>> -> memref<80x128xi32, #tpu.memory_space<hbm>>
      %dma_wait3A_53 = arith.constant 40 : i32
      %dma_wait3A_54 = arith.constant 0 : i32
      %dma_wait3A_55 = tpu.memref_slice %dma_wait3A_52[%dma_wait3A_53, %dma_wait3A_54] : memref<80x128xi32, #tpu.memory_space<hbm>> -> memref<40x128xi32, #tpu.memory_space<hbm>>
      %dma_wait3A_56 = arith.constant 0 : i32
      %dma_wait3A_57 = arith.constant 0 : i32
      %dma_wait3A_58 = tpu.memref_slice %arg4[%add3A, %dma_wait3A_56, %dma_wait3A_57] : memref<32x80x128xi32, #tpu.memory_space<hbm>> -> memref<1x80x128xi32, #tpu.memory_space<hbm>>
      %dma_wait3A_59 = tpu.memref_squeeze %dma_wait3A_58 : memref<1x80x128xi32, #tpu.memory_space<hbm>> -> memref<80x128xi32, #tpu.memory_space<hbm>>
      %dma_wait3A_60 = arith.constant 40 : i32
      %dma_wait3A_61 = arith.constant 0 : i32
      %dma_wait3A_62 = tpu.memref_slice %dma_wait3A_59[%dma_wait3A_60, %dma_wait3A_61] : memref<80x128xi32, #tpu.memory_space<hbm>> -> memref<40x128xi32, #tpu.memory_space<hbm>>
      tpu.wait_dma2 semaphore(%run_scoped3A : memref<!tpu.dma_semaphore, #tpu.memory_space<semaphore_mem>>) src(%dma_wait3A_62 : memref<40x128xi32, #tpu.memory_space<hbm>>) dst(%arg9 : memref<40x128xi32, #tpu.memory_space<vmem>>)
      tpu.yield
    }) : () -> ()
    %dma_start3A_21 = arith.constant 0 : i32
    %dma_start3A_22 = arith.constant 0 : i32
    %dma_start3A_23 = tpu.memref_slice %arg8[%dma_start3A_21, %dma_start3A_22] : memref<40x128xi32, #tpu.memory_space<vmem>> -> memref<1x128xi32, #tpu.memory_space<vmem>>
    %dma_start3A_24 = tpu.memref_squeeze %dma_start3A_23 : memref<1x128xi32, #tpu.memory_space<vmem>> -> memref<128xi32, #tpu.memory_space<vmem>>
    %dma_start3A_25 = arith.constant 0 : i32
    %dma_start3A_26 = arith.constant 0 : i32
    %dma_start3A_27 = tpu.memref_slice %arg2[%dma_start3A_25, %dma_start3A_26] : memref<10240x128xf32, #tpu.memory_space<hbm>> -> memref<10240x128xf32, #tpu.memory_space<hbm>>
    tpu.enqueue_indirect_dma source(%dma_start3A_27 : memref<10240x128xf32, #tpu.memory_space<hbm>>) target(%arg10 : memref<128x128xf32, #tpu.memory_space<vmem>>) offsets(%dma_start3A_24 : memref<128xi32, #tpu.memory_space<vmem>>) semaphore(%arg12 : memref<!tpu.dma_semaphore, #tpu.memory_space<semaphore_mem>>)
    %scan3A_28 = arith.constant 0 : i32
    %scan3A_29 = arith.constant 0 : i32
    %scan3A_30 = arith.constant 20 : i32
    %scan3A_31 = arith.addi %scan3A_29, %scan3A_30 : i32
    %scan3A_32 = arith.constant 1 : i32
    scf.for %scan3A_35 = %scan3A_29 to %scan3A_31 step %scan3A_32  : i32 {
      %mul3A_36 = arith.constant 2 : i32
      %mul3A_37 = arith.muli %mul3A_36, %scan3A_35 : i32
      %add3A_38 = arith.constant 1 : i32
      %add3A_39 = arith.addi %mul3A_37, %add3A_38 : i32
      %dma_start3A_40 = arith.constant 0 : i32
      %dma_start3A_41 = tpu.memref_slice %arg8[%add3A_39, %dma_start3A_40] : memref<40x128xi32, #tpu.memory_space<vmem>> -> memref<1x128xi32, #tpu.memory_space<vmem>>
      %dma_start3A_42 = tpu.memref_squeeze %dma_start3A_41 : memref<1x128xi32, #tpu.memory_space<vmem>> -> memref<128xi32, #tpu.memory_space<vmem>>
      %dma_start3A_43 = arith.constant 0 : i32
      %dma_start3A_44 = arith.constant 0 : i32
      %dma_start3A_45 = tpu.memref_slice %arg2[%dma_start3A_43, %dma_start3A_44] : memref<10240x128xf32, #tpu.memory_space<hbm>> -> memref<10240x128xf32, #tpu.memory_space<hbm>>
      tpu.enqueue_indirect_dma source(%dma_start3A_45 : memref<10240x128xf32, #tpu.memory_space<hbm>>) target(%arg11 : memref<128x128xf32, #tpu.memory_space<vmem>>) offsets(%dma_start3A_42 : memref<128xi32, #tpu.memory_space<vmem>>) semaphore(%arg13 : memref<!tpu.dma_semaphore, #tpu.memory_space<semaphore_mem>>)
      %dma_wait3A_46 = arith.constant 0 : i32
      %dma_wait3A_47 = tpu.memref_slice %arg8[%mul3A_37, %dma_wait3A_46] : memref<40x128xi32, #tpu.memory_space<vmem>> -> memref<1x128xi32, #tpu.memory_space<vmem>>
      %dma_wait3A_48 = tpu.memref_squeeze %dma_wait3A_47 : memref<1x128xi32, #tpu.memory_space<vmem>> -> memref<128xi32, #tpu.memory_space<vmem>>
      %dma_wait3A_49 = arith.constant 0 : i32
      %dma_wait3A_50 = arith.constant 0 : i32
      %dma_wait3A_51 = tpu.memref_slice %arg2[%dma_wait3A_49, %dma_wait3A_50] : memref<10240x128xf32, #tpu.memory_space<hbm>> -> memref<10240x128xf32, #tpu.memory_space<hbm>>
      tpu.wait_indirect_dma semaphore(%arg12 : memref<!tpu.dma_semaphore, #tpu.memory_space<semaphore_mem>>) src(%dma_wait3A_51 : memref<10240x128xf32, #tpu.memory_space<hbm>>) dst(%arg10 : memref<128x128xf32, #tpu.memory_space<vmem>>)
      "tpu.region"() ({
        %run_scoped3A = tpu.sem_alloc : memref<!tpu.dma_semaphore, #tpu.memory_space<semaphore_mem>>
        %dma_start3A_66 = arith.constant 0 : i32
        %dma_start3A_67 = tpu.memref_slice %arg9[%mul3A_37, %dma_start3A_66] : memref<40x128xi32, #tpu.memory_space<vmem>> -> memref<1x128xi32, #tpu.memory_space<vmem>>
        %dma_start3A_68 = tpu.memref_squeeze %dma_start3A_67 : memref<1x128xi32, #tpu.memory_space<vmem>> -> memref<128xi32, #tpu.memory_space<vmem>>
        %dma_start3A_69 = arith.constant 0 : i32
        %dma_start3A_70 = arith.constant 0 : i32
        %dma_start3A_71 = tpu.memref_slice %arg7[%dma_start3A_69, %dma_start3A_70] : memref<10240x128xf32, #tpu.memory_space<vmem_shared>> -> memref<10240x128xf32, #tpu.memory_space<vmem_shared>>
        tpu.enqueue_indirect_dma source(%arg10 : memref<128x128xf32, #tpu.memory_space<vmem>>) target(%dma_start3A_71 : memref<10240x128xf32, #tpu.memory_space<vmem_shared>>) offsets(%dma_start3A_68 : memref<128xi32, #tpu.memory_space<vmem>>) semaphore(%run_scoped3A : memref<!tpu.dma_semaphore, #tpu.memory_space<semaphore_mem>>) {add = true}
        %dma_wait3A_72 = arith.constant 0 : i32
        %dma_wait3A_73 = tpu.memref_slice %arg9[%mul3A_37, %dma_wait3A_72] : memref<40x128xi32, #tpu.memory_space<vmem>> -> memref<1x128xi32, #tpu.memory_space<vmem>>
        %dma_wait3A_74 = tpu.memref_squeeze %dma_wait3A_73 : memref<1x128xi32, #tpu.memory_space<vmem>> -> memref<128xi32, #tpu.memory_space<vmem>>
        %dma_wait3A_75 = arith.constant 0 : i32
        %dma_wait3A_76 = arith.constant 0 : i32
        %dma_wait3A_77 = tpu.memref_slice %arg7[%dma_wait3A_75, %dma_wait3A_76] : memref<10240x128xf32, #tpu.memory_space<vmem_shared>> -> memref<10240x128xf32, #tpu.memory_space<vmem_shared>>
        tpu.wait_indirect_dma semaphore(%run_scoped3A : memref<!tpu.dma_semaphore, #tpu.memory_space<semaphore_mem>>) src(%arg10 : memref<128x128xf32, #tpu.memory_space<vmem>>) dst(%dma_wait3A_77 : memref<10240x128xf32, #tpu.memory_space<vmem_shared>>)
        tpu.yield
      }) : () -> ()
      %add3A_52 = arith.constant 1 : i32
      %add3A_53 = arith.addi %scan3A_35, %add3A_52 : i32
      %lt3A = arith.constant 20 : i32
      %lt3A_54 = arith.cmpi slt, %add3A_53, %lt3A : i32
      %convert_element_type3A = arith.extui %lt3A_54 : i1 to i32
      %cond3A = arith.constant 0 : i32
      %cond3A_55 = arith.cmpi ne, %convert_element_type3A, %cond3A : i32
      scf.if %cond3A_55 {
        %add3A_66 = arith.constant 2 : i32
        %add3A_67 = arith.addi %mul3A_37, %add3A_66 : i32
        %dma_start3A_68 = arith.constant 0 : i32
        %dma_start3A_69 = tpu.memref_slice %arg8[%add3A_67, %dma_start3A_68] : memref<40x128xi32, #tpu.memory_space<vmem>> -> memref<1x128xi32, #tpu.memory_space<vmem>>
        %dma_start3A_70 = tpu.memref_squeeze %dma_start3A_69 : memref<1x128xi32, #tpu.memory_space<vmem>> -> memref<128xi32, #tpu.memory_space<vmem>>
        %dma_start3A_71 = arith.constant 0 : i32
        %dma_start3A_72 = arith.constant 0 : i32
        %dma_start3A_73 = tpu.memref_slice %arg2[%dma_start3A_71, %dma_start3A_72] : memref<10240x128xf32, #tpu.memory_space<hbm>> -> memref<10240x128xf32, #tpu.memory_space<hbm>>
        tpu.enqueue_indirect_dma source(%dma_start3A_73 : memref<10240x128xf32, #tpu.memory_space<hbm>>) target(%arg10 : memref<128x128xf32, #tpu.memory_space<vmem>>) offsets(%dma_start3A_70 : memref<128xi32, #tpu.memory_space<vmem>>) semaphore(%arg12 : memref<!tpu.dma_semaphore, #tpu.memory_space<semaphore_mem>>)
      } else {
      }
      %add3A_56 = arith.constant 1 : i32
      %add3A_57 = arith.addi %mul3A_37, %add3A_56 : i32
      %dma_wait3A_58 = arith.constant 0 : i32
      %dma_wait3A_59 = tpu.memref_slice %arg8[%add3A_57, %dma_wait3A_58] : memref<40x128xi32, #tpu.memory_space<vmem>> -> memref<1x128xi32, #tpu.memory_space<vmem>>
      %dma_wait3A_60 = tpu.memref_squeeze %dma_wait3A_59 : memref<1x128xi32, #tpu.memory_space<vmem>> -> memref<128xi32, #tpu.memory_space<vmem>>
      %dma_wait3A_61 = arith.constant 0 : i32
      %dma_wait3A_62 = arith.constant 0 : i32
      %dma_wait3A_63 = tpu.memref_slice %arg2[%dma_wait3A_61, %dma_wait3A_62] : memref<10240x128xf32, #tpu.memory_space<hbm>> -> memref<10240x128xf32, #tpu.memory_space<hbm>>
      tpu.wait_indirect_dma semaphore(%arg13 : memref<!tpu.dma_semaphore, #tpu.memory_space<semaphore_mem>>) src(%dma_wait3A_63 : memref<10240x128xf32, #tpu.memory_space<hbm>>) dst(%arg11 : memref<128x128xf32, #tpu.memory_space<vmem>>)
      %add3A_64 = arith.constant 1 : i32
      %add3A_65 = arith.addi %mul3A_37, %add3A_64 : i32
      "tpu.region"() ({
        %run_scoped3A = tpu.sem_alloc : memref<!tpu.dma_semaphore, #tpu.memory_space<semaphore_mem>>
        %dma_start3A_66 = arith.constant 0 : i32
        %dma_start3A_67 = tpu.memref_slice %arg9[%add3A_65, %dma_start3A_66] : memref<40x128xi32, #tpu.memory_space<vmem>> -> memref<1x128xi32, #tpu.memory_space<vmem>>
        %dma_start3A_68 = tpu.memref_squeeze %dma_start3A_67 : memref<1x128xi32, #tpu.memory_space<vmem>> -> memref<128xi32, #tpu.memory_space<vmem>>
        %dma_start3A_69 = arith.constant 0 : i32
        %dma_start3A_70 = arith.constant 0 : i32
        %dma_start3A_71 = tpu.memref_slice %arg7[%dma_start3A_69, %dma_start3A_70] : memref<10240x128xf32, #tpu.memory_space<vmem_shared>> -> memref<10240x128xf32, #tpu.memory_space<vmem_shared>>
        tpu.enqueue_indirect_dma source(%arg11 : memref<128x128xf32, #tpu.memory_space<vmem>>) target(%dma_start3A_71 : memref<10240x128xf32, #tpu.memory_space<vmem_shared>>) offsets(%dma_start3A_68 : memref<128xi32, #tpu.memory_space<vmem>>) semaphore(%run_scoped3A : memref<!tpu.dma_semaphore, #tpu.memory_space<semaphore_mem>>) {add = true}
        %dma_wait3A_72 = arith.constant 0 : i32
        %dma_wait3A_73 = tpu.memref_slice %arg9[%add3A_65, %dma_wait3A_72] : memref<40x128xi32, #tpu.memory_space<vmem>> -> memref<1x128xi32, #tpu.memory_space<vmem>>
        %dma_wait3A_74 = tpu.memref_squeeze %dma_wait3A_73 : memref<1x128xi32, #tpu.memory_space<vmem>> -> memref<128xi32, #tpu.memory_space<vmem>>
        %dma_wait3A_75 = arith.constant 0 : i32
        %dma_wait3A_76 = arith.constant 0 : i32
        %dma_wait3A_77 = tpu.memref_slice %arg7[%dma_wait3A_75, %dma_wait3A_76] : memref<10240x128xf32, #tpu.memory_space<vmem_shared>> -> memref<10240x128xf32, #tpu.memory_space<vmem_shared>>
        tpu.wait_indirect_dma semaphore(%run_scoped3A : memref<!tpu.dma_semaphore, #tpu.memory_space<semaphore_mem>>) src(%arg11 : memref<128x128xf32, #tpu.memory_space<vmem>>) dst(%dma_wait3A_77 : memref<10240x128xf32, #tpu.memory_space<vmem_shared>>)
        tpu.yield
      }) : () -> ()
    }
    %scan3A_33 = arith.constant 20 : i32
    %barrier3A_34 = arith.constant 0 : index
    tpu.barrier barrier_id(%barrier3A_34)
    "tpu.region"() ({
      %run_scoped3A = tpu.sem_alloc : memref<!tpu.dma_semaphore, #tpu.memory_space<semaphore_mem>>
      %dma_start3A_35 = arith.constant 0 : i32
      %dma_start3A_36 = arith.constant 0 : i32
      %dma_start3A_37 = tpu.memref_slice %arg6[%arg0, %dma_start3A_35, %dma_start3A_36] : memref<2x10240x128xf32, #tpu.memory_space<hbm>> -> memref<1x10240x128xf32, #tpu.memory_space<hbm>>
      %dma_start3A_38 = tpu.memref_squeeze %dma_start3A_37 : memref<1x10240x128xf32, #tpu.memory_space<hbm>> -> memref<10240x128xf32, #tpu.memory_space<hbm>>
      %dma_start3A_39 = arith.constant 0 : i32
      %dma_start3A_40 = tpu.memref_slice %dma_start3A_38[%mul3A_2, %dma_start3A_39] : memref<10240x128xf32, #tpu.memory_space<hbm>> -> memref<640x128xf32, #tpu.memory_space<hbm>>
      %dma_start3A_41 = arith.constant 0 : i32
      %dma_start3A_42 = tpu.memref_slice %arg7[%mul3A_2, %dma_start3A_41] : memref<10240x128xf32, #tpu.memory_space<vmem_shared>> -> memref<640x128xf32, #tpu.memory_space<vmem_shared>>
      tpu.enqueue_dma source(%dma_start3A_42 : memref<640x128xf32, #tpu.memory_space<vmem_shared>>) target(%dma_start3A_40 : memref<640x128xf32, #tpu.memory_space<hbm>>) target_semaphore(%run_scoped3A : memref<!tpu.dma_semaphore, #tpu.memory_space<semaphore_mem>>)
      %dma_wait3A_43 = arith.constant 0 : i32
      %dma_wait3A_44 = arith.constant 0 : i32
      %dma_wait3A_45 = tpu.memref_slice %arg6[%arg0, %dma_wait3A_43, %dma_wait3A_44] : memref<2x10240x128xf32, #tpu.memory_space<hbm>> -> memref<1x10240x128xf32, #tpu.memory_space<hbm>>
      %dma_wait3A_46 = tpu.memref_squeeze %dma_wait3A_45 : memref<1x10240x128xf32, #tpu.memory_space<hbm>> -> memref<10240x128xf32, #tpu.memory_space<hbm>>
      %dma_wait3A_47 = arith.constant 0 : i32
      %dma_wait3A_48 = tpu.memref_slice %dma_wait3A_46[%mul3A_2, %dma_wait3A_47] : memref<10240x128xf32, #tpu.memory_space<hbm>> -> memref<640x128xf32, #tpu.memory_space<hbm>>
      %dma_wait3A_49 = arith.constant 0 : i32
      %dma_wait3A_50 = tpu.memref_slice %arg7[%mul3A_2, %dma_wait3A_49] : memref<10240x128xf32, #tpu.memory_space<vmem_shared>> -> memref<640x128xf32, #tpu.memory_space<vmem_shared>>
      tpu.wait_dma2 semaphore(%run_scoped3A : memref<!tpu.dma_semaphore, #tpu.memory_space<semaphore_mem>>) src(%dma_wait3A_50 : memref<640x128xf32, #tpu.memory_space<vmem_shared>>) dst(%dma_wait3A_48 : memref<640x128xf32, #tpu.memory_space<hbm>>)
      tpu.yield
    }) : () -> ()
    return
  }
}

#map = affine_map<(d0, d1) -> (0, 0, 0)>
#map1 = affine_map<(d0, d1) -> (0)>
#map2 = affine_map<(d0, d1) -> (0, 0)>
module attributes {stable_mosaic.version = 14 : i64} {
  func.func @_deg_body(%arg0: i32, %arg1: i32, %arg2: memref<32x80x128xi32, #tpu.memory_space<hbm>>, %arg3: memref<10240xf32, #tpu.memory_space<hbm>>, %arg4: memref<2x10240xf32, #tpu.memory_space<hbm>>, %arg5: memref<10240xf32, #tpu.memory_space<vmem_shared>>, %arg6: memref<80x128xi32, #tpu.memory_space<vmem>>, %arg7: memref<128xf32, #tpu.memory_space<vmem>>) attributes {dimension_semantics = [#tpu.dimension_semantics<core_parallel>, #tpu.dimension_semantics<subcore_parallel>], iteration_bounds = array<i64: 2, 16>, scalar_prefetch = 0 : i64, scratch_operands = 3 : i64, tpu.core_type = #tpu.core_type<sc_vector_subcore>, window_params = [{transform_indices = #map}, {transform_indices = #map1}, {transform_indices = #map2}]} {
    %mul3A = arith.constant 2 : i32
    %mul3A_0 = arith.muli %arg1, %mul3A : i32
    %add3A = arith.addi %mul3A_0, %arg0 : i32
    %mul3A_1 = arith.constant 640 : i32
    %mul3A_2 = arith.muli %arg1, %mul3A_1 : i32
    "tpu.region"() ({
      %run_scoped3A = tpu.sem_alloc : memref<!tpu.dma_semaphore, #tpu.memory_space<semaphore_mem>>
      %dma_start3A = tpu.memref_slice %arg5[%mul3A_2] : memref<10240xf32, #tpu.memory_space<vmem_shared>> -> memref<640xf32, #tpu.memory_space<vmem_shared>>
      %dma_start3A_55 = tpu.memref_slice %arg3[%mul3A_2] : memref<10240xf32, #tpu.memory_space<hbm>> -> memref<640xf32, #tpu.memory_space<hbm>>
      tpu.enqueue_dma source(%dma_start3A_55 : memref<640xf32, #tpu.memory_space<hbm>>) target(%dma_start3A : memref<640xf32, #tpu.memory_space<vmem_shared>>) target_semaphore(%run_scoped3A : memref<!tpu.dma_semaphore, #tpu.memory_space<semaphore_mem>>)
      %dma_wait3A = tpu.memref_slice %arg5[%mul3A_2] : memref<10240xf32, #tpu.memory_space<vmem_shared>> -> memref<640xf32, #tpu.memory_space<vmem_shared>>
      %dma_wait3A_56 = tpu.memref_slice %arg3[%mul3A_2] : memref<10240xf32, #tpu.memory_space<hbm>> -> memref<640xf32, #tpu.memory_space<hbm>>
      tpu.wait_dma2 semaphore(%run_scoped3A : memref<!tpu.dma_semaphore, #tpu.memory_space<semaphore_mem>>) src(%dma_wait3A_56 : memref<640xf32, #tpu.memory_space<hbm>>) dst(%dma_wait3A : memref<640xf32, #tpu.memory_space<vmem_shared>>)
      tpu.yield
    }) : () -> ()
    %broadcast_in_dim3A = arith.constant 1.000000e+00 : f32
    %broadcast_in_dim3A_3 = vector.broadcast %broadcast_in_dim3A : f32 to vector<16xf32>
    %swap3A = arith.constant 0 : index
    %swap3A_4 = tpu.vector_load %arg7[%swap3A] {strides = array<i32>} : memref<128xf32, #tpu.memory_space<vmem>>, vector<16xf32>,
    %swap3A_5 = vector.shape_cast %swap3A_4 : vector<16xf32> to vector<16xf32>
    %swap3A_6 = vector.shape_cast %broadcast_in_dim3A_3 : vector<16xf32> to vector<16xf32>
    tpu.vector_store %arg7[%swap3A], %swap3A_6 {strides = array<i32>} : memref<128xf32, #tpu.memory_space<vmem>>, vector<16xf32>,
    %broadcast_in_dim3A_7 = arith.constant 1.000000e+00 : f32
    %broadcast_in_dim3A_8 = vector.broadcast %broadcast_in_dim3A_7 : f32 to vector<16xf32>
    %swap3A_9 = arith.constant 16 : index
    %swap3A_10 = tpu.vector_load %arg7[%swap3A_9] {strides = array<i32>} : memref<128xf32, #tpu.memory_space<vmem>>, vector<16xf32>,
    %swap3A_11 = vector.shape_cast %swap3A_10 : vector<16xf32> to vector<16xf32>
    %swap3A_12 = vector.shape_cast %broadcast_in_dim3A_8 : vector<16xf32> to vector<16xf32>
    tpu.vector_store %arg7[%swap3A_9], %swap3A_12 {strides = array<i32>} : memref<128xf32, #tpu.memory_space<vmem>>, vector<16xf32>,
    %broadcast_in_dim3A_13 = arith.constant 1.000000e+00 : f32
    %broadcast_in_dim3A_14 = vector.broadcast %broadcast_in_dim3A_13 : f32 to vector<16xf32>
    %swap3A_15 = arith.constant 32 : index
    %swap3A_16 = tpu.vector_load %arg7[%swap3A_15] {strides = array<i32>} : memref<128xf32, #tpu.memory_space<vmem>>, vector<16xf32>,
    %swap3A_17 = vector.shape_cast %swap3A_16 : vector<16xf32> to vector<16xf32>
    %swap3A_18 = vector.shape_cast %broadcast_in_dim3A_14 : vector<16xf32> to vector<16xf32>
    tpu.vector_store %arg7[%swap3A_15], %swap3A_18 {strides = array<i32>} : memref<128xf32, #tpu.memory_space<vmem>>, vector<16xf32>,
    %broadcast_in_dim3A_19 = arith.constant 1.000000e+00 : f32
    %broadcast_in_dim3A_20 = vector.broadcast %broadcast_in_dim3A_19 : f32 to vector<16xf32>
    %swap3A_21 = arith.constant 48 : index
    %swap3A_22 = tpu.vector_load %arg7[%swap3A_21] {strides = array<i32>} : memref<128xf32, #tpu.memory_space<vmem>>, vector<16xf32>,
    %swap3A_23 = vector.shape_cast %swap3A_22 : vector<16xf32> to vector<16xf32>
    %swap3A_24 = vector.shape_cast %broadcast_in_dim3A_20 : vector<16xf32> to vector<16xf32>
    tpu.vector_store %arg7[%swap3A_21], %swap3A_24 {strides = array<i32>} : memref<128xf32, #tpu.memory_space<vmem>>, vector<16xf32>,
    %broadcast_in_dim3A_25 = arith.constant 1.000000e+00 : f32
    %broadcast_in_dim3A_26 = vector.broadcast %broadcast_in_dim3A_25 : f32 to vector<16xf32>
    %swap3A_27 = arith.constant 64 : index
    %swap3A_28 = tpu.vector_load %arg7[%swap3A_27] {strides = array<i32>} : memref<128xf32, #tpu.memory_space<vmem>>, vector<16xf32>,
    %swap3A_29 = vector.shape_cast %swap3A_28 : vector<16xf32> to vector<16xf32>
    %swap3A_30 = vector.shape_cast %broadcast_in_dim3A_26 : vector<16xf32> to vector<16xf32>
    tpu.vector_store %arg7[%swap3A_27], %swap3A_30 {strides = array<i32>} : memref<128xf32, #tpu.memory_space<vmem>>, vector<16xf32>,
    %broadcast_in_dim3A_31 = arith.constant 1.000000e+00 : f32
    %broadcast_in_dim3A_32 = vector.broadcast %broadcast_in_dim3A_31 : f32 to vector<16xf32>
    %swap3A_33 = arith.constant 80 : index
    %swap3A_34 = tpu.vector_load %arg7[%swap3A_33] {strides = array<i32>} : memref<128xf32, #tpu.memory_space<vmem>>, vector<16xf32>,
    %swap3A_35 = vector.shape_cast %swap3A_34 : vector<16xf32> to vector<16xf32>
    %swap3A_36 = vector.shape_cast %broadcast_in_dim3A_32 : vector<16xf32> to vector<16xf32>
    tpu.vector_store %arg7[%swap3A_33], %swap3A_36 {strides = array<i32>} : memref<128xf32, #tpu.memory_space<vmem>>, vector<16xf32>,
    %broadcast_in_dim3A_37 = arith.constant 1.000000e+00 : f32
    %broadcast_in_dim3A_38 = vector.broadcast %broadcast_in_dim3A_37 : f32 to vector<16xf32>
    %swap3A_39 = arith.constant 96 : index
    %swap3A_40 = tpu.vector_load %arg7[%swap3A_39] {strides = array<i32>} : memref<128xf32, #tpu.memory_space<vmem>>, vector<16xf32>,
    %swap3A_41 = vector.shape_cast %swap3A_40 : vector<16xf32> to vector<16xf32>
    %swap3A_42 = vector.shape_cast %broadcast_in_dim3A_38 : vector<16xf32> to vector<16xf32>
    tpu.vector_store %arg7[%swap3A_39], %swap3A_42 {strides = array<i32>} : memref<128xf32, #tpu.memory_space<vmem>>, vector<16xf32>,
    %broadcast_in_dim3A_43 = arith.constant 1.000000e+00 : f32
    %broadcast_in_dim3A_44 = vector.broadcast %broadcast_in_dim3A_43 : f32 to vector<16xf32>
    %swap3A_45 = arith.constant 112 : index
    %swap3A_46 = tpu.vector_load %arg7[%swap3A_45] {strides = array<i32>} : memref<128xf32, #tpu.memory_space<vmem>>, vector<16xf32>,
    %swap3A_47 = vector.shape_cast %swap3A_46 : vector<16xf32> to vector<16xf32>
    %swap3A_48 = vector.shape_cast %broadcast_in_dim3A_44 : vector<16xf32> to vector<16xf32>
    tpu.vector_store %arg7[%swap3A_45], %swap3A_48 {strides = array<i32>} : memref<128xf32, #tpu.memory_space<vmem>>, vector<16xf32>,
    "tpu.region"() ({
      %run_scoped3A = tpu.sem_alloc : memref<!tpu.dma_semaphore, #tpu.memory_space<semaphore_mem>>
      %dma_start3A = arith.constant 0 : i32
      %dma_start3A_55 = arith.constant 0 : i32
      %dma_start3A_56 = tpu.memref_slice %arg2[%add3A, %dma_start3A, %dma_start3A_55] : memref<32x80x128xi32, #tpu.memory_space<hbm>> -> memref<1x80x128xi32, #tpu.memory_space<hbm>>
      %dma_start3A_57 = tpu.memref_squeeze %dma_start3A_56 : memref<1x80x128xi32, #tpu.memory_space<hbm>> -> memref<80x128xi32, #tpu.memory_space<hbm>>
      %dma_start3A_58 = arith.constant 0 : i32
      %dma_start3A_59 = arith.constant 0 : i32
      %dma_start3A_60 = tpu.memref_slice %arg2[%add3A, %dma_start3A_58, %dma_start3A_59] : memref<32x80x128xi32, #tpu.memory_space<hbm>> -> memref<1x80x128xi32, #tpu.memory_space<hbm>>
      %dma_start3A_61 = tpu.memref_squeeze %dma_start3A_60 : memref<1x80x128xi32, #tpu.memory_space<hbm>> -> memref<80x128xi32, #tpu.memory_space<hbm>>
      tpu.enqueue_dma source(%dma_start3A_61 : memref<80x128xi32, #tpu.memory_space<hbm>>) target(%arg6 : memref<80x128xi32, #tpu.memory_space<vmem>>) target_semaphore(%run_scoped3A : memref<!tpu.dma_semaphore, #tpu.memory_space<semaphore_mem>>)
      %dma_wait3A = arith.constant 0 : i32
      %dma_wait3A_62 = arith.constant 0 : i32
      %dma_wait3A_63 = tpu.memref_slice %arg2[%add3A, %dma_wait3A, %dma_wait3A_62] : memref<32x80x128xi32, #tpu.memory_space<hbm>> -> memref<1x80x128xi32, #tpu.memory_space<hbm>>
      %dma_wait3A_64 = tpu.memref_squeeze %dma_wait3A_63 : memref<1x80x128xi32, #tpu.memory_space<hbm>> -> memref<80x128xi32, #tpu.memory_space<hbm>>
      %dma_wait3A_65 = arith.constant 0 : i32
      %dma_wait3A_66 = arith.constant 0 : i32
      %dma_wait3A_67 = tpu.memref_slice %arg2[%add3A, %dma_wait3A_65, %dma_wait3A_66] : memref<32x80x128xi32, #tpu.memory_space<hbm>> -> memref<1x80x128xi32, #tpu.memory_space<hbm>>
      %dma_wait3A_68 = tpu.memref_squeeze %dma_wait3A_67 : memref<1x80x128xi32, #tpu.memory_space<hbm>> -> memref<80x128xi32, #tpu.memory_space<hbm>>
      tpu.wait_dma2 semaphore(%run_scoped3A : memref<!tpu.dma_semaphore, #tpu.memory_space<semaphore_mem>>) src(%dma_wait3A_68 : memref<80x128xi32, #tpu.memory_space<hbm>>) dst(%arg6 : memref<80x128xi32, #tpu.memory_space<vmem>>)
      tpu.yield
    }) : () -> ()
    %barrier3A = arith.constant 0 : index
    tpu.barrier barrier_id(%barrier3A)
    %scan3A = arith.constant 0 : i32
    %scan3A_49 = arith.constant 0 : i32
    %scan3A_50 = arith.constant 80 : i32
    %scan3A_51 = arith.addi %scan3A_49, %scan3A_50 : i32
    %scan3A_52 = arith.constant 1 : i32
    scf.for %scan3A_55 = %scan3A_49 to %scan3A_51 step %scan3A_52  : i32 {
      "tpu.region"() ({
        %run_scoped3A = tpu.sem_alloc : memref<!tpu.dma_semaphore, #tpu.memory_space<semaphore_mem>>
        %dma_start3A = arith.constant 0 : i32
        %dma_start3A_56 = tpu.memref_slice %arg6[%scan3A_55, %dma_start3A] : memref<80x128xi32, #tpu.memory_space<vmem>> -> memref<1x128xi32, #tpu.memory_space<vmem>>
        %dma_start3A_57 = tpu.memref_squeeze %dma_start3A_56 : memref<1x128xi32, #tpu.memory_space<vmem>> -> memref<128xi32, #tpu.memory_space<vmem>>
        %dma_start3A_58 = arith.constant 0 : i32
        %dma_start3A_59 = tpu.memref_slice %arg5[%dma_start3A_58] : memref<10240xf32, #tpu.memory_space<vmem_shared>> -> memref<10240xf32, #tpu.memory_space<vmem_shared>>
        tpu.enqueue_indirect_dma source(%arg7 : memref<128xf32, #tpu.memory_space<vmem>>) target(%dma_start3A_59 : memref<10240xf32, #tpu.memory_space<vmem_shared>>) offsets(%dma_start3A_57 : memref<128xi32, #tpu.memory_space<vmem>>) semaphore(%run_scoped3A : memref<!tpu.dma_semaphore, #tpu.memory_space<semaphore_mem>>) {add = true}
        %dma_wait3A = arith.constant 0 : i32
        %dma_wait3A_60 = tpu.memref_slice %arg6[%scan3A_55, %dma_wait3A] : memref<80x128xi32, #tpu.memory_space<vmem>> -> memref<1x128xi32, #tpu.memory_space<vmem>>
        %dma_wait3A_61 = tpu.memref_squeeze %dma_wait3A_60 : memref<1x128xi32, #tpu.memory_space<vmem>> -> memref<128xi32, #tpu.memory_space<vmem>>
        %dma_wait3A_62 = arith.constant 0 : i32
        %dma_wait3A_63 = tpu.memref_slice %arg5[%dma_wait3A_62] : memref<10240xf32, #tpu.memory_space<vmem_shared>> -> memref<10240xf32, #tpu.memory_space<vmem_shared>>
        tpu.wait_indirect_dma semaphore(%run_scoped3A : memref<!tpu.dma_semaphore, #tpu.memory_space<semaphore_mem>>) src(%arg7 : memref<128xf32, #tpu.memory_space<vmem>>) dst(%dma_wait3A_63 : memref<10240xf32, #tpu.memory_space<vmem_shared>>)
        tpu.yield
      }) : () -> ()
    }
    %scan3A_53 = arith.constant 80 : i32
    %barrier3A_54 = arith.constant 0 : index
    tpu.barrier barrier_id(%barrier3A_54)
    "tpu.region"() ({
      %run_scoped3A = tpu.sem_alloc : memref<!tpu.dma_semaphore, #tpu.memory_space<semaphore_mem>>
      %dma_start3A = arith.constant 0 : i32
      %dma_start3A_55 = tpu.memref_slice %arg4[%arg0, %dma_start3A] : memref<2x10240xf32, #tpu.memory_space<hbm>> -> memref<1x10240xf32, #tpu.memory_space<hbm>>
      %dma_start3A_56 = tpu.memref_squeeze %dma_start3A_55 : memref<1x10240xf32, #tpu.memory_space<hbm>> -> memref<10240xf32, #tpu.memory_space<hbm>>
      %dma_start3A_57 = tpu.memref_slice %dma_start3A_56[%mul3A_2] : memref<10240xf32, #tpu.memory_space<hbm>> -> memref<640xf32, #tpu.memory_space<hbm>>
      %dma_start3A_58 = tpu.memref_slice %arg5[%mul3A_2] : memref<10240xf32, #tpu.memory_space<vmem_shared>> -> memref<640xf32, #tpu.memory_space<vmem_shared>>
      tpu.enqueue_dma source(%dma_start3A_58 : memref<640xf32, #tpu.memory_space<vmem_shared>>) target(%dma_start3A_57 : memref<640xf32, #tpu.memory_space<hbm>>) target_semaphore(%run_scoped3A : memref<!tpu.dma_semaphore, #tpu.memory_space<semaphore_mem>>)
      %dma_wait3A = arith.constant 0 : i32
      %dma_wait3A_59 = tpu.memref_slice %arg4[%arg0, %dma_wait3A] : memref<2x10240xf32, #tpu.memory_space<hbm>> -> memref<1x10240xf32, #tpu.memory_space<hbm>>
      %dma_wait3A_60 = tpu.memref_squeeze %dma_wait3A_59 : memref<1x10240xf32, #tpu.memory_space<hbm>> -> memref<10240xf32, #tpu.memory_space<hbm>>
      %dma_wait3A_61 = tpu.memref_slice %dma_wait3A_60[%mul3A_2] : memref<10240xf32, #tpu.memory_space<hbm>> -> memref<640xf32, #tpu.memory_space<hbm>>
      %dma_wait3A_62 = tpu.memref_slice %arg5[%mul3A_2] : memref<10240xf32, #tpu.memory_space<vmem_shared>> -> memref<640xf32, #tpu.memory_space<vmem_shared>>
      tpu.wait_dma2 semaphore(%run_scoped3A : memref<!tpu.dma_semaphore, #tpu.memory_space<semaphore_mem>>) src(%dma_wait3A_62 : memref<640xf32, #tpu.memory_space<vmem_shared>>) dst(%dma_wait3A_61 : memref<640xf32, #tpu.memory_space<hbm>>)
      tpu.yield
    }) : () -> ()
    return
  }
}

#map = affine_map<(d0, d1) -> (0, 0)>
#map1 = affine_map<(d0, d1) -> (0, 0, 0)>
module attributes {stable_mosaic.version = 14 : i64} {
  func.func @_agg_body(%arg0: i32, %arg1: i32, %arg2: memref<10240x128xf32, #tpu.memory_space<hbm>>, %arg3: memref<32x80x128xi32, #tpu.memory_space<hbm>>, %arg4: memref<32x80x128xi32, #tpu.memory_space<hbm>>, %arg5: memref<10240x128xf32, #tpu.memory_space<hbm>>, %arg6: memref<2x10240x128xf32, #tpu.memory_space<hbm>>, %arg7: memref<10240x128xf32, #tpu.memory_space<vmem_shared>>, %arg8: memref<40x128xi32, #tpu.memory_space<vmem>>, %arg9: memref<40x128xi32, #tpu.memory_space<vmem>>, %arg10: memref<128x128xf32, #tpu.memory_space<vmem>>, %arg11: memref<128x128xf32, #tpu.memory_space<vmem>>, %arg12: memref<!tpu.dma_semaphore, #tpu.memory_space<semaphore_mem>>, %arg13: memref<!tpu.dma_semaphore, #tpu.memory_space<semaphore_mem>>, %arg14: memref<!tpu.dma_semaphore, #tpu.memory_space<semaphore_mem>>) attributes {dimension_semantics = [#tpu.dimension_semantics<core_parallel>, #tpu.dimension_semantics<subcore_parallel>], iteration_bounds = array<i64: 2, 16>, scalar_prefetch = 0 : i64, scratch_operands = 8 : i64, tpu.core_type = #tpu.core_type<sc_vector_subcore>, window_params = [{transform_indices = #map}, {transform_indices = #map1}, {transform_indices = #map1}, {transform_indices = #map}, {transform_indices = #map1}]} {
    %mul3A = arith.constant 2 : i32
    %mul3A_0 = arith.muli %arg1, %mul3A : i32
    %add3A = arith.addi %mul3A_0, %arg0 : i32
    %mul3A_1 = arith.constant 640 : i32
    %mul3A_2 = arith.muli %arg1, %mul3A_1 : i32
    %dma_start3A = arith.constant 0 : i32
    %dma_start3A_3 = tpu.memref_slice %arg7[%mul3A_2, %dma_start3A] : memref<10240x128xf32, #tpu.memory_space<vmem_shared>> -> memref<640x128xf32, #tpu.memory_space<vmem_shared>>
    %dma_start3A_4 = arith.constant 0 : i32
    %dma_start3A_5 = tpu.memref_slice %arg5[%mul3A_2, %dma_start3A_4] : memref<10240x128xf32, #tpu.memory_space<hbm>> -> memref<640x128xf32, #tpu.memory_space<hbm>>
    tpu.enqueue_dma source(%dma_start3A_5 : memref<640x128xf32, #tpu.memory_space<hbm>>) target(%dma_start3A_3 : memref<640x128xf32, #tpu.memory_space<vmem_shared>>) target_semaphore(%arg14 : memref<!tpu.dma_semaphore, #tpu.memory_space<semaphore_mem>>)
    "tpu.region"() ({
      %run_scoped3A = tpu.sem_alloc : memref<!tpu.dma_semaphore, #tpu.memory_space<semaphore_mem>>
      %dma_start3A_35 = arith.constant 0 : i32
      %dma_start3A_36 = arith.constant 0 : i32
      %dma_start3A_37 = tpu.memref_slice %arg3[%add3A, %dma_start3A_35, %dma_start3A_36] : memref<32x80x128xi32, #tpu.memory_space<hbm>> -> memref<1x80x128xi32, #tpu.memory_space<hbm>>
      %dma_start3A_38 = tpu.memref_squeeze %dma_start3A_37 : memref<1x80x128xi32, #tpu.memory_space<hbm>> -> memref<80x128xi32, #tpu.memory_space<hbm>>
      %dma_start3A_39 = arith.constant 0 : i32
      %dma_start3A_40 = arith.constant 0 : i32
      %dma_start3A_41 = tpu.memref_slice %dma_start3A_38[%dma_start3A_39, %dma_start3A_40] : memref<80x128xi32, #tpu.memory_space<hbm>> -> memref<40x128xi32, #tpu.memory_space<hbm>>
      %dma_start3A_42 = arith.constant 0 : i32
      %dma_start3A_43 = arith.constant 0 : i32
      %dma_start3A_44 = tpu.memref_slice %arg3[%add3A, %dma_start3A_42, %dma_start3A_43] : memref<32x80x128xi32, #tpu.memory_space<hbm>> -> memref<1x80x128xi32, #tpu.memory_space<hbm>>
      %dma_start3A_45 = tpu.memref_squeeze %dma_start3A_44 : memref<1x80x128xi32, #tpu.memory_space<hbm>> -> memref<80x128xi32, #tpu.memory_space<hbm>>
      %dma_start3A_46 = arith.constant 0 : i32
      %dma_start3A_47 = arith.constant 0 : i32
      %dma_start3A_48 = tpu.memref_slice %dma_start3A_45[%dma_start3A_46, %dma_start3A_47] : memref<80x128xi32, #tpu.memory_space<hbm>> -> memref<40x128xi32, #tpu.memory_space<hbm>>
      tpu.enqueue_dma source(%dma_start3A_48 : memref<40x128xi32, #tpu.memory_space<hbm>>) target(%arg8 : memref<40x128xi32, #tpu.memory_space<vmem>>) target_semaphore(%run_scoped3A : memref<!tpu.dma_semaphore, #tpu.memory_space<semaphore_mem>>)
      %dma_wait3A_49 = arith.constant 0 : i32
      %dma_wait3A_50 = arith.constant 0 : i32
      %dma_wait3A_51 = tpu.memref_slice %arg3[%add3A, %dma_wait3A_49, %dma_wait3A_50] : memref<32x80x128xi32, #tpu.memory_space<hbm>> -> memref<1x80x128xi32, #tpu.memory_space<hbm>>
      %dma_wait3A_52 = tpu.memref_squeeze %dma_wait3A_51 : memref<1x80x128xi32, #tpu.memory_space<hbm>> -> memref<80x128xi32, #tpu.memory_space<hbm>>
      %dma_wait3A_53 = arith.constant 0 : i32
      %dma_wait3A_54 = arith.constant 0 : i32
      %dma_wait3A_55 = tpu.memref_slice %dma_wait3A_52[%dma_wait3A_53, %dma_wait3A_54] : memref<80x128xi32, #tpu.memory_space<hbm>> -> memref<40x128xi32, #tpu.memory_space<hbm>>
      %dma_wait3A_56 = arith.constant 0 : i32
      %dma_wait3A_57 = arith.constant 0 : i32
      %dma_wait3A_58 = tpu.memref_slice %arg3[%add3A, %dma_wait3A_56, %dma_wait3A_57] : memref<32x80x128xi32, #tpu.memory_space<hbm>> -> memref<1x80x128xi32, #tpu.memory_space<hbm>>
      %dma_wait3A_59 = tpu.memref_squeeze %dma_wait3A_58 : memref<1x80x128xi32, #tpu.memory_space<hbm>> -> memref<80x128xi32, #tpu.memory_space<hbm>>
      %dma_wait3A_60 = arith.constant 0 : i32
      %dma_wait3A_61 = arith.constant 0 : i32
      %dma_wait3A_62 = tpu.memref_slice %dma_wait3A_59[%dma_wait3A_60, %dma_wait3A_61] : memref<80x128xi32, #tpu.memory_space<hbm>> -> memref<40x128xi32, #tpu.memory_space<hbm>>
      tpu.wait_dma2 semaphore(%run_scoped3A : memref<!tpu.dma_semaphore, #tpu.memory_space<semaphore_mem>>) src(%dma_wait3A_62 : memref<40x128xi32, #tpu.memory_space<hbm>>) dst(%arg8 : memref<40x128xi32, #tpu.memory_space<vmem>>)
      tpu.yield
    }) : () -> ()
    "tpu.region"() ({
      %run_scoped3A = tpu.sem_alloc : memref<!tpu.dma_semaphore, #tpu.memory_space<semaphore_mem>>
      %dma_start3A_35 = arith.constant 0 : i32
      %dma_start3A_36 = arith.constant 0 : i32
      %dma_start3A_37 = tpu.memref_slice %arg4[%add3A, %dma_start3A_35, %dma_start3A_36] : memref<32x80x128xi32, #tpu.memory_space<hbm>> -> memref<1x80x128xi32, #tpu.memory_space<hbm>>
      %dma_start3A_38 = tpu.memref_squeeze %dma_start3A_37 : memref<1x80x128xi32, #tpu.memory_space<hbm>> -> memref<80x128xi32, #tpu.memory_space<hbm>>
      %dma_start3A_39 = arith.constant 0 : i32
      %dma_start3A_40 = arith.constant 0 : i32
      %dma_start3A_41 = tpu.memref_slice %dma_start3A_38[%dma_start3A_39, %dma_start3A_40] : memref<80x128xi32, #tpu.memory_space<hbm>> -> memref<40x128xi32, #tpu.memory_space<hbm>>
      %dma_start3A_42 = arith.constant 0 : i32
      %dma_start3A_43 = arith.constant 0 : i32
      %dma_start3A_44 = tpu.memref_slice %arg4[%add3A, %dma_start3A_42, %dma_start3A_43] : memref<32x80x128xi32, #tpu.memory_space<hbm>> -> memref<1x80x128xi32, #tpu.memory_space<hbm>>
      %dma_start3A_45 = tpu.memref_squeeze %dma_start3A_44 : memref<1x80x128xi32, #tpu.memory_space<hbm>> -> memref<80x128xi32, #tpu.memory_space<hbm>>
      %dma_start3A_46 = arith.constant 0 : i32
      %dma_start3A_47 = arith.constant 0 : i32
      %dma_start3A_48 = tpu.memref_slice %dma_start3A_45[%dma_start3A_46, %dma_start3A_47] : memref<80x128xi32, #tpu.memory_space<hbm>> -> memref<40x128xi32, #tpu.memory_space<hbm>>
      tpu.enqueue_dma source(%dma_start3A_48 : memref<40x128xi32, #tpu.memory_space<hbm>>) target(%arg9 : memref<40x128xi32, #tpu.memory_space<vmem>>) target_semaphore(%run_scoped3A : memref<!tpu.dma_semaphore, #tpu.memory_space<semaphore_mem>>)
      %dma_wait3A_49 = arith.constant 0 : i32
      %dma_wait3A_50 = arith.constant 0 : i32
      %dma_wait3A_51 = tpu.memref_slice %arg4[%add3A, %dma_wait3A_49, %dma_wait3A_50] : memref<32x80x128xi32, #tpu.memory_space<hbm>> -> memref<1x80x128xi32, #tpu.memory_space<hbm>>
      %dma_wait3A_52 = tpu.memref_squeeze %dma_wait3A_51 : memref<1x80x128xi32, #tpu.memory_space<hbm>> -> memref<80x128xi32, #tpu.memory_space<hbm>>
      %dma_wait3A_53 = arith.constant 0 : i32
      %dma_wait3A_54 = arith.constant 0 : i32
      %dma_wait3A_55 = tpu.memref_slice %dma_wait3A_52[%dma_wait3A_53, %dma_wait3A_54] : memref<80x128xi32, #tpu.memory_space<hbm>> -> memref<40x128xi32, #tpu.memory_space<hbm>>
      %dma_wait3A_56 = arith.constant 0 : i32
      %dma_wait3A_57 = arith.constant 0 : i32
      %dma_wait3A_58 = tpu.memref_slice %arg4[%add3A, %dma_wait3A_56, %dma_wait3A_57] : memref<32x80x128xi32, #tpu.memory_space<hbm>> -> memref<1x80x128xi32, #tpu.memory_space<hbm>>
      %dma_wait3A_59 = tpu.memref_squeeze %dma_wait3A_58 : memref<1x80x128xi32, #tpu.memory_space<hbm>> -> memref<80x128xi32, #tpu.memory_space<hbm>>
      %dma_wait3A_60 = arith.constant 0 : i32
      %dma_wait3A_61 = arith.constant 0 : i32
      %dma_wait3A_62 = tpu.memref_slice %dma_wait3A_59[%dma_wait3A_60, %dma_wait3A_61] : memref<80x128xi32, #tpu.memory_space<hbm>> -> memref<40x128xi32, #tpu.memory_space<hbm>>
      tpu.wait_dma2 semaphore(%run_scoped3A : memref<!tpu.dma_semaphore, #tpu.memory_space<semaphore_mem>>) src(%dma_wait3A_62 : memref<40x128xi32, #tpu.memory_space<hbm>>) dst(%arg9 : memref<40x128xi32, #tpu.memory_space<vmem>>)
      tpu.yield
    }) : () -> ()
    %dma_start3A_6 = arith.constant 0 : i32
    %dma_start3A_7 = arith.constant 0 : i32
    %dma_start3A_8 = tpu.memref_slice %arg8[%dma_start3A_6, %dma_start3A_7] : memref<40x128xi32, #tpu.memory_space<vmem>> -> memref<1x128xi32, #tpu.memory_space<vmem>>
    %dma_start3A_9 = tpu.memref_squeeze %dma_start3A_8 : memref<1x128xi32, #tpu.memory_space<vmem>> -> memref<128xi32, #tpu.memory_space<vmem>>
    %dma_start3A_10 = arith.constant 0 : i32
    %dma_start3A_11 = arith.constant 0 : i32
    %dma_start3A_12 = tpu.memref_slice %arg2[%dma_start3A_10, %dma_start3A_11] : memref<10240x128xf32, #tpu.memory_space<hbm>> -> memref<10240x128xf32, #tpu.memory_space<hbm>>
    tpu.enqueue_indirect_dma source(%dma_start3A_12 : memref<10240x128xf32, #tpu.memory_space<hbm>>) target(%arg10 : memref<128x128xf32, #tpu.memory_space<vmem>>) offsets(%dma_start3A_9 : memref<128xi32, #tpu.memory_space<vmem>>) semaphore(%arg12 : memref<!tpu.dma_semaphore, #tpu.memory_space<semaphore_mem>>)
    %dma_wait3A = arith.constant 0 : i32
    %dma_wait3A_13 = tpu.memref_slice %arg7[%mul3A_2, %dma_wait3A] : memref<10240x128xf32, #tpu.memory_space<vmem_shared>> -> memref<640x128xf32, #tpu.memory_space<vmem_shared>>
    %dma_wait3A_14 = arith.constant 0 : i32
    %dma_wait3A_15 = tpu.memref_slice %arg5[%mul3A_2, %dma_wait3A_14] : memref<10240x128xf32, #tpu.memory_space<hbm>> -> memref<640x128xf32, #tpu.memory_space<hbm>>
    tpu.wait_dma2 semaphore(%arg14 : memref<!tpu.dma_semaphore, #tpu.memory_space<semaphore_mem>>) src(%dma_wait3A_15 : memref<640x128xf32, #tpu.memory_space<hbm>>) dst(%dma_wait3A_13 : memref<640x128xf32, #tpu.memory_space<vmem_shared>>)
    %barrier3A = arith.constant 0 : index
    tpu.barrier barrier_id(%barrier3A)
    %scan3A = arith.constant 0 : i32
    %scan3A_16 = arith.constant 0 : i32
    %scan3A_17 = arith.constant 20 : i32
    %scan3A_18 = arith.addi %scan3A_16, %scan3A_17 : i32
    %scan3A_19 = arith.constant 1 : i32
    scf.for %scan3A_35 = %scan3A_16 to %scan3A_18 step %scan3A_19  : i32 {
      %mul3A_36 = arith.constant 2 : i32
      %mul3A_37 = arith.muli %mul3A_36, %scan3A_35 : i32
      %add3A_38 = arith.constant 1 : i32
      %add3A_39 = arith.addi %mul3A_37, %add3A_38 : i32
      %dma_start3A_40 = arith.constant 0 : i32
      %dma_start3A_41 = tpu.memref_slice %arg8[%add3A_39, %dma_start3A_40] : memref<40x128xi32, #tpu.memory_space<vmem>> -> memref<1x128xi32, #tpu.memory_space<vmem>>
      %dma_start3A_42 = tpu.memref_squeeze %dma_start3A_41 : memref<1x128xi32, #tpu.memory_space<vmem>> -> memref<128xi32, #tpu.memory_space<vmem>>
      %dma_start3A_43 = arith.constant 0 : i32
      %dma_start3A_44 = arith.constant 0 : i32
      %dma_start3A_45 = tpu.memref_slice %arg2[%dma_start3A_43, %dma_start3A_44] : memref<10240x128xf32, #tpu.memory_space<hbm>> -> memref<10240x128xf32, #tpu.memory_space<hbm>>
      tpu.enqueue_indirect_dma source(%dma_start3A_45 : memref<10240x128xf32, #tpu.memory_space<hbm>>) target(%arg11 : memref<128x128xf32, #tpu.memory_space<vmem>>) offsets(%dma_start3A_42 : memref<128xi32, #tpu.memory_space<vmem>>) semaphore(%arg13 : memref<!tpu.dma_semaphore, #tpu.memory_space<semaphore_mem>>)
      %dma_wait3A_46 = arith.constant 0 : i32
      %dma_wait3A_47 = tpu.memref_slice %arg8[%mul3A_37, %dma_wait3A_46] : memref<40x128xi32, #tpu.memory_space<vmem>> -> memref<1x128xi32, #tpu.memory_space<vmem>>
      %dma_wait3A_48 = tpu.memref_squeeze %dma_wait3A_47 : memref<1x128xi32, #tpu.memory_space<vmem>> -> memref<128xi32, #tpu.memory_space<vmem>>
      %dma_wait3A_49 = arith.constant 0 : i32
      %dma_wait3A_50 = arith.constant 0 : i32
      %dma_wait3A_51 = tpu.memref_slice %arg2[%dma_wait3A_49, %dma_wait3A_50] : memref<10240x128xf32, #tpu.memory_space<hbm>> -> memref<10240x128xf32, #tpu.memory_space<hbm>>
      tpu.wait_indirect_dma semaphore(%arg12 : memref<!tpu.dma_semaphore, #tpu.memory_space<semaphore_mem>>) src(%dma_wait3A_51 : memref<10240x128xf32, #tpu.memory_space<hbm>>) dst(%arg10 : memref<128x128xf32, #tpu.memory_space<vmem>>)
      "tpu.region"() ({
        %run_scoped3A = tpu.sem_alloc : memref<!tpu.dma_semaphore, #tpu.memory_space<semaphore_mem>>
        %dma_start3A_66 = arith.constant 0 : i32
        %dma_start3A_67 = tpu.memref_slice %arg9[%mul3A_37, %dma_start3A_66] : memref<40x128xi32, #tpu.memory_space<vmem>> -> memref<1x128xi32, #tpu.memory_space<vmem>>
        %dma_start3A_68 = tpu.memref_squeeze %dma_start3A_67 : memref<1x128xi32, #tpu.memory_space<vmem>> -> memref<128xi32, #tpu.memory_space<vmem>>
        %dma_start3A_69 = arith.constant 0 : i32
        %dma_start3A_70 = arith.constant 0 : i32
        %dma_start3A_71 = tpu.memref_slice %arg7[%dma_start3A_69, %dma_start3A_70] : memref<10240x128xf32, #tpu.memory_space<vmem_shared>> -> memref<10240x128xf32, #tpu.memory_space<vmem_shared>>
        tpu.enqueue_indirect_dma source(%arg10 : memref<128x128xf32, #tpu.memory_space<vmem>>) target(%dma_start3A_71 : memref<10240x128xf32, #tpu.memory_space<vmem_shared>>) offsets(%dma_start3A_68 : memref<128xi32, #tpu.memory_space<vmem>>) semaphore(%run_scoped3A : memref<!tpu.dma_semaphore, #tpu.memory_space<semaphore_mem>>) {add = true}
        %dma_wait3A_72 = arith.constant 0 : i32
        %dma_wait3A_73 = tpu.memref_slice %arg9[%mul3A_37, %dma_wait3A_72] : memref<40x128xi32, #tpu.memory_space<vmem>> -> memref<1x128xi32, #tpu.memory_space<vmem>>
        %dma_wait3A_74 = tpu.memref_squeeze %dma_wait3A_73 : memref<1x128xi32, #tpu.memory_space<vmem>> -> memref<128xi32, #tpu.memory_space<vmem>>
        %dma_wait3A_75 = arith.constant 0 : i32
        %dma_wait3A_76 = arith.constant 0 : i32
        %dma_wait3A_77 = tpu.memref_slice %arg7[%dma_wait3A_75, %dma_wait3A_76] : memref<10240x128xf32, #tpu.memory_space<vmem_shared>> -> memref<10240x128xf32, #tpu.memory_space<vmem_shared>>
        tpu.wait_indirect_dma semaphore(%run_scoped3A : memref<!tpu.dma_semaphore, #tpu.memory_space<semaphore_mem>>) src(%arg10 : memref<128x128xf32, #tpu.memory_space<vmem>>) dst(%dma_wait3A_77 : memref<10240x128xf32, #tpu.memory_space<vmem_shared>>)
        tpu.yield
      }) : () -> ()
      %add3A_52 = arith.constant 1 : i32
      %add3A_53 = arith.addi %scan3A_35, %add3A_52 : i32
      %lt3A = arith.constant 20 : i32
      %lt3A_54 = arith.cmpi slt, %add3A_53, %lt3A : i32
      %convert_element_type3A = arith.extui %lt3A_54 : i1 to i32
      %cond3A = arith.constant 0 : i32
      %cond3A_55 = arith.cmpi ne, %convert_element_type3A, %cond3A : i32
      scf.if %cond3A_55 {
        %add3A_66 = arith.constant 2 : i32
        %add3A_67 = arith.addi %mul3A_37, %add3A_66 : i32
        %dma_start3A_68 = arith.constant 0 : i32
        %dma_start3A_69 = tpu.memref_slice %arg8[%add3A_67, %dma_start3A_68] : memref<40x128xi32, #tpu.memory_space<vmem>> -> memref<1x128xi32, #tpu.memory_space<vmem>>
        %dma_start3A_70 = tpu.memref_squeeze %dma_start3A_69 : memref<1x128xi32, #tpu.memory_space<vmem>> -> memref<128xi32, #tpu.memory_space<vmem>>
        %dma_start3A_71 = arith.constant 0 : i32
        %dma_start3A_72 = arith.constant 0 : i32
        %dma_start3A_73 = tpu.memref_slice %arg2[%dma_start3A_71, %dma_start3A_72] : memref<10240x128xf32, #tpu.memory_space<hbm>> -> memref<10240x128xf32, #tpu.memory_space<hbm>>
        tpu.enqueue_indirect_dma source(%dma_start3A_73 : memref<10240x128xf32, #tpu.memory_space<hbm>>) target(%arg10 : memref<128x128xf32, #tpu.memory_space<vmem>>) offsets(%dma_start3A_70 : memref<128xi32, #tpu.memory_space<vmem>>) semaphore(%arg12 : memref<!tpu.dma_semaphore, #tpu.memory_space<semaphore_mem>>)
      } else {
      }
      %add3A_56 = arith.constant 1 : i32
      %add3A_57 = arith.addi %mul3A_37, %add3A_56 : i32
      %dma_wait3A_58 = arith.constant 0 : i32
      %dma_wait3A_59 = tpu.memref_slice %arg8[%add3A_57, %dma_wait3A_58] : memref<40x128xi32, #tpu.memory_space<vmem>> -> memref<1x128xi32, #tpu.memory_space<vmem>>
      %dma_wait3A_60 = tpu.memref_squeeze %dma_wait3A_59 : memref<1x128xi32, #tpu.memory_space<vmem>> -> memref<128xi32, #tpu.memory_space<vmem>>
      %dma_wait3A_61 = arith.constant 0 : i32
      %dma_wait3A_62 = arith.constant 0 : i32
      %dma_wait3A_63 = tpu.memref_slice %arg2[%dma_wait3A_61, %dma_wait3A_62] : memref<10240x128xf32, #tpu.memory_space<hbm>> -> memref<10240x128xf32, #tpu.memory_space<hbm>>
      tpu.wait_indirect_dma semaphore(%arg13 : memref<!tpu.dma_semaphore, #tpu.memory_space<semaphore_mem>>) src(%dma_wait3A_63 : memref<10240x128xf32, #tpu.memory_space<hbm>>) dst(%arg11 : memref<128x128xf32, #tpu.memory_space<vmem>>)
      %add3A_64 = arith.constant 1 : i32
      %add3A_65 = arith.addi %mul3A_37, %add3A_64 : i32
      "tpu.region"() ({
        %run_scoped3A = tpu.sem_alloc : memref<!tpu.dma_semaphore, #tpu.memory_space<semaphore_mem>>
        %dma_start3A_66 = arith.constant 0 : i32
        %dma_start3A_67 = tpu.memref_slice %arg9[%add3A_65, %dma_start3A_66] : memref<40x128xi32, #tpu.memory_space<vmem>> -> memref<1x128xi32, #tpu.memory_space<vmem>>
        %dma_start3A_68 = tpu.memref_squeeze %dma_start3A_67 : memref<1x128xi32, #tpu.memory_space<vmem>> -> memref<128xi32, #tpu.memory_space<vmem>>
        %dma_start3A_69 = arith.constant 0 : i32
        %dma_start3A_70 = arith.constant 0 : i32
        %dma_start3A_71 = tpu.memref_slice %arg7[%dma_start3A_69, %dma_start3A_70] : memref<10240x128xf32, #tpu.memory_space<vmem_shared>> -> memref<10240x128xf32, #tpu.memory_space<vmem_shared>>
        tpu.enqueue_indirect_dma source(%arg11 : memref<128x128xf32, #tpu.memory_space<vmem>>) target(%dma_start3A_71 : memref<10240x128xf32, #tpu.memory_space<vmem_shared>>) offsets(%dma_start3A_68 : memref<128xi32, #tpu.memory_space<vmem>>) semaphore(%run_scoped3A : memref<!tpu.dma_semaphore, #tpu.memory_space<semaphore_mem>>) {add = true}
        %dma_wait3A_72 = arith.constant 0 : i32
        %dma_wait3A_73 = tpu.memref_slice %arg9[%add3A_65, %dma_wait3A_72] : memref<40x128xi32, #tpu.memory_space<vmem>> -> memref<1x128xi32, #tpu.memory_space<vmem>>
        %dma_wait3A_74 = tpu.memref_squeeze %dma_wait3A_73 : memref<1x128xi32, #tpu.memory_space<vmem>> -> memref<128xi32, #tpu.memory_space<vmem>>
        %dma_wait3A_75 = arith.constant 0 : i32
        %dma_wait3A_76 = arith.constant 0 : i32
        %dma_wait3A_77 = tpu.memref_slice %arg7[%dma_wait3A_75, %dma_wait3A_76] : memref<10240x128xf32, #tpu.memory_space<vmem_shared>> -> memref<10240x128xf32, #tpu.memory_space<vmem_shared>>
        tpu.wait_indirect_dma semaphore(%run_scoped3A : memref<!tpu.dma_semaphore, #tpu.memory_space<semaphore_mem>>) src(%arg11 : memref<128x128xf32, #tpu.memory_space<vmem>>) dst(%dma_wait3A_77 : memref<10240x128xf32, #tpu.memory_space<vmem_shared>>)
        tpu.yield
      }) : () -> ()
    }
    %scan3A_20 = arith.constant 20 : i32
    "tpu.region"() ({
      %run_scoped3A = tpu.sem_alloc : memref<!tpu.dma_semaphore, #tpu.memory_space<semaphore_mem>>
      %dma_start3A_35 = arith.constant 0 : i32
      %dma_start3A_36 = arith.constant 0 : i32
      %dma_start3A_37 = tpu.memref_slice %arg3[%add3A, %dma_start3A_35, %dma_start3A_36] : memref<32x80x128xi32, #tpu.memory_space<hbm>> -> memref<1x80x128xi32, #tpu.memory_space<hbm>>
      %dma_start3A_38 = tpu.memref_squeeze %dma_start3A_37 : memref<1x80x128xi32, #tpu.memory_space<hbm>> -> memref<80x128xi32, #tpu.memory_space<hbm>>
      %dma_start3A_39 = arith.constant 40 : i32
      %dma_start3A_40 = arith.constant 0 : i32
      %dma_start3A_41 = tpu.memref_slice %dma_start3A_38[%dma_start3A_39, %dma_start3A_40] : memref<80x128xi32, #tpu.memory_space<hbm>> -> memref<40x128xi32, #tpu.memory_space<hbm>>
      %dma_start3A_42 = arith.constant 0 : i32
      %dma_start3A_43 = arith.constant 0 : i32
      %dma_start3A_44 = tpu.memref_slice %arg3[%add3A, %dma_start3A_42, %dma_start3A_43] : memref<32x80x128xi32, #tpu.memory_space<hbm>> -> memref<1x80x128xi32, #tpu.memory_space<hbm>>
      %dma_start3A_45 = tpu.memref_squeeze %dma_start3A_44 : memref<1x80x128xi32, #tpu.memory_space<hbm>> -> memref<80x128xi32, #tpu.memory_space<hbm>>
      %dma_start3A_46 = arith.constant 40 : i32
      %dma_start3A_47 = arith.constant 0 : i32
      %dma_start3A_48 = tpu.memref_slice %dma_start3A_45[%dma_start3A_46, %dma_start3A_47] : memref<80x128xi32, #tpu.memory_space<hbm>> -> memref<40x128xi32, #tpu.memory_space<hbm>>
      tpu.enqueue_dma source(%dma_start3A_48 : memref<40x128xi32, #tpu.memory_space<hbm>>) target(%arg8 : memref<40x128xi32, #tpu.memory_space<vmem>>) target_semaphore(%run_scoped3A : memref<!tpu.dma_semaphore, #tpu.memory_space<semaphore_mem>>)
      %dma_wait3A_49 = arith.constant 0 : i32
      %dma_wait3A_50 = arith.constant 0 : i32
      %dma_wait3A_51 = tpu.memref_slice %arg3[%add3A, %dma_wait3A_49, %dma_wait3A_50] : memref<32x80x128xi32, #tpu.memory_space<hbm>> -> memref<1x80x128xi32, #tpu.memory_space<hbm>>
      %dma_wait3A_52 = tpu.memref_squeeze %dma_wait3A_51 : memref<1x80x128xi32, #tpu.memory_space<hbm>> -> memref<80x128xi32, #tpu.memory_space<hbm>>
      %dma_wait3A_53 = arith.constant 40 : i32
      %dma_wait3A_54 = arith.constant 0 : i32
      %dma_wait3A_55 = tpu.memref_slice %dma_wait3A_52[%dma_wait3A_53, %dma_wait3A_54] : memref<80x128xi32, #tpu.memory_space<hbm>> -> memref<40x128xi32, #tpu.memory_space<hbm>>
      %dma_wait3A_56 = arith.constant 0 : i32
      %dma_wait3A_57 = arith.constant 0 : i32
      %dma_wait3A_58 = tpu.memref_slice %arg3[%add3A, %dma_wait3A_56, %dma_wait3A_57] : memref<32x80x128xi32, #tpu.memory_space<hbm>> -> memref<1x80x128xi32, #tpu.memory_space<hbm>>
      %dma_wait3A_59 = tpu.memref_squeeze %dma_wait3A_58 : memref<1x80x128xi32, #tpu.memory_space<hbm>> -> memref<80x128xi32, #tpu.memory_space<hbm>>
      %dma_wait3A_60 = arith.constant 40 : i32
      %dma_wait3A_61 = arith.constant 0 : i32
      %dma_wait3A_62 = tpu.memref_slice %dma_wait3A_59[%dma_wait3A_60, %dma_wait3A_61] : memref<80x128xi32, #tpu.memory_space<hbm>> -> memref<40x128xi32, #tpu.memory_space<hbm>>
      tpu.wait_dma2 semaphore(%run_scoped3A : memref<!tpu.dma_semaphore, #tpu.memory_space<semaphore_mem>>) src(%dma_wait3A_62 : memref<40x128xi32, #tpu.memory_space<hbm>>) dst(%arg8 : memref<40x128xi32, #tpu.memory_space<vmem>>)
      tpu.yield
    }) : () -> ()
    "tpu.region"() ({
      %run_scoped3A = tpu.sem_alloc : memref<!tpu.dma_semaphore, #tpu.memory_space<semaphore_mem>>
      %dma_start3A_35 = arith.constant 0 : i32
      %dma_start3A_36 = arith.constant 0 : i32
      %dma_start3A_37 = tpu.memref_slice %arg4[%add3A, %dma_start3A_35, %dma_start3A_36] : memref<32x80x128xi32, #tpu.memory_space<hbm>> -> memref<1x80x128xi32, #tpu.memory_space<hbm>>
      %dma_start3A_38 = tpu.memref_squeeze %dma_start3A_37 : memref<1x80x128xi32, #tpu.memory_space<hbm>> -> memref<80x128xi32, #tpu.memory_space<hbm>>
      %dma_start3A_39 = arith.constant 40 : i32
      %dma_start3A_40 = arith.constant 0 : i32
      %dma_start3A_41 = tpu.memref_slice %dma_start3A_38[%dma_start3A_39, %dma_start3A_40] : memref<80x128xi32, #tpu.memory_space<hbm>> -> memref<40x128xi32, #tpu.memory_space<hbm>>
      %dma_start3A_42 = arith.constant 0 : i32
      %dma_start3A_43 = arith.constant 0 : i32
      %dma_start3A_44 = tpu.memref_slice %arg4[%add3A, %dma_start3A_42, %dma_start3A_43] : memref<32x80x128xi32, #tpu.memory_space<hbm>> -> memref<1x80x128xi32, #tpu.memory_space<hbm>>
      %dma_start3A_45 = tpu.memref_squeeze %dma_start3A_44 : memref<1x80x128xi32, #tpu.memory_space<hbm>> -> memref<80x128xi32, #tpu.memory_space<hbm>>
      %dma_start3A_46 = arith.constant 40 : i32
      %dma_start3A_47 = arith.constant 0 : i32
      %dma_start3A_48 = tpu.memref_slice %dma_start3A_45[%dma_start3A_46, %dma_start3A_47] : memref<80x128xi32, #tpu.memory_space<hbm>> -> memref<40x128xi32, #tpu.memory_space<hbm>>
      tpu.enqueue_dma source(%dma_start3A_48 : memref<40x128xi32, #tpu.memory_space<hbm>>) target(%arg9 : memref<40x128xi32, #tpu.memory_space<vmem>>) target_semaphore(%run_scoped3A : memref<!tpu.dma_semaphore, #tpu.memory_space<semaphore_mem>>)
      %dma_wait3A_49 = arith.constant 0 : i32
      %dma_wait3A_50 = arith.constant 0 : i32
      %dma_wait3A_51 = tpu.memref_slice %arg4[%add3A, %dma_wait3A_49, %dma_wait3A_50] : memref<32x80x128xi32, #tpu.memory_space<hbm>> -> memref<1x80x128xi32, #tpu.memory_space<hbm>>
      %dma_wait3A_52 = tpu.memref_squeeze %dma_wait3A_51 : memref<1x80x128xi32, #tpu.memory_space<hbm>> -> memref<80x128xi32, #tpu.memory_space<hbm>>
      %dma_wait3A_53 = arith.constant 40 : i32
      %dma_wait3A_54 = arith.constant 0 : i32
      %dma_wait3A_55 = tpu.memref_slice %dma_wait3A_52[%dma_wait3A_53, %dma_wait3A_54] : memref<80x128xi32, #tpu.memory_space<hbm>> -> memref<40x128xi32, #tpu.memory_space<hbm>>
      %dma_wait3A_56 = arith.constant 0 : i32
      %dma_wait3A_57 = arith.constant 0 : i32
      %dma_wait3A_58 = tpu.memref_slice %arg4[%add3A, %dma_wait3A_56, %dma_wait3A_57] : memref<32x80x128xi32, #tpu.memory_space<hbm>> -> memref<1x80x128xi32, #tpu.memory_space<hbm>>
      %dma_wait3A_59 = tpu.memref_squeeze %dma_wait3A_58 : memref<1x80x128xi32, #tpu.memory_space<hbm>> -> memref<80x128xi32, #tpu.memory_space<hbm>>
      %dma_wait3A_60 = arith.constant 40 : i32
      %dma_wait3A_61 = arith.constant 0 : i32
      %dma_wait3A_62 = tpu.memref_slice %dma_wait3A_59[%dma_wait3A_60, %dma_wait3A_61] : memref<80x128xi32, #tpu.memory_space<hbm>> -> memref<40x128xi32, #tpu.memory_space<hbm>>
      tpu.wait_dma2 semaphore(%run_scoped3A : memref<!tpu.dma_semaphore, #tpu.memory_space<semaphore_mem>>) src(%dma_wait3A_62 : memref<40x128xi32, #tpu.memory_space<hbm>>) dst(%arg9 : memref<40x128xi32, #tpu.memory_space<vmem>>)
      tpu.yield
    }) : () -> ()
    %dma_start3A_21 = arith.constant 0 : i32
    %dma_start3A_22 = arith.constant 0 : i32
    %dma_start3A_23 = tpu.memref_slice %arg8[%dma_start3A_21, %dma_start3A_22] : memref<40x128xi32, #tpu.memory_space<vmem>> -> memref<1x128xi32, #tpu.memory_space<vmem>>
    %dma_start3A_24 = tpu.memref_squeeze %dma_start3A_23 : memref<1x128xi32, #tpu.memory_space<vmem>> -> memref<128xi32, #tpu.memory_space<vmem>>
    %dma_start3A_25 = arith.constant 0 : i32
    %dma_start3A_26 = arith.constant 0 : i32
    %dma_start3A_27 = tpu.memref_slice %arg2[%dma_start3A_25, %dma_start3A_26] : memref<10240x128xf32, #tpu.memory_space<hbm>> -> memref<10240x128xf32, #tpu.memory_space<hbm>>
    tpu.enqueue_indirect_dma source(%dma_start3A_27 : memref<10240x128xf32, #tpu.memory_space<hbm>>) target(%arg10 : memref<128x128xf32, #tpu.memory_space<vmem>>) offsets(%dma_start3A_24 : memref<128xi32, #tpu.memory_space<vmem>>) semaphore(%arg12 : memref<!tpu.dma_semaphore, #tpu.memory_space<semaphore_mem>>)
    %scan3A_28 = arith.constant 0 : i32
    %scan3A_29 = arith.constant 0 : i32
    %scan3A_30 = arith.constant 20 : i32
    %scan3A_31 = arith.addi %scan3A_29, %scan3A_30 : i32
    %scan3A_32 = arith.constant 1 : i32
    scf.for %scan3A_35 = %scan3A_29 to %scan3A_31 step %scan3A_32  : i32 {
      %mul3A_36 = arith.constant 2 : i32
      %mul3A_37 = arith.muli %mul3A_36, %scan3A_35 : i32
      %add3A_38 = arith.constant 1 : i32
      %add3A_39 = arith.addi %mul3A_37, %add3A_38 : i32
      %dma_start3A_40 = arith.constant 0 : i32
      %dma_start3A_41 = tpu.memref_slice %arg8[%add3A_39, %dma_start3A_40] : memref<40x128xi32, #tpu.memory_space<vmem>> -> memref<1x128xi32, #tpu.memory_space<vmem>>
      %dma_start3A_42 = tpu.memref_squeeze %dma_start3A_41 : memref<1x128xi32, #tpu.memory_space<vmem>> -> memref<128xi32, #tpu.memory_space<vmem>>
      %dma_start3A_43 = arith.constant 0 : i32
      %dma_start3A_44 = arith.constant 0 : i32
      %dma_start3A_45 = tpu.memref_slice %arg2[%dma_start3A_43, %dma_start3A_44] : memref<10240x128xf32, #tpu.memory_space<hbm>> -> memref<10240x128xf32, #tpu.memory_space<hbm>>
      tpu.enqueue_indirect_dma source(%dma_start3A_45 : memref<10240x128xf32, #tpu.memory_space<hbm>>) target(%arg11 : memref<128x128xf32, #tpu.memory_space<vmem>>) offsets(%dma_start3A_42 : memref<128xi32, #tpu.memory_space<vmem>>) semaphore(%arg13 : memref<!tpu.dma_semaphore, #tpu.memory_space<semaphore_mem>>)
      %dma_wait3A_46 = arith.constant 0 : i32
      %dma_wait3A_47 = tpu.memref_slice %arg8[%mul3A_37, %dma_wait3A_46] : memref<40x128xi32, #tpu.memory_space<vmem>> -> memref<1x128xi32, #tpu.memory_space<vmem>>
      %dma_wait3A_48 = tpu.memref_squeeze %dma_wait3A_47 : memref<1x128xi32, #tpu.memory_space<vmem>> -> memref<128xi32, #tpu.memory_space<vmem>>
      %dma_wait3A_49 = arith.constant 0 : i32
      %dma_wait3A_50 = arith.constant 0 : i32
      %dma_wait3A_51 = tpu.memref_slice %arg2[%dma_wait3A_49, %dma_wait3A_50] : memref<10240x128xf32, #tpu.memory_space<hbm>> -> memref<10240x128xf32, #tpu.memory_space<hbm>>
      tpu.wait_indirect_dma semaphore(%arg12 : memref<!tpu.dma_semaphore, #tpu.memory_space<semaphore_mem>>) src(%dma_wait3A_51 : memref<10240x128xf32, #tpu.memory_space<hbm>>) dst(%arg10 : memref<128x128xf32, #tpu.memory_space<vmem>>)
      "tpu.region"() ({
        %run_scoped3A = tpu.sem_alloc : memref<!tpu.dma_semaphore, #tpu.memory_space<semaphore_mem>>
        %dma_start3A_66 = arith.constant 0 : i32
        %dma_start3A_67 = tpu.memref_slice %arg9[%mul3A_37, %dma_start3A_66] : memref<40x128xi32, #tpu.memory_space<vmem>> -> memref<1x128xi32, #tpu.memory_space<vmem>>
        %dma_start3A_68 = tpu.memref_squeeze %dma_start3A_67 : memref<1x128xi32, #tpu.memory_space<vmem>> -> memref<128xi32, #tpu.memory_space<vmem>>
        %dma_start3A_69 = arith.constant 0 : i32
        %dma_start3A_70 = arith.constant 0 : i32
        %dma_start3A_71 = tpu.memref_slice %arg7[%dma_start3A_69, %dma_start3A_70] : memref<10240x128xf32, #tpu.memory_space<vmem_shared>> -> memref<10240x128xf32, #tpu.memory_space<vmem_shared>>
        tpu.enqueue_indirect_dma source(%arg10 : memref<128x128xf32, #tpu.memory_space<vmem>>) target(%dma_start3A_71 : memref<10240x128xf32, #tpu.memory_space<vmem_shared>>) offsets(%dma_start3A_68 : memref<128xi32, #tpu.memory_space<vmem>>) semaphore(%run_scoped3A : memref<!tpu.dma_semaphore, #tpu.memory_space<semaphore_mem>>) {add = true}
        %dma_wait3A_72 = arith.constant 0 : i32
        %dma_wait3A_73 = tpu.memref_slice %arg9[%mul3A_37, %dma_wait3A_72] : memref<40x128xi32, #tpu.memory_space<vmem>> -> memref<1x128xi32, #tpu.memory_space<vmem>>
        %dma_wait3A_74 = tpu.memref_squeeze %dma_wait3A_73 : memref<1x128xi32, #tpu.memory_space<vmem>> -> memref<128xi32, #tpu.memory_space<vmem>>
        %dma_wait3A_75 = arith.constant 0 : i32
        %dma_wait3A_76 = arith.constant 0 : i32
        %dma_wait3A_77 = tpu.memref_slice %arg7[%dma_wait3A_75, %dma_wait3A_76] : memref<10240x128xf32, #tpu.memory_space<vmem_shared>> -> memref<10240x128xf32, #tpu.memory_space<vmem_shared>>
        tpu.wait_indirect_dma semaphore(%run_scoped3A : memref<!tpu.dma_semaphore, #tpu.memory_space<semaphore_mem>>) src(%arg10 : memref<128x128xf32, #tpu.memory_space<vmem>>) dst(%dma_wait3A_77 : memref<10240x128xf32, #tpu.memory_space<vmem_shared>>)
        tpu.yield
      }) : () -> ()
      %add3A_52 = arith.constant 1 : i32
      %add3A_53 = arith.addi %scan3A_35, %add3A_52 : i32
      %lt3A = arith.constant 20 : i32
      %lt3A_54 = arith.cmpi slt, %add3A_53, %lt3A : i32
      %convert_element_type3A = arith.extui %lt3A_54 : i1 to i32
      %cond3A = arith.constant 0 : i32
      %cond3A_55 = arith.cmpi ne, %convert_element_type3A, %cond3A : i32
      scf.if %cond3A_55 {
        %add3A_66 = arith.constant 2 : i32
        %add3A_67 = arith.addi %mul3A_37, %add3A_66 : i32
        %dma_start3A_68 = arith.constant 0 : i32
        %dma_start3A_69 = tpu.memref_slice %arg8[%add3A_67, %dma_start3A_68] : memref<40x128xi32, #tpu.memory_space<vmem>> -> memref<1x128xi32, #tpu.memory_space<vmem>>
        %dma_start3A_70 = tpu.memref_squeeze %dma_start3A_69 : memref<1x128xi32, #tpu.memory_space<vmem>> -> memref<128xi32, #tpu.memory_space<vmem>>
        %dma_start3A_71 = arith.constant 0 : i32
        %dma_start3A_72 = arith.constant 0 : i32
        %dma_start3A_73 = tpu.memref_slice %arg2[%dma_start3A_71, %dma_start3A_72] : memref<10240x128xf32, #tpu.memory_space<hbm>> -> memref<10240x128xf32, #tpu.memory_space<hbm>>
        tpu.enqueue_indirect_dma source(%dma_start3A_73 : memref<10240x128xf32, #tpu.memory_space<hbm>>) target(%arg10 : memref<128x128xf32, #tpu.memory_space<vmem>>) offsets(%dma_start3A_70 : memref<128xi32, #tpu.memory_space<vmem>>) semaphore(%arg12 : memref<!tpu.dma_semaphore, #tpu.memory_space<semaphore_mem>>)
      } else {
      }
      %add3A_56 = arith.constant 1 : i32
      %add3A_57 = arith.addi %mul3A_37, %add3A_56 : i32
      %dma_wait3A_58 = arith.constant 0 : i32
      %dma_wait3A_59 = tpu.memref_slice %arg8[%add3A_57, %dma_wait3A_58] : memref<40x128xi32, #tpu.memory_space<vmem>> -> memref<1x128xi32, #tpu.memory_space<vmem>>
      %dma_wait3A_60 = tpu.memref_squeeze %dma_wait3A_59 : memref<1x128xi32, #tpu.memory_space<vmem>> -> memref<128xi32, #tpu.memory_space<vmem>>
      %dma_wait3A_61 = arith.constant 0 : i32
      %dma_wait3A_62 = arith.constant 0 : i32
      %dma_wait3A_63 = tpu.memref_slice %arg2[%dma_wait3A_61, %dma_wait3A_62] : memref<10240x128xf32, #tpu.memory_space<hbm>> -> memref<10240x128xf32, #tpu.memory_space<hbm>>
      tpu.wait_indirect_dma semaphore(%arg13 : memref<!tpu.dma_semaphore, #tpu.memory_space<semaphore_mem>>) src(%dma_wait3A_63 : memref<10240x128xf32, #tpu.memory_space<hbm>>) dst(%arg11 : memref<128x128xf32, #tpu.memory_space<vmem>>)
      %add3A_64 = arith.constant 1 : i32
      %add3A_65 = arith.addi %mul3A_37, %add3A_64 : i32
      "tpu.region"() ({
        %run_scoped3A = tpu.sem_alloc : memref<!tpu.dma_semaphore, #tpu.memory_space<semaphore_mem>>
        %dma_start3A_66 = arith.constant 0 : i32
        %dma_start3A_67 = tpu.memref_slice %arg9[%add3A_65, %dma_start3A_66] : memref<40x128xi32, #tpu.memory_space<vmem>> -> memref<1x128xi32, #tpu.memory_space<vmem>>
        %dma_start3A_68 = tpu.memref_squeeze %dma_start3A_67 : memref<1x128xi32, #tpu.memory_space<vmem>> -> memref<128xi32, #tpu.memory_space<vmem>>
        %dma_start3A_69 = arith.constant 0 : i32
        %dma_start3A_70 = arith.constant 0 : i32
        %dma_start3A_71 = tpu.memref_slice %arg7[%dma_start3A_69, %dma_start3A_70] : memref<10240x128xf32, #tpu.memory_space<vmem_shared>> -> memref<10240x128xf32, #tpu.memory_space<vmem_shared>>
        tpu.enqueue_indirect_dma source(%arg11 : memref<128x128xf32, #tpu.memory_space<vmem>>) target(%dma_start3A_71 : memref<10240x128xf32, #tpu.memory_space<vmem_shared>>) offsets(%dma_start3A_68 : memref<128xi32, #tpu.memory_space<vmem>>) semaphore(%run_scoped3A : memref<!tpu.dma_semaphore, #tpu.memory_space<semaphore_mem>>) {add = true}
        %dma_wait3A_72 = arith.constant 0 : i32
        %dma_wait3A_73 = tpu.memref_slice %arg9[%add3A_65, %dma_wait3A_72] : memref<40x128xi32, #tpu.memory_space<vmem>> -> memref<1x128xi32, #tpu.memory_space<vmem>>
        %dma_wait3A_74 = tpu.memref_squeeze %dma_wait3A_73 : memref<1x128xi32, #tpu.memory_space<vmem>> -> memref<128xi32, #tpu.memory_space<vmem>>
        %dma_wait3A_75 = arith.constant 0 : i32
        %dma_wait3A_76 = arith.constant 0 : i32
        %dma_wait3A_77 = tpu.memref_slice %arg7[%dma_wait3A_75, %dma_wait3A_76] : memref<10240x128xf32, #tpu.memory_space<vmem_shared>> -> memref<10240x128xf32, #tpu.memory_space<vmem_shared>>
        tpu.wait_indirect_dma semaphore(%run_scoped3A : memref<!tpu.dma_semaphore, #tpu.memory_space<semaphore_mem>>) src(%arg11 : memref<128x128xf32, #tpu.memory_space<vmem>>) dst(%dma_wait3A_77 : memref<10240x128xf32, #tpu.memory_space<vmem_shared>>)
        tpu.yield
      }) : () -> ()
    }
    %scan3A_33 = arith.constant 20 : i32
    %barrier3A_34 = arith.constant 0 : index
    tpu.barrier barrier_id(%barrier3A_34)
    "tpu.region"() ({
      %run_scoped3A = tpu.sem_alloc : memref<!tpu.dma_semaphore, #tpu.memory_space<semaphore_mem>>
      %dma_start3A_35 = arith.constant 0 : i32
      %dma_start3A_36 = arith.constant 0 : i32
      %dma_start3A_37 = tpu.memref_slice %arg6[%arg0, %dma_start3A_35, %dma_start3A_36] : memref<2x10240x128xf32, #tpu.memory_space<hbm>> -> memref<1x10240x128xf32, #tpu.memory_space<hbm>>
      %dma_start3A_38 = tpu.memref_squeeze %dma_start3A_37 : memref<1x10240x128xf32, #tpu.memory_space<hbm>> -> memref<10240x128xf32, #tpu.memory_space<hbm>>
      %dma_start3A_39 = arith.constant 0 : i32
      %dma_start3A_40 = tpu.memref_slice %dma_start3A_38[%mul3A_2, %dma_start3A_39] : memref<10240x128xf32, #tpu.memory_space<hbm>> -> memref<640x128xf32, #tpu.memory_space<hbm>>
      %dma_start3A_41 = arith.constant 0 : i32
      %dma_start3A_42 = tpu.memref_slice %arg7[%mul3A_2, %dma_start3A_41] : memref<10240x128xf32, #tpu.memory_space<vmem_shared>> -> memref<640x128xf32, #tpu.memory_space<vmem_shared>>
      tpu.enqueue_dma source(%dma_start3A_42 : memref<640x128xf32, #tpu.memory_space<vmem_shared>>) target(%dma_start3A_40 : memref<640x128xf32, #tpu.memory_space<hbm>>) target_semaphore(%run_scoped3A : memref<!tpu.dma_semaphore, #tpu.memory_space<semaphore_mem>>)
      %dma_wait3A_43 = arith.constant 0 : i32
      %dma_wait3A_44 = arith.constant 0 : i32
      %dma_wait3A_45 = tpu.memref_slice %arg6[%arg0, %dma_wait3A_43, %dma_wait3A_44] : memref<2x10240x128xf32, #tpu.memory_space<hbm>> -> memref<1x10240x128xf32, #tpu.memory_space<hbm>>
      %dma_wait3A_46 = tpu.memref_squeeze %dma_wait3A_45 : memref<1x10240x128xf32, #tpu.memory_space<hbm>> -> memref<10240x128xf32, #tpu.memory_space<hbm>>
      %dma_wait3A_47 = arith.constant 0 : i32
      %dma_wait3A_48 = tpu.memref_slice %dma_wait3A_46[%mul3A_2, %dma_wait3A_47] : memref<10240x128xf32, #tpu.memory_space<hbm>> -> memref<640x128xf32, #tpu.memory_space<hbm>>
      %dma_wait3A_49 = arith.constant 0 : i32
      %dma_wait3A_50 = tpu.memref_slice %arg7[%mul3A_2, %dma_wait3A_49] : memref<10240x128xf32, #tpu.memory_space<vmem_shared>> -> memref<640x128xf32, #tpu.memory_space<vmem_shared>>
      tpu.wait_dma2 semaphore(%run_scoped3A : memref<!tpu.dma_semaphore, #tpu.memory_space<semaphore_mem>>) src(%dma_wait3A_50 : memref<640x128xf32, #tpu.memory_space<vmem_shared>>) dst(%dma_wait3A_48 : memref<640x128xf32, #tpu.memory_space<hbm>>)
      tpu.yield
    }) : () -> ()
    return
  }
}

#map = affine_map<(d0, d1) -> (0, 0)>
#map1 = affine_map<(d0, d1) -> (0, 0, 0)>
module attributes {stable_mosaic.version = 14 : i64} {
  func.func @_agg_body(%arg0: i32, %arg1: i32, %arg2: memref<10240x128xf32, #tpu.memory_space<hbm>>, %arg3: memref<32x80x128xi32, #tpu.memory_space<hbm>>, %arg4: memref<32x80x128xi32, #tpu.memory_space<hbm>>, %arg5: memref<10240x128xf32, #tpu.memory_space<hbm>>, %arg6: memref<2x10240x128xf32, #tpu.memory_space<hbm>>, %arg7: memref<10240x128xf32, #tpu.memory_space<vmem_shared>>, %arg8: memref<40x128xi32, #tpu.memory_space<vmem>>, %arg9: memref<40x128xi32, #tpu.memory_space<vmem>>, %arg10: memref<128x128xf32, #tpu.memory_space<vmem>>, %arg11: memref<128x128xf32, #tpu.memory_space<vmem>>, %arg12: memref<!tpu.dma_semaphore, #tpu.memory_space<semaphore_mem>>, %arg13: memref<!tpu.dma_semaphore, #tpu.memory_space<semaphore_mem>>, %arg14: memref<!tpu.dma_semaphore, #tpu.memory_space<semaphore_mem>>) attributes {dimension_semantics = [#tpu.dimension_semantics<core_parallel>, #tpu.dimension_semantics<subcore_parallel>], iteration_bounds = array<i64: 2, 16>, scalar_prefetch = 0 : i64, scratch_operands = 8 : i64, tpu.core_type = #tpu.core_type<sc_vector_subcore>, window_params = [{transform_indices = #map}, {transform_indices = #map1}, {transform_indices = #map1}, {transform_indices = #map}, {transform_indices = #map1}]} {
    %mul3A = arith.constant 2 : i32
    %mul3A_0 = arith.muli %arg1, %mul3A : i32
    %add3A = arith.addi %mul3A_0, %arg0 : i32
    %mul3A_1 = arith.constant 640 : i32
    %mul3A_2 = arith.muli %arg1, %mul3A_1 : i32
    %dma_start3A = arith.constant 0 : i32
    %dma_start3A_3 = tpu.memref_slice %arg7[%mul3A_2, %dma_start3A] : memref<10240x128xf32, #tpu.memory_space<vmem_shared>> -> memref<640x128xf32, #tpu.memory_space<vmem_shared>>
    %dma_start3A_4 = arith.constant 0 : i32
    %dma_start3A_5 = tpu.memref_slice %arg5[%mul3A_2, %dma_start3A_4] : memref<10240x128xf32, #tpu.memory_space<hbm>> -> memref<640x128xf32, #tpu.memory_space<hbm>>
    tpu.enqueue_dma source(%dma_start3A_5 : memref<640x128xf32, #tpu.memory_space<hbm>>) target(%dma_start3A_3 : memref<640x128xf32, #tpu.memory_space<vmem_shared>>) target_semaphore(%arg14 : memref<!tpu.dma_semaphore, #tpu.memory_space<semaphore_mem>>)
    "tpu.region"() ({
      %run_scoped3A = tpu.sem_alloc : memref<!tpu.dma_semaphore, #tpu.memory_space<semaphore_mem>>
      %dma_start3A_35 = arith.constant 0 : i32
      %dma_start3A_36 = arith.constant 0 : i32
      %dma_start3A_37 = tpu.memref_slice %arg3[%add3A, %dma_start3A_35, %dma_start3A_36] : memref<32x80x128xi32, #tpu.memory_space<hbm>> -> memref<1x80x128xi32, #tpu.memory_space<hbm>>
      %dma_start3A_38 = tpu.memref_squeeze %dma_start3A_37 : memref<1x80x128xi32, #tpu.memory_space<hbm>> -> memref<80x128xi32, #tpu.memory_space<hbm>>
      %dma_start3A_39 = arith.constant 0 : i32
      %dma_start3A_40 = arith.constant 0 : i32
      %dma_start3A_41 = tpu.memref_slice %dma_start3A_38[%dma_start3A_39, %dma_start3A_40] : memref<80x128xi32, #tpu.memory_space<hbm>> -> memref<40x128xi32, #tpu.memory_space<hbm>>
      %dma_start3A_42 = arith.constant 0 : i32
      %dma_start3A_43 = arith.constant 0 : i32
      %dma_start3A_44 = tpu.memref_slice %arg3[%add3A, %dma_start3A_42, %dma_start3A_43] : memref<32x80x128xi32, #tpu.memory_space<hbm>> -> memref<1x80x128xi32, #tpu.memory_space<hbm>>
      %dma_start3A_45 = tpu.memref_squeeze %dma_start3A_44 : memref<1x80x128xi32, #tpu.memory_space<hbm>> -> memref<80x128xi32, #tpu.memory_space<hbm>>
      %dma_start3A_46 = arith.constant 0 : i32
      %dma_start3A_47 = arith.constant 0 : i32
      %dma_start3A_48 = tpu.memref_slice %dma_start3A_45[%dma_start3A_46, %dma_start3A_47] : memref<80x128xi32, #tpu.memory_space<hbm>> -> memref<40x128xi32, #tpu.memory_space<hbm>>
      tpu.enqueue_dma source(%dma_start3A_48 : memref<40x128xi32, #tpu.memory_space<hbm>>) target(%arg8 : memref<40x128xi32, #tpu.memory_space<vmem>>) target_semaphore(%run_scoped3A : memref<!tpu.dma_semaphore, #tpu.memory_space<semaphore_mem>>)
      %dma_wait3A_49 = arith.constant 0 : i32
      %dma_wait3A_50 = arith.constant 0 : i32
      %dma_wait3A_51 = tpu.memref_slice %arg3[%add3A, %dma_wait3A_49, %dma_wait3A_50] : memref<32x80x128xi32, #tpu.memory_space<hbm>> -> memref<1x80x128xi32, #tpu.memory_space<hbm>>
      %dma_wait3A_52 = tpu.memref_squeeze %dma_wait3A_51 : memref<1x80x128xi32, #tpu.memory_space<hbm>> -> memref<80x128xi32, #tpu.memory_space<hbm>>
      %dma_wait3A_53 = arith.constant 0 : i32
      %dma_wait3A_54 = arith.constant 0 : i32
      %dma_wait3A_55 = tpu.memref_slice %dma_wait3A_52[%dma_wait3A_53, %dma_wait3A_54] : memref<80x128xi32, #tpu.memory_space<hbm>> -> memref<40x128xi32, #tpu.memory_space<hbm>>
      %dma_wait3A_56 = arith.constant 0 : i32
      %dma_wait3A_57 = arith.constant 0 : i32
      %dma_wait3A_58 = tpu.memref_slice %arg3[%add3A, %dma_wait3A_56, %dma_wait3A_57] : memref<32x80x128xi32, #tpu.memory_space<hbm>> -> memref<1x80x128xi32, #tpu.memory_space<hbm>>
      %dma_wait3A_59 = tpu.memref_squeeze %dma_wait3A_58 : memref<1x80x128xi32, #tpu.memory_space<hbm>> -> memref<80x128xi32, #tpu.memory_space<hbm>>
      %dma_wait3A_60 = arith.constant 0 : i32
      %dma_wait3A_61 = arith.constant 0 : i32
      %dma_wait3A_62 = tpu.memref_slice %dma_wait3A_59[%dma_wait3A_60, %dma_wait3A_61] : memref<80x128xi32, #tpu.memory_space<hbm>> -> memref<40x128xi32, #tpu.memory_space<hbm>>
      tpu.wait_dma2 semaphore(%run_scoped3A : memref<!tpu.dma_semaphore, #tpu.memory_space<semaphore_mem>>) src(%dma_wait3A_62 : memref<40x128xi32, #tpu.memory_space<hbm>>) dst(%arg8 : memref<40x128xi32, #tpu.memory_space<vmem>>)
      tpu.yield
    }) : () -> ()
    "tpu.region"() ({
      %run_scoped3A = tpu.sem_alloc : memref<!tpu.dma_semaphore, #tpu.memory_space<semaphore_mem>>
      %dma_start3A_35 = arith.constant 0 : i32
      %dma_start3A_36 = arith.constant 0 : i32
      %dma_start3A_37 = tpu.memref_slice %arg4[%add3A, %dma_start3A_35, %dma_start3A_36] : memref<32x80x128xi32, #tpu.memory_space<hbm>> -> memref<1x80x128xi32, #tpu.memory_space<hbm>>
      %dma_start3A_38 = tpu.memref_squeeze %dma_start3A_37 : memref<1x80x128xi32, #tpu.memory_space<hbm>> -> memref<80x128xi32, #tpu.memory_space<hbm>>
      %dma_start3A_39 = arith.constant 0 : i32
      %dma_start3A_40 = arith.constant 0 : i32
      %dma_start3A_41 = tpu.memref_slice %dma_start3A_38[%dma_start3A_39, %dma_start3A_40] : memref<80x128xi32, #tpu.memory_space<hbm>> -> memref<40x128xi32, #tpu.memory_space<hbm>>
      %dma_start3A_42 = arith.constant 0 : i32
      %dma_start3A_43 = arith.constant 0 : i32
      %dma_start3A_44 = tpu.memref_slice %arg4[%add3A, %dma_start3A_42, %dma_start3A_43] : memref<32x80x128xi32, #tpu.memory_space<hbm>> -> memref<1x80x128xi32, #tpu.memory_space<hbm>>
      %dma_start3A_45 = tpu.memref_squeeze %dma_start3A_44 : memref<1x80x128xi32, #tpu.memory_space<hbm>> -> memref<80x128xi32, #tpu.memory_space<hbm>>
      %dma_start3A_46 = arith.constant 0 : i32
      %dma_start3A_47 = arith.constant 0 : i32
      %dma_start3A_48 = tpu.memref_slice %dma_start3A_45[%dma_start3A_46, %dma_start3A_47] : memref<80x128xi32, #tpu.memory_space<hbm>> -> memref<40x128xi32, #tpu.memory_space<hbm>>
      tpu.enqueue_dma source(%dma_start3A_48 : memref<40x128xi32, #tpu.memory_space<hbm>>) target(%arg9 : memref<40x128xi32, #tpu.memory_space<vmem>>) target_semaphore(%run_scoped3A : memref<!tpu.dma_semaphore, #tpu.memory_space<semaphore_mem>>)
      %dma_wait3A_49 = arith.constant 0 : i32
      %dma_wait3A_50 = arith.constant 0 : i32
      %dma_wait3A_51 = tpu.memref_slice %arg4[%add3A, %dma_wait3A_49, %dma_wait3A_50] : memref<32x80x128xi32, #tpu.memory_space<hbm>> -> memref<1x80x128xi32, #tpu.memory_space<hbm>>
      %dma_wait3A_52 = tpu.memref_squeeze %dma_wait3A_51 : memref<1x80x128xi32, #tpu.memory_space<hbm>> -> memref<80x128xi32, #tpu.memory_space<hbm>>
      %dma_wait3A_53 = arith.constant 0 : i32
      %dma_wait3A_54 = arith.constant 0 : i32
      %dma_wait3A_55 = tpu.memref_slice %dma_wait3A_52[%dma_wait3A_53, %dma_wait3A_54] : memref<80x128xi32, #tpu.memory_space<hbm>> -> memref<40x128xi32, #tpu.memory_space<hbm>>
      %dma_wait3A_56 = arith.constant 0 : i32
      %dma_wait3A_57 = arith.constant 0 : i32
      %dma_wait3A_58 = tpu.memref_slice %arg4[%add3A, %dma_wait3A_56, %dma_wait3A_57] : memref<32x80x128xi32, #tpu.memory_space<hbm>> -> memref<1x80x128xi32, #tpu.memory_space<hbm>>
      %dma_wait3A_59 = tpu.memref_squeeze %dma_wait3A_58 : memref<1x80x128xi32, #tpu.memory_space<hbm>> -> memref<80x128xi32, #tpu.memory_space<hbm>>
      %dma_wait3A_60 = arith.constant 0 : i32
      %dma_wait3A_61 = arith.constant 0 : i32
      %dma_wait3A_62 = tpu.memref_slice %dma_wait3A_59[%dma_wait3A_60, %dma_wait3A_61] : memref<80x128xi32, #tpu.memory_space<hbm>> -> memref<40x128xi32, #tpu.memory_space<hbm>>
      tpu.wait_dma2 semaphore(%run_scoped3A : memref<!tpu.dma_semaphore, #tpu.memory_space<semaphore_mem>>) src(%dma_wait3A_62 : memref<40x128xi32, #tpu.memory_space<hbm>>) dst(%arg9 : memref<40x128xi32, #tpu.memory_space<vmem>>)
      tpu.yield
    }) : () -> ()
    %dma_start3A_6 = arith.constant 0 : i32
    %dma_start3A_7 = arith.constant 0 : i32
    %dma_start3A_8 = tpu.memref_slice %arg8[%dma_start3A_6, %dma_start3A_7] : memref<40x128xi32, #tpu.memory_space<vmem>> -> memref<1x128xi32, #tpu.memory_space<vmem>>
    %dma_start3A_9 = tpu.memref_squeeze %dma_start3A_8 : memref<1x128xi32, #tpu.memory_space<vmem>> -> memref<128xi32, #tpu.memory_space<vmem>>
    %dma_start3A_10 = arith.constant 0 : i32
    %dma_start3A_11 = arith.constant 0 : i32
    %dma_start3A_12 = tpu.memref_slice %arg2[%dma_start3A_10, %dma_start3A_11] : memref<10240x128xf32, #tpu.memory_space<hbm>> -> memref<10240x128xf32, #tpu.memory_space<hbm>>
    tpu.enqueue_indirect_dma source(%dma_start3A_12 : memref<10240x128xf32, #tpu.memory_space<hbm>>) target(%arg10 : memref<128x128xf32, #tpu.memory_space<vmem>>) offsets(%dma_start3A_9 : memref<128xi32, #tpu.memory_space<vmem>>) semaphore(%arg12 : memref<!tpu.dma_semaphore, #tpu.memory_space<semaphore_mem>>)
    %dma_wait3A = arith.constant 0 : i32
    %dma_wait3A_13 = tpu.memref_slice %arg7[%mul3A_2, %dma_wait3A] : memref<10240x128xf32, #tpu.memory_space<vmem_shared>> -> memref<640x128xf32, #tpu.memory_space<vmem_shared>>
    %dma_wait3A_14 = arith.constant 0 : i32
    %dma_wait3A_15 = tpu.memref_slice %arg5[%mul3A_2, %dma_wait3A_14] : memref<10240x128xf32, #tpu.memory_space<hbm>> -> memref<640x128xf32, #tpu.memory_space<hbm>>
    tpu.wait_dma2 semaphore(%arg14 : memref<!tpu.dma_semaphore, #tpu.memory_space<semaphore_mem>>) src(%dma_wait3A_15 : memref<640x128xf32, #tpu.memory_space<hbm>>) dst(%dma_wait3A_13 : memref<640x128xf32, #tpu.memory_space<vmem_shared>>)
    %barrier3A = arith.constant 0 : index
    tpu.barrier barrier_id(%barrier3A)
    %scan3A = arith.constant 0 : i32
    %scan3A_16 = arith.constant 0 : i32
    %scan3A_17 = arith.constant 20 : i32
    %scan3A_18 = arith.addi %scan3A_16, %scan3A_17 : i32
    %scan3A_19 = arith.constant 1 : i32
    scf.for %scan3A_35 = %scan3A_16 to %scan3A_18 step %scan3A_19  : i32 {
      %mul3A_36 = arith.constant 2 : i32
      %mul3A_37 = arith.muli %mul3A_36, %scan3A_35 : i32
      %add3A_38 = arith.constant 1 : i32
      %add3A_39 = arith.addi %mul3A_37, %add3A_38 : i32
      %dma_start3A_40 = arith.constant 0 : i32
      %dma_start3A_41 = tpu.memref_slice %arg8[%add3A_39, %dma_start3A_40] : memref<40x128xi32, #tpu.memory_space<vmem>> -> memref<1x128xi32, #tpu.memory_space<vmem>>
      %dma_start3A_42 = tpu.memref_squeeze %dma_start3A_41 : memref<1x128xi32, #tpu.memory_space<vmem>> -> memref<128xi32, #tpu.memory_space<vmem>>
      %dma_start3A_43 = arith.constant 0 : i32
      %dma_start3A_44 = arith.constant 0 : i32
      %dma_start3A_45 = tpu.memref_slice %arg2[%dma_start3A_43, %dma_start3A_44] : memref<10240x128xf32, #tpu.memory_space<hbm>> -> memref<10240x128xf32, #tpu.memory_space<hbm>>
      tpu.enqueue_indirect_dma source(%dma_start3A_45 : memref<10240x128xf32, #tpu.memory_space<hbm>>) target(%arg11 : memref<128x128xf32, #tpu.memory_space<vmem>>) offsets(%dma_start3A_42 : memref<128xi32, #tpu.memory_space<vmem>>) semaphore(%arg13 : memref<!tpu.dma_semaphore, #tpu.memory_space<semaphore_mem>>)
      %dma_wait3A_46 = arith.constant 0 : i32
      %dma_wait3A_47 = tpu.memref_slice %arg8[%mul3A_37, %dma_wait3A_46] : memref<40x128xi32, #tpu.memory_space<vmem>> -> memref<1x128xi32, #tpu.memory_space<vmem>>
      %dma_wait3A_48 = tpu.memref_squeeze %dma_wait3A_47 : memref<1x128xi32, #tpu.memory_space<vmem>> -> memref<128xi32, #tpu.memory_space<vmem>>
      %dma_wait3A_49 = arith.constant 0 : i32
      %dma_wait3A_50 = arith.constant 0 : i32
      %dma_wait3A_51 = tpu.memref_slice %arg2[%dma_wait3A_49, %dma_wait3A_50] : memref<10240x128xf32, #tpu.memory_space<hbm>> -> memref<10240x128xf32, #tpu.memory_space<hbm>>
      tpu.wait_indirect_dma semaphore(%arg12 : memref<!tpu.dma_semaphore, #tpu.memory_space<semaphore_mem>>) src(%dma_wait3A_51 : memref<10240x128xf32, #tpu.memory_space<hbm>>) dst(%arg10 : memref<128x128xf32, #tpu.memory_space<vmem>>)
      "tpu.region"() ({
        %run_scoped3A = tpu.sem_alloc : memref<!tpu.dma_semaphore, #tpu.memory_space<semaphore_mem>>
        %dma_start3A_66 = arith.constant 0 : i32
        %dma_start3A_67 = tpu.memref_slice %arg9[%mul3A_37, %dma_start3A_66] : memref<40x128xi32, #tpu.memory_space<vmem>> -> memref<1x128xi32, #tpu.memory_space<vmem>>
        %dma_start3A_68 = tpu.memref_squeeze %dma_start3A_67 : memref<1x128xi32, #tpu.memory_space<vmem>> -> memref<128xi32, #tpu.memory_space<vmem>>
        %dma_start3A_69 = arith.constant 0 : i32
        %dma_start3A_70 = arith.constant 0 : i32
        %dma_start3A_71 = tpu.memref_slice %arg7[%dma_start3A_69, %dma_start3A_70] : memref<10240x128xf32, #tpu.memory_space<vmem_shared>> -> memref<10240x128xf32, #tpu.memory_space<vmem_shared>>
        tpu.enqueue_indirect_dma source(%arg10 : memref<128x128xf32, #tpu.memory_space<vmem>>) target(%dma_start3A_71 : memref<10240x128xf32, #tpu.memory_space<vmem_shared>>) offsets(%dma_start3A_68 : memref<128xi32, #tpu.memory_space<vmem>>) semaphore(%run_scoped3A : memref<!tpu.dma_semaphore, #tpu.memory_space<semaphore_mem>>) {add = true}
        %dma_wait3A_72 = arith.constant 0 : i32
        %dma_wait3A_73 = tpu.memref_slice %arg9[%mul3A_37, %dma_wait3A_72] : memref<40x128xi32, #tpu.memory_space<vmem>> -> memref<1x128xi32, #tpu.memory_space<vmem>>
        %dma_wait3A_74 = tpu.memref_squeeze %dma_wait3A_73 : memref<1x128xi32, #tpu.memory_space<vmem>> -> memref<128xi32, #tpu.memory_space<vmem>>
        %dma_wait3A_75 = arith.constant 0 : i32
        %dma_wait3A_76 = arith.constant 0 : i32
        %dma_wait3A_77 = tpu.memref_slice %arg7[%dma_wait3A_75, %dma_wait3A_76] : memref<10240x128xf32, #tpu.memory_space<vmem_shared>> -> memref<10240x128xf32, #tpu.memory_space<vmem_shared>>
        tpu.wait_indirect_dma semaphore(%run_scoped3A : memref<!tpu.dma_semaphore, #tpu.memory_space<semaphore_mem>>) src(%arg10 : memref<128x128xf32, #tpu.memory_space<vmem>>) dst(%dma_wait3A_77 : memref<10240x128xf32, #tpu.memory_space<vmem_shared>>)
        tpu.yield
      }) : () -> ()
      %add3A_52 = arith.constant 1 : i32
      %add3A_53 = arith.addi %scan3A_35, %add3A_52 : i32
      %lt3A = arith.constant 20 : i32
      %lt3A_54 = arith.cmpi slt, %add3A_53, %lt3A : i32
      %convert_element_type3A = arith.extui %lt3A_54 : i1 to i32
      %cond3A = arith.constant 0 : i32
      %cond3A_55 = arith.cmpi ne, %convert_element_type3A, %cond3A : i32
      scf.if %cond3A_55 {
        %add3A_66 = arith.constant 2 : i32
        %add3A_67 = arith.addi %mul3A_37, %add3A_66 : i32
        %dma_start3A_68 = arith.constant 0 : i32
        %dma_start3A_69 = tpu.memref_slice %arg8[%add3A_67, %dma_start3A_68] : memref<40x128xi32, #tpu.memory_space<vmem>> -> memref<1x128xi32, #tpu.memory_space<vmem>>
        %dma_start3A_70 = tpu.memref_squeeze %dma_start3A_69 : memref<1x128xi32, #tpu.memory_space<vmem>> -> memref<128xi32, #tpu.memory_space<vmem>>
        %dma_start3A_71 = arith.constant 0 : i32
        %dma_start3A_72 = arith.constant 0 : i32
        %dma_start3A_73 = tpu.memref_slice %arg2[%dma_start3A_71, %dma_start3A_72] : memref<10240x128xf32, #tpu.memory_space<hbm>> -> memref<10240x128xf32, #tpu.memory_space<hbm>>
        tpu.enqueue_indirect_dma source(%dma_start3A_73 : memref<10240x128xf32, #tpu.memory_space<hbm>>) target(%arg10 : memref<128x128xf32, #tpu.memory_space<vmem>>) offsets(%dma_start3A_70 : memref<128xi32, #tpu.memory_space<vmem>>) semaphore(%arg12 : memref<!tpu.dma_semaphore, #tpu.memory_space<semaphore_mem>>)
      } else {
      }
      %add3A_56 = arith.constant 1 : i32
      %add3A_57 = arith.addi %mul3A_37, %add3A_56 : i32
      %dma_wait3A_58 = arith.constant 0 : i32
      %dma_wait3A_59 = tpu.memref_slice %arg8[%add3A_57, %dma_wait3A_58] : memref<40x128xi32, #tpu.memory_space<vmem>> -> memref<1x128xi32, #tpu.memory_space<vmem>>
      %dma_wait3A_60 = tpu.memref_squeeze %dma_wait3A_59 : memref<1x128xi32, #tpu.memory_space<vmem>> -> memref<128xi32, #tpu.memory_space<vmem>>
      %dma_wait3A_61 = arith.constant 0 : i32
      %dma_wait3A_62 = arith.constant 0 : i32
      %dma_wait3A_63 = tpu.memref_slice %arg2[%dma_wait3A_61, %dma_wait3A_62] : memref<10240x128xf32, #tpu.memory_space<hbm>> -> memref<10240x128xf32, #tpu.memory_space<hbm>>
      tpu.wait_indirect_dma semaphore(%arg13 : memref<!tpu.dma_semaphore, #tpu.memory_space<semaphore_mem>>) src(%dma_wait3A_63 : memref<10240x128xf32, #tpu.memory_space<hbm>>) dst(%arg11 : memref<128x128xf32, #tpu.memory_space<vmem>>)
      %add3A_64 = arith.constant 1 : i32
      %add3A_65 = arith.addi %mul3A_37, %add3A_64 : i32
      "tpu.region"() ({
        %run_scoped3A = tpu.sem_alloc : memref<!tpu.dma_semaphore, #tpu.memory_space<semaphore_mem>>
        %dma_start3A_66 = arith.constant 0 : i32
        %dma_start3A_67 = tpu.memref_slice %arg9[%add3A_65, %dma_start3A_66] : memref<40x128xi32, #tpu.memory_space<vmem>> -> memref<1x128xi32, #tpu.memory_space<vmem>>
        %dma_start3A_68 = tpu.memref_squeeze %dma_start3A_67 : memref<1x128xi32, #tpu.memory_space<vmem>> -> memref<128xi32, #tpu.memory_space<vmem>>
        %dma_start3A_69 = arith.constant 0 : i32
        %dma_start3A_70 = arith.constant 0 : i32
        %dma_start3A_71 = tpu.memref_slice %arg7[%dma_start3A_69, %dma_start3A_70] : memref<10240x128xf32, #tpu.memory_space<vmem_shared>> -> memref<10240x128xf32, #tpu.memory_space<vmem_shared>>
        tpu.enqueue_indirect_dma source(%arg11 : memref<128x128xf32, #tpu.memory_space<vmem>>) target(%dma_start3A_71 : memref<10240x128xf32, #tpu.memory_space<vmem_shared>>) offsets(%dma_start3A_68 : memref<128xi32, #tpu.memory_space<vmem>>) semaphore(%run_scoped3A : memref<!tpu.dma_semaphore, #tpu.memory_space<semaphore_mem>>) {add = true}
        %dma_wait3A_72 = arith.constant 0 : i32
        %dma_wait3A_73 = tpu.memref_slice %arg9[%add3A_65, %dma_wait3A_72] : memref<40x128xi32, #tpu.memory_space<vmem>> -> memref<1x128xi32, #tpu.memory_space<vmem>>
        %dma_wait3A_74 = tpu.memref_squeeze %dma_wait3A_73 : memref<1x128xi32, #tpu.memory_space<vmem>> -> memref<128xi32, #tpu.memory_space<vmem>>
        %dma_wait3A_75 = arith.constant 0 : i32
        %dma_wait3A_76 = arith.constant 0 : i32
        %dma_wait3A_77 = tpu.memref_slice %arg7[%dma_wait3A_75, %dma_wait3A_76] : memref<10240x128xf32, #tpu.memory_space<vmem_shared>> -> memref<10240x128xf32, #tpu.memory_space<vmem_shared>>
        tpu.wait_indirect_dma semaphore(%run_scoped3A : memref<!tpu.dma_semaphore, #tpu.memory_space<semaphore_mem>>) src(%arg11 : memref<128x128xf32, #tpu.memory_space<vmem>>) dst(%dma_wait3A_77 : memref<10240x128xf32, #tpu.memory_space<vmem_shared>>)
        tpu.yield
      }) : () -> ()
    }
    %scan3A_20 = arith.constant 20 : i32
    "tpu.region"() ({
      %run_scoped3A = tpu.sem_alloc : memref<!tpu.dma_semaphore, #tpu.memory_space<semaphore_mem>>
      %dma_start3A_35 = arith.constant 0 : i32
      %dma_start3A_36 = arith.constant 0 : i32
      %dma_start3A_37 = tpu.memref_slice %arg3[%add3A, %dma_start3A_35, %dma_start3A_36] : memref<32x80x128xi32, #tpu.memory_space<hbm>> -> memref<1x80x128xi32, #tpu.memory_space<hbm>>
      %dma_start3A_38 = tpu.memref_squeeze %dma_start3A_37 : memref<1x80x128xi32, #tpu.memory_space<hbm>> -> memref<80x128xi32, #tpu.memory_space<hbm>>
      %dma_start3A_39 = arith.constant 40 : i32
      %dma_start3A_40 = arith.constant 0 : i32
      %dma_start3A_41 = tpu.memref_slice %dma_start3A_38[%dma_start3A_39, %dma_start3A_40] : memref<80x128xi32, #tpu.memory_space<hbm>> -> memref<40x128xi32, #tpu.memory_space<hbm>>
      %dma_start3A_42 = arith.constant 0 : i32
      %dma_start3A_43 = arith.constant 0 : i32
      %dma_start3A_44 = tpu.memref_slice %arg3[%add3A, %dma_start3A_42, %dma_start3A_43] : memref<32x80x128xi32, #tpu.memory_space<hbm>> -> memref<1x80x128xi32, #tpu.memory_space<hbm>>
      %dma_start3A_45 = tpu.memref_squeeze %dma_start3A_44 : memref<1x80x128xi32, #tpu.memory_space<hbm>> -> memref<80x128xi32, #tpu.memory_space<hbm>>
      %dma_start3A_46 = arith.constant 40 : i32
      %dma_start3A_47 = arith.constant 0 : i32
      %dma_start3A_48 = tpu.memref_slice %dma_start3A_45[%dma_start3A_46, %dma_start3A_47] : memref<80x128xi32, #tpu.memory_space<hbm>> -> memref<40x128xi32, #tpu.memory_space<hbm>>
      tpu.enqueue_dma source(%dma_start3A_48 : memref<40x128xi32, #tpu.memory_space<hbm>>) target(%arg8 : memref<40x128xi32, #tpu.memory_space<vmem>>) target_semaphore(%run_scoped3A : memref<!tpu.dma_semaphore, #tpu.memory_space<semaphore_mem>>)
      %dma_wait3A_49 = arith.constant 0 : i32
      %dma_wait3A_50 = arith.constant 0 : i32
      %dma_wait3A_51 = tpu.memref_slice %arg3[%add3A, %dma_wait3A_49, %dma_wait3A_50] : memref<32x80x128xi32, #tpu.memory_space<hbm>> -> memref<1x80x128xi32, #tpu.memory_space<hbm>>
      %dma_wait3A_52 = tpu.memref_squeeze %dma_wait3A_51 : memref<1x80x128xi32, #tpu.memory_space<hbm>> -> memref<80x128xi32, #tpu.memory_space<hbm>>
      %dma_wait3A_53 = arith.constant 40 : i32
      %dma_wait3A_54 = arith.constant 0 : i32
      %dma_wait3A_55 = tpu.memref_slice %dma_wait3A_52[%dma_wait3A_53, %dma_wait3A_54] : memref<80x128xi32, #tpu.memory_space<hbm>> -> memref<40x128xi32, #tpu.memory_space<hbm>>
      %dma_wait3A_56 = arith.constant 0 : i32
      %dma_wait3A_57 = arith.constant 0 : i32
      %dma_wait3A_58 = tpu.memref_slice %arg3[%add3A, %dma_wait3A_56, %dma_wait3A_57] : memref<32x80x128xi32, #tpu.memory_space<hbm>> -> memref<1x80x128xi32, #tpu.memory_space<hbm>>
      %dma_wait3A_59 = tpu.memref_squeeze %dma_wait3A_58 : memref<1x80x128xi32, #tpu.memory_space<hbm>> -> memref<80x128xi32, #tpu.memory_space<hbm>>
      %dma_wait3A_60 = arith.constant 40 : i32
      %dma_wait3A_61 = arith.constant 0 : i32
      %dma_wait3A_62 = tpu.memref_slice %dma_wait3A_59[%dma_wait3A_60, %dma_wait3A_61] : memref<80x128xi32, #tpu.memory_space<hbm>> -> memref<40x128xi32, #tpu.memory_space<hbm>>
      tpu.wait_dma2 semaphore(%run_scoped3A : memref<!tpu.dma_semaphore, #tpu.memory_space<semaphore_mem>>) src(%dma_wait3A_62 : memref<40x128xi32, #tpu.memory_space<hbm>>) dst(%arg8 : memref<40x128xi32, #tpu.memory_space<vmem>>)
      tpu.yield
    }) : () -> ()
    "tpu.region"() ({
      %run_scoped3A = tpu.sem_alloc : memref<!tpu.dma_semaphore, #tpu.memory_space<semaphore_mem>>
      %dma_start3A_35 = arith.constant 0 : i32
      %dma_start3A_36 = arith.constant 0 : i32
      %dma_start3A_37 = tpu.memref_slice %arg4[%add3A, %dma_start3A_35, %dma_start3A_36] : memref<32x80x128xi32, #tpu.memory_space<hbm>> -> memref<1x80x128xi32, #tpu.memory_space<hbm>>
      %dma_start3A_38 = tpu.memref_squeeze %dma_start3A_37 : memref<1x80x128xi32, #tpu.memory_space<hbm>> -> memref<80x128xi32, #tpu.memory_space<hbm>>
      %dma_start3A_39 = arith.constant 40 : i32
      %dma_start3A_40 = arith.constant 0 : i32
      %dma_start3A_41 = tpu.memref_slice %dma_start3A_38[%dma_start3A_39, %dma_start3A_40] : memref<80x128xi32, #tpu.memory_space<hbm>> -> memref<40x128xi32, #tpu.memory_space<hbm>>
      %dma_start3A_42 = arith.constant 0 : i32
      %dma_start3A_43 = arith.constant 0 : i32
      %dma_start3A_44 = tpu.memref_slice %arg4[%add3A, %dma_start3A_42, %dma_start3A_43] : memref<32x80x128xi32, #tpu.memory_space<hbm>> -> memref<1x80x128xi32, #tpu.memory_space<hbm>>
      %dma_start3A_45 = tpu.memref_squeeze %dma_start3A_44 : memref<1x80x128xi32, #tpu.memory_space<hbm>> -> memref<80x128xi32, #tpu.memory_space<hbm>>
      %dma_start3A_46 = arith.constant 40 : i32
      %dma_start3A_47 = arith.constant 0 : i32
      %dma_start3A_48 = tpu.memref_slice %dma_start3A_45[%dma_start3A_46, %dma_start3A_47] : memref<80x128xi32, #tpu.memory_space<hbm>> -> memref<40x128xi32, #tpu.memory_space<hbm>>
      tpu.enqueue_dma source(%dma_start3A_48 : memref<40x128xi32, #tpu.memory_space<hbm>>) target(%arg9 : memref<40x128xi32, #tpu.memory_space<vmem>>) target_semaphore(%run_scoped3A : memref<!tpu.dma_semaphore, #tpu.memory_space<semaphore_mem>>)
      %dma_wait3A_49 = arith.constant 0 : i32
      %dma_wait3A_50 = arith.constant 0 : i32
      %dma_wait3A_51 = tpu.memref_slice %arg4[%add3A, %dma_wait3A_49, %dma_wait3A_50] : memref<32x80x128xi32, #tpu.memory_space<hbm>> -> memref<1x80x128xi32, #tpu.memory_space<hbm>>
      %dma_wait3A_52 = tpu.memref_squeeze %dma_wait3A_51 : memref<1x80x128xi32, #tpu.memory_space<hbm>> -> memref<80x128xi32, #tpu.memory_space<hbm>>
      %dma_wait3A_53 = arith.constant 40 : i32
      %dma_wait3A_54 = arith.constant 0 : i32
      %dma_wait3A_55 = tpu.memref_slice %dma_wait3A_52[%dma_wait3A_53, %dma_wait3A_54] : memref<80x128xi32, #tpu.memory_space<hbm>> -> memref<40x128xi32, #tpu.memory_space<hbm>>
      %dma_wait3A_56 = arith.constant 0 : i32
      %dma_wait3A_57 = arith.constant 0 : i32
      %dma_wait3A_58 = tpu.memref_slice %arg4[%add3A, %dma_wait3A_56, %dma_wait3A_57] : memref<32x80x128xi32, #tpu.memory_space<hbm>> -> memref<1x80x128xi32, #tpu.memory_space<hbm>>
      %dma_wait3A_59 = tpu.memref_squeeze %dma_wait3A_58 : memref<1x80x128xi32, #tpu.memory_space<hbm>> -> memref<80x128xi32, #tpu.memory_space<hbm>>
      %dma_wait3A_60 = arith.constant 40 : i32
      %dma_wait3A_61 = arith.constant 0 : i32
      %dma_wait3A_62 = tpu.memref_slice %dma_wait3A_59[%dma_wait3A_60, %dma_wait3A_61] : memref<80x128xi32, #tpu.memory_space<hbm>> -> memref<40x128xi32, #tpu.memory_space<hbm>>
      tpu.wait_dma2 semaphore(%run_scoped3A : memref<!tpu.dma_semaphore, #tpu.memory_space<semaphore_mem>>) src(%dma_wait3A_62 : memref<40x128xi32, #tpu.memory_space<hbm>>) dst(%arg9 : memref<40x128xi32, #tpu.memory_space<vmem>>)
      tpu.yield
    }) : () -> ()
    %dma_start3A_21 = arith.constant 0 : i32
    %dma_start3A_22 = arith.constant 0 : i32
    %dma_start3A_23 = tpu.memref_slice %arg8[%dma_start3A_21, %dma_start3A_22] : memref<40x128xi32, #tpu.memory_space<vmem>> -> memref<1x128xi32, #tpu.memory_space<vmem>>
    %dma_start3A_24 = tpu.memref_squeeze %dma_start3A_23 : memref<1x128xi32, #tpu.memory_space<vmem>> -> memref<128xi32, #tpu.memory_space<vmem>>
    %dma_start3A_25 = arith.constant 0 : i32
    %dma_start3A_26 = arith.constant 0 : i32
    %dma_start3A_27 = tpu.memref_slice %arg2[%dma_start3A_25, %dma_start3A_26] : memref<10240x128xf32, #tpu.memory_space<hbm>> -> memref<10240x128xf32, #tpu.memory_space<hbm>>
    tpu.enqueue_indirect_dma source(%dma_start3A_27 : memref<10240x128xf32, #tpu.memory_space<hbm>>) target(%arg10 : memref<128x128xf32, #tpu.memory_space<vmem>>) offsets(%dma_start3A_24 : memref<128xi32, #tpu.memory_space<vmem>>) semaphore(%arg12 : memref<!tpu.dma_semaphore, #tpu.memory_space<semaphore_mem>>)
    %scan3A_28 = arith.constant 0 : i32
    %scan3A_29 = arith.constant 0 : i32
    %scan3A_30 = arith.constant 20 : i32
    %scan3A_31 = arith.addi %scan3A_29, %scan3A_30 : i32
    %scan3A_32 = arith.constant 1 : i32
    scf.for %scan3A_35 = %scan3A_29 to %scan3A_31 step %scan3A_32  : i32 {
      %mul3A_36 = arith.constant 2 : i32
      %mul3A_37 = arith.muli %mul3A_36, %scan3A_35 : i32
      %add3A_38 = arith.constant 1 : i32
      %add3A_39 = arith.addi %mul3A_37, %add3A_38 : i32
      %dma_start3A_40 = arith.constant 0 : i32
      %dma_start3A_41 = tpu.memref_slice %arg8[%add3A_39, %dma_start3A_40] : memref<40x128xi32, #tpu.memory_space<vmem>> -> memref<1x128xi32, #tpu.memory_space<vmem>>
      %dma_start3A_42 = tpu.memref_squeeze %dma_start3A_41 : memref<1x128xi32, #tpu.memory_space<vmem>> -> memref<128xi32, #tpu.memory_space<vmem>>
      %dma_start3A_43 = arith.constant 0 : i32
      %dma_start3A_44 = arith.constant 0 : i32
      %dma_start3A_45 = tpu.memref_slice %arg2[%dma_start3A_43, %dma_start3A_44] : memref<10240x128xf32, #tpu.memory_space<hbm>> -> memref<10240x128xf32, #tpu.memory_space<hbm>>
      tpu.enqueue_indirect_dma source(%dma_start3A_45 : memref<10240x128xf32, #tpu.memory_space<hbm>>) target(%arg11 : memref<128x128xf32, #tpu.memory_space<vmem>>) offsets(%dma_start3A_42 : memref<128xi32, #tpu.memory_space<vmem>>) semaphore(%arg13 : memref<!tpu.dma_semaphore, #tpu.memory_space<semaphore_mem>>)
      %dma_wait3A_46 = arith.constant 0 : i32
      %dma_wait3A_47 = tpu.memref_slice %arg8[%mul3A_37, %dma_wait3A_46] : memref<40x128xi32, #tpu.memory_space<vmem>> -> memref<1x128xi32, #tpu.memory_space<vmem>>
      %dma_wait3A_48 = tpu.memref_squeeze %dma_wait3A_47 : memref<1x128xi32, #tpu.memory_space<vmem>> -> memref<128xi32, #tpu.memory_space<vmem>>
      %dma_wait3A_49 = arith.constant 0 : i32
      %dma_wait3A_50 = arith.constant 0 : i32
      %dma_wait3A_51 = tpu.memref_slice %arg2[%dma_wait3A_49, %dma_wait3A_50] : memref<10240x128xf32, #tpu.memory_space<hbm>> -> memref<10240x128xf32, #tpu.memory_space<hbm>>
      tpu.wait_indirect_dma semaphore(%arg12 : memref<!tpu.dma_semaphore, #tpu.memory_space<semaphore_mem>>) src(%dma_wait3A_51 : memref<10240x128xf32, #tpu.memory_space<hbm>>) dst(%arg10 : memref<128x128xf32, #tpu.memory_space<vmem>>)
      "tpu.region"() ({
        %run_scoped3A = tpu.sem_alloc : memref<!tpu.dma_semaphore, #tpu.memory_space<semaphore_mem>>
        %dma_start3A_66 = arith.constant 0 : i32
        %dma_start3A_67 = tpu.memref_slice %arg9[%mul3A_37, %dma_start3A_66] : memref<40x128xi32, #tpu.memory_space<vmem>> -> memref<1x128xi32, #tpu.memory_space<vmem>>
        %dma_start3A_68 = tpu.memref_squeeze %dma_start3A_67 : memref<1x128xi32, #tpu.memory_space<vmem>> -> memref<128xi32, #tpu.memory_space<vmem>>
        %dma_start3A_69 = arith.constant 0 : i32
        %dma_start3A_70 = arith.constant 0 : i32
        %dma_start3A_71 = tpu.memref_slice %arg7[%dma_start3A_69, %dma_start3A_70] : memref<10240x128xf32, #tpu.memory_space<vmem_shared>> -> memref<10240x128xf32, #tpu.memory_space<vmem_shared>>
        tpu.enqueue_indirect_dma source(%arg10 : memref<128x128xf32, #tpu.memory_space<vmem>>) target(%dma_start3A_71 : memref<10240x128xf32, #tpu.memory_space<vmem_shared>>) offsets(%dma_start3A_68 : memref<128xi32, #tpu.memory_space<vmem>>) semaphore(%run_scoped3A : memref<!tpu.dma_semaphore, #tpu.memory_space<semaphore_mem>>) {add = true}
        %dma_wait3A_72 = arith.constant 0 : i32
        %dma_wait3A_73 = tpu.memref_slice %arg9[%mul3A_37, %dma_wait3A_72] : memref<40x128xi32, #tpu.memory_space<vmem>> -> memref<1x128xi32, #tpu.memory_space<vmem>>
        %dma_wait3A_74 = tpu.memref_squeeze %dma_wait3A_73 : memref<1x128xi32, #tpu.memory_space<vmem>> -> memref<128xi32, #tpu.memory_space<vmem>>
        %dma_wait3A_75 = arith.constant 0 : i32
        %dma_wait3A_76 = arith.constant 0 : i32
        %dma_wait3A_77 = tpu.memref_slice %arg7[%dma_wait3A_75, %dma_wait3A_76] : memref<10240x128xf32, #tpu.memory_space<vmem_shared>> -> memref<10240x128xf32, #tpu.memory_space<vmem_shared>>
        tpu.wait_indirect_dma semaphore(%run_scoped3A : memref<!tpu.dma_semaphore, #tpu.memory_space<semaphore_mem>>) src(%arg10 : memref<128x128xf32, #tpu.memory_space<vmem>>) dst(%dma_wait3A_77 : memref<10240x128xf32, #tpu.memory_space<vmem_shared>>)
        tpu.yield
      }) : () -> ()
      %add3A_52 = arith.constant 1 : i32
      %add3A_53 = arith.addi %scan3A_35, %add3A_52 : i32
      %lt3A = arith.constant 20 : i32
      %lt3A_54 = arith.cmpi slt, %add3A_53, %lt3A : i32
      %convert_element_type3A = arith.extui %lt3A_54 : i1 to i32
      %cond3A = arith.constant 0 : i32
      %cond3A_55 = arith.cmpi ne, %convert_element_type3A, %cond3A : i32
      scf.if %cond3A_55 {
        %add3A_66 = arith.constant 2 : i32
        %add3A_67 = arith.addi %mul3A_37, %add3A_66 : i32
        %dma_start3A_68 = arith.constant 0 : i32
        %dma_start3A_69 = tpu.memref_slice %arg8[%add3A_67, %dma_start3A_68] : memref<40x128xi32, #tpu.memory_space<vmem>> -> memref<1x128xi32, #tpu.memory_space<vmem>>
        %dma_start3A_70 = tpu.memref_squeeze %dma_start3A_69 : memref<1x128xi32, #tpu.memory_space<vmem>> -> memref<128xi32, #tpu.memory_space<vmem>>
        %dma_start3A_71 = arith.constant 0 : i32
        %dma_start3A_72 = arith.constant 0 : i32
        %dma_start3A_73 = tpu.memref_slice %arg2[%dma_start3A_71, %dma_start3A_72] : memref<10240x128xf32, #tpu.memory_space<hbm>> -> memref<10240x128xf32, #tpu.memory_space<hbm>>
        tpu.enqueue_indirect_dma source(%dma_start3A_73 : memref<10240x128xf32, #tpu.memory_space<hbm>>) target(%arg10 : memref<128x128xf32, #tpu.memory_space<vmem>>) offsets(%dma_start3A_70 : memref<128xi32, #tpu.memory_space<vmem>>) semaphore(%arg12 : memref<!tpu.dma_semaphore, #tpu.memory_space<semaphore_mem>>)
      } else {
      }
      %add3A_56 = arith.constant 1 : i32
      %add3A_57 = arith.addi %mul3A_37, %add3A_56 : i32
      %dma_wait3A_58 = arith.constant 0 : i32
      %dma_wait3A_59 = tpu.memref_slice %arg8[%add3A_57, %dma_wait3A_58] : memref<40x128xi32, #tpu.memory_space<vmem>> -> memref<1x128xi32, #tpu.memory_space<vmem>>
      %dma_wait3A_60 = tpu.memref_squeeze %dma_wait3A_59 : memref<1x128xi32, #tpu.memory_space<vmem>> -> memref<128xi32, #tpu.memory_space<vmem>>
      %dma_wait3A_61 = arith.constant 0 : i32
      %dma_wait3A_62 = arith.constant 0 : i32
      %dma_wait3A_63 = tpu.memref_slice %arg2[%dma_wait3A_61, %dma_wait3A_62] : memref<10240x128xf32, #tpu.memory_space<hbm>> -> memref<10240x128xf32, #tpu.memory_space<hbm>>
      tpu.wait_indirect_dma semaphore(%arg13 : memref<!tpu.dma_semaphore, #tpu.memory_space<semaphore_mem>>) src(%dma_wait3A_63 : memref<10240x128xf32, #tpu.memory_space<hbm>>) dst(%arg11 : memref<128x128xf32, #tpu.memory_space<vmem>>)
      %add3A_64 = arith.constant 1 : i32
      %add3A_65 = arith.addi %mul3A_37, %add3A_64 : i32
      "tpu.region"() ({
        %run_scoped3A = tpu.sem_alloc : memref<!tpu.dma_semaphore, #tpu.memory_space<semaphore_mem>>
        %dma_start3A_66 = arith.constant 0 : i32
        %dma_start3A_67 = tpu.memref_slice %arg9[%add3A_65, %dma_start3A_66] : memref<40x128xi32, #tpu.memory_space<vmem>> -> memref<1x128xi32, #tpu.memory_space<vmem>>
        %dma_start3A_68 = tpu.memref_squeeze %dma_start3A_67 : memref<1x128xi32, #tpu.memory_space<vmem>> -> memref<128xi32, #tpu.memory_space<vmem>>
        %dma_start3A_69 = arith.constant 0 : i32
        %dma_start3A_70 = arith.constant 0 : i32
        %dma_start3A_71 = tpu.memref_slice %arg7[%dma_start3A_69, %dma_start3A_70] : memref<10240x128xf32, #tpu.memory_space<vmem_shared>> -> memref<10240x128xf32, #tpu.memory_space<vmem_shared>>
        tpu.enqueue_indirect_dma source(%arg11 : memref<128x128xf32, #tpu.memory_space<vmem>>) target(%dma_start3A_71 : memref<10240x128xf32, #tpu.memory_space<vmem_shared>>) offsets(%dma_start3A_68 : memref<128xi32, #tpu.memory_space<vmem>>) semaphore(%run_scoped3A : memref<!tpu.dma_semaphore, #tpu.memory_space<semaphore_mem>>) {add = true}
        %dma_wait3A_72 = arith.constant 0 : i32
        %dma_wait3A_73 = tpu.memref_slice %arg9[%add3A_65, %dma_wait3A_72] : memref<40x128xi32, #tpu.memory_space<vmem>> -> memref<1x128xi32, #tpu.memory_space<vmem>>
        %dma_wait3A_74 = tpu.memref_squeeze %dma_wait3A_73 : memref<1x128xi32, #tpu.memory_space<vmem>> -> memref<128xi32, #tpu.memory_space<vmem>>
        %dma_wait3A_75 = arith.constant 0 : i32
        %dma_wait3A_76 = arith.constant 0 : i32
        %dma_wait3A_77 = tpu.memref_slice %arg7[%dma_wait3A_75, %dma_wait3A_76] : memref<10240x128xf32, #tpu.memory_space<vmem_shared>> -> memref<10240x128xf32, #tpu.memory_space<vmem_shared>>
        tpu.wait_indirect_dma semaphore(%run_scoped3A : memref<!tpu.dma_semaphore, #tpu.memory_space<semaphore_mem>>) src(%arg11 : memref<128x128xf32, #tpu.memory_space<vmem>>) dst(%dma_wait3A_77 : memref<10240x128xf32, #tpu.memory_space<vmem_shared>>)
        tpu.yield
      }) : () -> ()
    }
    %scan3A_33 = arith.constant 20 : i32
    %barrier3A_34 = arith.constant 0 : index
    tpu.barrier barrier_id(%barrier3A_34)
    "tpu.region"() ({
      %run_scoped3A = tpu.sem_alloc : memref<!tpu.dma_semaphore, #tpu.memory_space<semaphore_mem>>
      %dma_start3A_35 = arith.constant 0 : i32
      %dma_start3A_36 = arith.constant 0 : i32
      %dma_start3A_37 = tpu.memref_slice %arg6[%arg0, %dma_start3A_35, %dma_start3A_36] : memref<2x10240x128xf32, #tpu.memory_space<hbm>> -> memref<1x10240x128xf32, #tpu.memory_space<hbm>>
      %dma_start3A_38 = tpu.memref_squeeze %dma_start3A_37 : memref<1x10240x128xf32, #tpu.memory_space<hbm>> -> memref<10240x128xf32, #tpu.memory_space<hbm>>
      %dma_start3A_39 = arith.constant 0 : i32
      %dma_start3A_40 = tpu.memref_slice %dma_start3A_38[%mul3A_2, %dma_start3A_39] : memref<10240x128xf32, #tpu.memory_space<hbm>> -> memref<640x128xf32, #tpu.memory_space<hbm>>
      %dma_start3A_41 = arith.constant 0 : i32
      %dma_start3A_42 = tpu.memref_slice %arg7[%mul3A_2, %dma_start3A_41] : memref<10240x128xf32, #tpu.memory_space<vmem_shared>> -> memref<640x128xf32, #tpu.memory_space<vmem_shared>>
      tpu.enqueue_dma source(%dma_start3A_42 : memref<640x128xf32, #tpu.memory_space<vmem_shared>>) target(%dma_start3A_40 : memref<640x128xf32, #tpu.memory_space<hbm>>) target_semaphore(%run_scoped3A : memref<!tpu.dma_semaphore, #tpu.memory_space<semaphore_mem>>)
      %dma_wait3A_43 = arith.constant 0 : i32
      %dma_wait3A_44 = arith.constant 0 : i32
      %dma_wait3A_45 = tpu.memref_slice %arg6[%arg0, %dma_wait3A_43, %dma_wait3A_44] : memref<2x10240x128xf32, #tpu.memory_space<hbm>> -> memref<1x10240x128xf32, #tpu.memory_space<hbm>>
      %dma_wait3A_46 = tpu.memref_squeeze %dma_wait3A_45 : memref<1x10240x128xf32, #tpu.memory_space<hbm>> -> memref<10240x128xf32, #tpu.memory_space<hbm>>
      %dma_wait3A_47 = arith.constant 0 : i32
      %dma_wait3A_48 = tpu.memref_slice %dma_wait3A_46[%mul3A_2, %dma_wait3A_47] : memref<10240x128xf32, #tpu.memory_space<hbm>> -> memref<640x128xf32, #tpu.memory_space<hbm>>
      %dma_wait3A_49 = arith.constant 0 : i32
      %dma_wait3A_50 = tpu.memref_slice %arg7[%mul3A_2, %dma_wait3A_49] : memref<10240x128xf32, #tpu.memory_space<vmem_shared>> -> memref<640x128xf32, #tpu.memory_space<vmem_shared>>
      tpu.wait_dma2 semaphore(%run_scoped3A : memref<!tpu.dma_semaphore, #tpu.memory_space<semaphore_mem>>) src(%dma_wait3A_50 : memref<640x128xf32, #tpu.memory_space<vmem_shared>>) dst(%dma_wait3A_48 : memref<640x128xf32, #tpu.memory_space<hbm>>)
      tpu.yield
    }) : () -> ()
    return
  }
}

module attributes {stable_mosaic.version = 14 : i64} {
  func.func @_mm_raw_body(%arg0: i32, %arg1: memref<640x128xf32, #tpu.memory_space<vmem>>, %arg2: memref<128x128xf32, #tpu.memory_space<vmem>>, %arg3: memref<640x128xf32, #tpu.memory_space<vmem>>) attributes {dimension_semantics = [#tpu.dimension_semantics<arbitrary>], iteration_bounds = array<i64: 16>, scalar_prefetch = 0 : i64, scratch_operands = 0 : i64, tpu.core_type = #tpu.core_type<tc>, window_params = [{transform_indices = @transform_0, window_bounds = array<i64: 640, 128>}, {pipeline_mode = #tpu.pipeline_mode<synchronous>, transform_indices = @transform_1, window_bounds = array<i64: 128, 128>}, {transform_indices = @transform_2, window_bounds = array<i64: 640, 128>}]} {
    %get3A = arith.constant 0 : index
    %get3A_0 = arith.constant 0 : index
    %get3A_1 = vector.load %arg1[%get3A, %get3A_0] : memref<640x128xf32, #tpu.memory_space<vmem>>, vector<640x128xf32>
    %get3A_2 = arith.constant 0 : index
    %get3A_3 = arith.constant 0 : index
    %get3A_4 = vector.load %arg2[%get3A_2, %get3A_3] : memref<128x128xf32, #tpu.memory_space<vmem>>, vector<128x128xf32>
    %dot_general3A = arith.constant dense<0.000000e+00> : vector<640x128xf32>
    %dot_general3A_5 = tpu.matmul %get3A_1, %get3A_4, %dot_general3A {dimension_numbers = #tpu.dot_dimension_numbers<[1], [0], [0], [1], [0, 0, 1, 1], [], []>, transpose_lhs_hint = false} : vector<640x128xf32>, vector<128x128xf32>, vector<640x128xf32> -> vector<640x128xf32>
    %swap3A = arith.constant 0 : index
    %swap3A_6 = arith.constant 0 : index
    %swap3A_7 = vector.load %arg3[%swap3A, %swap3A_6] : memref<640x128xf32, #tpu.memory_space<vmem>>, vector<640x128xf32>
    tpu.vector_store %arg3[%swap3A, %swap3A_6], %dot_general3A_5 {strides = array<i32>} : memref<640x128xf32, #tpu.memory_space<vmem>>, vector<640x128xf32>,
    return
  }
  func.func @transform_0(%arg0: i32) -> (i32, i32) {
    %c0_i32 = arith.constant 0 : i32
    %c0_i32_0 = arith.constant 0 : i32
    return %arg0, %c0_i32 : i32, i32
  }
  func.func @transform_1(%arg0: i32) -> (i32, i32) {
    %c0_i32 = arith.constant 0 : i32
    %c0_i32_0 = arith.constant 0 : i32
    %c0_i32_1 = arith.constant 0 : i32
    return %c0_i32, %c0_i32_0 : i32, i32
  }
  func.func @transform_2(%arg0: i32) -> (i32, i32) {
    %c0_i32 = arith.constant 0 : i32
    %c0_i32_0 = arith.constant 0 : i32
    return %arg0, %c0_i32 : i32, i32
  }
}

module attributes {stable_mosaic.version = 14 : i64} {
  func.func @_scale_body(%arg0: i32, %arg1: memref<640x128xf32, #tpu.memory_space<vmem>>, %arg2: memref<640x1xf32, #tpu.memory_space<vmem>>, %arg3: memref<640x1xf32, #tpu.memory_space<vmem>>, %arg4: memref<640x128xf32, #tpu.memory_space<vmem>>, %arg5: memref<640x1xf32, #tpu.memory_space<vmem>>) attributes {dimension_semantics = [#tpu.dimension_semantics<arbitrary>], iteration_bounds = array<i64: 16>, scalar_prefetch = 0 : i64, scratch_operands = 0 : i64, tpu.core_type = #tpu.core_type<tc>, window_params = [{transform_indices = @transform_0, window_bounds = array<i64: 640, 128>}, {transform_indices = @transform_1, window_bounds = array<i64: 640, 1>}, {transform_indices = @transform_2, window_bounds = array<i64: 640, 1>}, {transform_indices = @transform_3, window_bounds = array<i64: 640, 128>}, {transform_indices = @transform_4, window_bounds = array<i64: 640, 1>}]} {
    %get3A = arith.constant 0 : index
    %get3A_0 = arith.constant 0 : index
    %get3A_1 = vector.load %arg2[%get3A, %get3A_0] : memref<640x1xf32, #tpu.memory_space<vmem>>, vector<640x1xf32>
    %add3A = arith.constant 1.000000e+00 : f32
    %add3A_2 = vector.broadcast %add3A : f32 to vector<640x1xf32>
    %add3A_3 = arith.addf %add3A_2, %get3A_1 : vector<640x1xf32>
    %get3A_4 = arith.constant 0 : index
    %get3A_5 = arith.constant 0 : index
    %get3A_6 = vector.load %arg3[%get3A_4, %get3A_5] : memref<640x1xf32, #tpu.memory_space<vmem>>, vector<640x1xf32>
    %add3A_7 = arith.addf %add3A_3, %get3A_6 : vector<640x1xf32>
    %rsqrt3A = math.rsqrt %add3A_7 : vector<640x1xf32>
    %get3A_8 = arith.constant 0 : index
    %get3A_9 = arith.constant 0 : index
    %get3A_10 = vector.load %arg1[%get3A_8, %get3A_9] : memref<640x128xf32, #tpu.memory_space<vmem>>, vector<640x128xf32>
    %mul3A = vector.broadcast %rsqrt3A : vector<640x1xf32> to vector<640x128xf32>
    %mul3A_11 = arith.mulf %get3A_10, %mul3A : vector<640x128xf32>
    %swap3A = arith.constant 0 : index
    %swap3A_12 = arith.constant 0 : index
    %swap3A_13 = vector.load %arg4[%swap3A, %swap3A_12] : memref<640x128xf32, #tpu.memory_space<vmem>>, vector<640x128xf32>
    tpu.vector_store %arg4[%swap3A, %swap3A_12], %mul3A_11 {strides = array<i32>} : memref<640x128xf32, #tpu.memory_space<vmem>>, vector<640x128xf32>,
    %swap3A_14 = arith.constant 0 : index
    %swap3A_15 = arith.constant 0 : index
    %swap3A_16 = vector.load %arg5[%swap3A_14, %swap3A_15] : memref<640x1xf32, #tpu.memory_space<vmem>>, vector<640x1xf32>
    tpu.vector_store %arg5[%swap3A_14, %swap3A_15], %rsqrt3A {strides = array<i32>} : memref<640x1xf32, #tpu.memory_space<vmem>>, vector<640x1xf32>,
    return
  }
  func.func @transform_0(%arg0: i32) -> (i32, i32) {
    %c0_i32 = arith.constant 0 : i32
    %c0_i32_0 = arith.constant 0 : i32
    return %arg0, %c0_i32 : i32, i32
  }
  func.func @transform_1(%arg0: i32) -> (i32, i32) {
    %c0_i32 = arith.constant 0 : i32
    %c0_i32_0 = arith.constant 0 : i32
    return %arg0, %c0_i32 : i32, i32
  }
  func.func @transform_2(%arg0: i32) -> (i32, i32) {
    %c0_i32 = arith.constant 0 : i32
    %c0_i32_0 = arith.constant 0 : i32
    return %arg0, %c0_i32 : i32, i32
  }
  func.func @transform_3(%arg0: i32) -> (i32, i32) {
    %c0_i32 = arith.constant 0 : i32
    %c0_i32_0 = arith.constant 0 : i32
    return %arg0, %c0_i32 : i32, i32
  }
  func.func @transform_4(%arg0: i32) -> (i32, i32) {
    %c0_i32 = arith.constant 0 : i32
    %c0_i32_0 = arith.constant 0 : i32
    return %arg0, %c0_i32 : i32, i32
  }
}

module attributes {stable_mosaic.version = 14 : i64} {
  func.func @_fused_body(%arg0: i32, %arg1: memref<2x640x128xf32, #tpu.memory_space<vmem>>, %arg2: memref<640x128xf32, #tpu.memory_space<vmem>>, %arg3: memref<640x1xf32, #tpu.memory_space<vmem>>, %arg4: memref<1x128xf32, #tpu.memory_space<vmem>>, %arg5: memref<128x128xf32, #tpu.memory_space<vmem>>, %arg6: memref<640x128xf32, #tpu.memory_space<vmem>>) attributes {dimension_semantics = [#tpu.dimension_semantics<arbitrary>], iteration_bounds = array<i64: 16>, scalar_prefetch = 0 : i64, scratch_operands = 0 : i64, tpu.core_type = #tpu.core_type<tc>, window_params = [{transform_indices = @transform_0, window_bounds = array<i64: 2, 640, 128>}, {transform_indices = @transform_1, window_bounds = array<i64: 640, 128>}, {transform_indices = @transform_2, window_bounds = array<i64: 640, 1>}, {pipeline_mode = #tpu.pipeline_mode<synchronous>, transform_indices = @transform_3, window_bounds = array<i64: 1, 128>}, {pipeline_mode = #tpu.pipeline_mode<synchronous>, transform_indices = @transform_4, window_bounds = array<i64: 128, 128>}, {transform_indices = @transform_5, window_bounds = array<i64: 640, 128>}]} {
    %get3A = arith.constant 0 : index
    %get3A_0 = arith.constant 0 : index
    %get3A_1 = vector.load %arg3[%get3A, %get3A_0] : memref<640x1xf32, #tpu.memory_space<vmem>>, vector<640x1xf32>
    %get3A_2 = arith.constant 0 : index
    %get3A_3 = arith.constant 0 : index
    %get3A_4 = arith.constant 0 : index
    %get3A_5 = vector.load %arg1[%get3A_2, %get3A_3, %get3A_4] : memref<2x640x128xf32, #tpu.memory_space<vmem>>, vector<1x640x128xf32>
    %get3A_6 = vector.shape_cast %get3A_5 : vector<1x640x128xf32> to vector<640x128xf32>
    %get3A_7 = arith.constant 1 : index
    %get3A_8 = arith.constant 0 : index
    %get3A_9 = arith.constant 0 : index
    %get3A_10 = vector.load %arg1[%get3A_7, %get3A_8, %get3A_9] : memref<2x640x128xf32, #tpu.memory_space<vmem>>, vector<1x640x128xf32>
    %get3A_11 = vector.shape_cast %get3A_10 : vector<1x640x128xf32> to vector<640x128xf32>
    %add3A = arith.addf %get3A_6, %get3A_11 : vector<640x128xf32>
    %get3A_12 = arith.constant 0 : index
    %get3A_13 = arith.constant 0 : index
    %get3A_14 = vector.load %arg2[%get3A_12, %get3A_13] : memref<640x128xf32, #tpu.memory_space<vmem>>, vector<640x128xf32>
    %add3A_15 = arith.addf %add3A, %get3A_14 : vector<640x128xf32>
    %mul3A = vector.broadcast %get3A_1 : vector<640x1xf32> to vector<640x128xf32>
    %mul3A_16 = arith.mulf %mul3A, %add3A_15 : vector<640x128xf32>
    %get3A_17 = arith.constant 0 : index
    %get3A_18 = arith.constant 0 : index
    %get3A_19 = vector.load %arg4[%get3A_17, %get3A_18] : memref<1x128xf32, #tpu.memory_space<vmem>>, vector<1x128xf32>
    %add3A_20 = vector.broadcast %get3A_19 : vector<1x128xf32> to vector<640x128xf32>
    %add3A_21 = arith.addf %mul3A_16, %add3A_20 : vector<640x128xf32>
    %max3A = arith.constant 0.000000e+00 : f32
    %max3A_22 = vector.broadcast %max3A : f32 to vector<640x128xf32>
    %max3A_23 = arith.maximumf %add3A_21, %max3A_22 : vector<640x128xf32>
    %get3A_24 = arith.constant 0 : index
    %get3A_25 = arith.constant 0 : index
    %get3A_26 = vector.load %arg5[%get3A_24, %get3A_25] : memref<128x128xf32, #tpu.memory_space<vmem>>, vector<128x128xf32>
    %dot_general3A = arith.constant dense<0.000000e+00> : vector<640x128xf32>
    %dot_general3A_27 = tpu.matmul %max3A_23, %get3A_26, %dot_general3A {dimension_numbers = #tpu.dot_dimension_numbers<[1], [0], [0], [1], [0, 0, 1, 1], [], []>, transpose_lhs_hint = false} : vector<640x128xf32>, vector<128x128xf32>, vector<640x128xf32> -> vector<640x128xf32>
    %mul3A_28 = vector.broadcast %get3A_1 : vector<640x1xf32> to vector<640x128xf32>
    %mul3A_29 = arith.mulf %dot_general3A_27, %mul3A_28 : vector<640x128xf32>
    %swap3A = arith.constant 0 : index
    %swap3A_30 = arith.constant 0 : index
    %swap3A_31 = vector.load %arg6[%swap3A, %swap3A_30] : memref<640x128xf32, #tpu.memory_space<vmem>>, vector<640x128xf32>
    tpu.vector_store %arg6[%swap3A, %swap3A_30], %mul3A_29 {strides = array<i32>} : memref<640x128xf32, #tpu.memory_space<vmem>>, vector<640x128xf32>,
    return
  }
  func.func @transform_0(%arg0: i32) -> (i32, i32, i32) {
    %c0_i32 = arith.constant 0 : i32
    %c0_i32_0 = arith.constant 0 : i32
    %c0_i32_1 = arith.constant 0 : i32
    return %c0_i32, %arg0, %c0_i32_0 : i32, i32, i32
  }
  func.func @transform_1(%arg0: i32) -> (i32, i32) {
    %c0_i32 = arith.constant 0 : i32
    %c0_i32_0 = arith.constant 0 : i32
    return %arg0, %c0_i32 : i32, i32
  }
  func.func @transform_2(%arg0: i32) -> (i32, i32) {
    %c0_i32 = arith.constant 0 : i32
    %c0_i32_0 = arith.constant 0 : i32
    return %arg0, %c0_i32 : i32, i32
  }
  func.func @transform_3(%arg0: i32) -> (i32, i32) {
    %c0_i32 = arith.constant 0 : i32
    %c0_i32_0 = arith.constant 0 : i32
    %c0_i32_1 = arith.constant 0 : i32
    return %c0_i32, %c0_i32_0 : i32, i32
  }
  func.func @transform_4(%arg0: i32) -> (i32, i32) {
    %c0_i32 = arith.constant 0 : i32
    %c0_i32_0 = arith.constant 0 : i32
    %c0_i32_1 = arith.constant 0 : i32
    return %c0_i32, %c0_i32_0 : i32, i32
  }
  func.func @transform_5(%arg0: i32) -> (i32, i32) {
    %c0_i32 = arith.constant 0 : i32
    %c0_i32_0 = arith.constant 0 : i32
    return %arg0, %c0_i32 : i32, i32
  }
}

module attributes {stable_mosaic.version = 14 : i64} {
  func.func @_epi_body(%arg0: i32, %arg1: memref<2x400x128xf32, #tpu.memory_space<vmem>>, %arg2: memref<400x128xf32, #tpu.memory_space<vmem>>, %arg3: memref<400x1xf32, #tpu.memory_space<vmem>>, %arg4: memref<1x128xf32, #tpu.memory_space<vmem>>, %arg5: memref<400x128xf32, #tpu.memory_space<vmem>>) attributes {dimension_semantics = [#tpu.dimension_semantics<arbitrary>], iteration_bounds = array<i64: 25>, scalar_prefetch = 0 : i64, scratch_operands = 0 : i64, tpu.core_type = #tpu.core_type<tc>, window_params = [{transform_indices = @transform_0, window_bounds = array<i64: 2, 400, 128>}, {transform_indices = @transform_1, window_bounds = array<i64: 400, 128>}, {transform_indices = @transform_2, window_bounds = array<i64: 400, 1>}, {pipeline_mode = #tpu.pipeline_mode<synchronous>, transform_indices = @transform_3, window_bounds = array<i64: 1, 128>}, {transform_indices = @transform_4, window_bounds = array<i64: 400, 128>}]} {
    %get3A = arith.constant 0 : index
    %get3A_0 = arith.constant 0 : index
    %get3A_1 = vector.load %arg3[%get3A, %get3A_0] : memref<400x1xf32, #tpu.memory_space<vmem>>, vector<400x1xf32>
    %get3A_2 = arith.constant 0 : index
    %get3A_3 = arith.constant 0 : index
    %get3A_4 = arith.constant 0 : index
    %get3A_5 = vector.load %arg1[%get3A_2, %get3A_3, %get3A_4] : memref<2x400x128xf32, #tpu.memory_space<vmem>>, vector<1x400x128xf32>
    %get3A_6 = vector.shape_cast %get3A_5 : vector<1x400x128xf32> to vector<400x128xf32>
    %get3A_7 = arith.constant 1 : index
    %get3A_8 = arith.constant 0 : index
    %get3A_9 = arith.constant 0 : index
    %get3A_10 = vector.load %arg1[%get3A_7, %get3A_8, %get3A_9] : memref<2x400x128xf32, #tpu.memory_space<vmem>>, vector<1x400x128xf32>
    %get3A_11 = vector.shape_cast %get3A_10 : vector<1x400x128xf32> to vector<400x128xf32>
    %add3A = arith.addf %get3A_6, %get3A_11 : vector<400x128xf32>
    %get3A_12 = arith.constant 0 : index
    %get3A_13 = arith.constant 0 : index
    %get3A_14 = vector.load %arg2[%get3A_12, %get3A_13] : memref<400x128xf32, #tpu.memory_space<vmem>>, vector<400x128xf32>
    %add3A_15 = arith.addf %add3A, %get3A_14 : vector<400x128xf32>
    %mul3A = vector.broadcast %get3A_1 : vector<400x1xf32> to vector<400x128xf32>
    %mul3A_16 = arith.mulf %mul3A, %add3A_15 : vector<400x128xf32>
    %get3A_17 = arith.constant 0 : index
    %get3A_18 = arith.constant 0 : index
    %get3A_19 = vector.load %arg4[%get3A_17, %get3A_18] : memref<1x128xf32, #tpu.memory_space<vmem>>, vector<1x128xf32>
    %add3A_20 = vector.broadcast %get3A_19 : vector<1x128xf32> to vector<400x128xf32>
    %add3A_21 = arith.addf %mul3A_16, %add3A_20 : vector<400x128xf32>
    %max3A = arith.constant 0.000000e+00 : f32
    %max3A_22 = vector.broadcast %max3A : f32 to vector<400x128xf32>
    %max3A_23 = arith.maximumf %add3A_21, %max3A_22 : vector<400x128xf32>
    %swap3A = arith.constant 0 : index
    %swap3A_24 = arith.constant 0 : index
    %swap3A_25 = vector.load %arg5[%swap3A, %swap3A_24] : memref<400x128xf32, #tpu.memory_space<vmem>>, vector<400x128xf32>
    tpu.vector_store %arg5[%swap3A, %swap3A_24], %max3A_23 {strides = array<i32>} : memref<400x128xf32, #tpu.memory_space<vmem>>, vector<400x128xf32>,
    return
  }
  func.func @transform_0(%arg0: i32) -> (i32, i32, i32) {
    %c0_i32 = arith.constant 0 : i32
    %c0_i32_0 = arith.constant 0 : i32
    %c0_i32_1 = arith.constant 0 : i32
    return %c0_i32, %arg0, %c0_i32_0 : i32, i32, i32
  }
  func.func @transform_1(%arg0: i32) -> (i32, i32) {
    %c0_i32 = arith.constant 0 : i32
    %c0_i32_0 = arith.constant 0 : i32
    return %arg0, %c0_i32 : i32, i32
  }
  func.func @transform_2(%arg0: i32) -> (i32, i32) {
    %c0_i32 = arith.constant 0 : i32
    %c0_i32_0 = arith.constant 0 : i32
    return %arg0, %c0_i32 : i32, i32
  }
  func.func @transform_3(%arg0: i32) -> (i32, i32) {
    %c0_i32 = arith.constant 0 : i32
    %c0_i32_0 = arith.constant 0 : i32
    %c0_i32_1 = arith.constant 0 : i32
    return %c0_i32, %c0_i32_0 : i32, i32
  }
  func.func @transform_4(%arg0: i32) -> (i32, i32) {
    %c0_i32 = arith.constant 0 : i32
    %c0_i32_0 = arith.constant 0 : i32
    return %arg0, %c0_i32 : i32, i32
  }
}

</mosaic_0001>

<sc_bundles>
// kernel: kernel.11.cloned.1.call-start
scs
__scs_entry_jumppad:
0x0: {  	(pc) =	sbr.rel $0x88, $3  }
0x1: {  	(tag) =	ssettag $0x0;
	lr =	simm.s32 $0x1  }
0x2: {  	[smem:$0x3F99] =	sst lr;
	_ =	strace $0xD0000000  }
0x3: {  	_ = 	snop  }
0x4: {  	_ = 	snop  }
0x5: {  	_ = 	snop  }
0x6: {  	_ = 	snop  }
0x7: {  	_ = 	snop  }
__scs_overlays_trampoline_lowered:
0x8: {  	[smem:$0x3FA8] =	sst s0  }
0x9: {  	[smem:$0x3FA9] =	sst s1  }
0xa: {  	[smem:$0x3FAA] =	sst s2  }
0xb: {  	[smem:$0x3FAB] =	sst s3  }
0xc: {  	[smem:$0x3FAC] =	sst s4  }
0xd: {  	[smem:$0x3FAD] =	sst s5  }
0xe: {  	[smem:$0x3FAE] =	sst s6  }
0xf: {  	[smem:$0x3FAF] =	sst s7  }
0x10: {  	[smem:$0x3FB0] =	sst s8  }
0x11: {  	[smem:$0x3FB1] =	sst s9;
	s0 =	simm.s32 @!p0 $0x0  }
0x12: {  	s1 =	sld [smem:$0x3F97];
	s0 =	simm.s32 @p0 $0x1  }
0x13: {  	[smem:$0x3FB2] =	sst s0;
	s0 =	simm.s32 @!p1 $0x0  }
0x14: {  	s2 =	sld [smem:$0x3F96];
	s0 =	simm.s32 @p1 $0x1  }
0x15: {  	[smem:$0x3FB3] =	sst s0;
	s0 =	simm.s32 @!p2 $0x0  }
0x16: {  	s3 =	sld [smem:$0x3FDB];
	s0 =	simm.s32 @p2 $0x1  }
0x17: {  	s4 =	simm.s32 $0x1BF5;
	[smem:$0x3FB5] =	sst s0  }
0x18: {  	s0 =	sld [smem:$0x3F98];
	_ =	swait.ge [sflag:s4], $0x0  }
0x19: {  	s7 =	sld [smem:$0x3F99]  }
0x1a: {  	s8 =	sadd.s32 $0xFFFFE003, lr  }
0x1b: {  	s9 =	sadd.s32 $0xFFFFFEF7, lr;
	s5 =	simm.s32 $0xFFFFFFFF;
	p2 =	slt.u32 s8, $0xFFFFF086  }
0x1c: {  	p1 =	slt.u32 s9, $0xF7A;
	s5 =	simm.s32 @!p2 $0x0  }
0x1d: {  	s5 =	simm.s32 @p1 $0x1;
	p0 =	seq.s32 s7, s2  }
0x1e: {  	s7 =	smul.u32 @!p0 $0xF7A, s2;
	p2 =	seq.s32 @!p0 s5, $0x0  }
0x1f: {  	s9 =	smul.u32 $0xF7A, s1;
	s8 =	simm.s32 @!p0 $0x1BF5;
	p2 =	por !p2, p0  }
0x20: {  	[sflag:s8] =	ssyncset.s32 @!p0 $0xFFFFF086;
	s6 =	sadd.s32 @!p0 s3, s7;
	s7 =	simm.s32 @!p0 $0x108  }
0x21: {  	s3 =	sadd.s32 s3, s9;
	s6 =	sadd.s32 @!p0 $0x88, s6;
	s7 =	simm.s32 @p2 $0x1082  }
0x22: {  	[simem:s7], [sflag:s8] =	dma.local @!p0 [hbm:s6], $0xF7A  }
0x23: {  	s9 =	sor.u32 $0xD0000000, s2;
	s6 =	simm.s32 $0x108;
	_ =	swait.ge @!p0 [sflag:s8], $0x0  }
0x24: {  	s3 =	sadd.s32 $0x88, s3;
	s6 =	simm.s32 @!p1 $0x1082;
	[sflag:s4] =	ssyncset.s32 $0xFFFFF086  }
0x25: {  	[simem:s6], [sflag:s4] =	dma.local [hbm:s3], $0xF7A  }
0x26: {  	[smem:$0x3F99] =	sst s1;
	(tag) =	ssettag s2;
	_ =	strace s9  }
0x27: {  	s1 =	sld [smem:$0x3FA9]  }
0x28: {  	s2 =	sld [smem:$0x3FAA]  }
0x29: {  	s4 =	sld [smem:$0x3FAC]  }
0x2a: {  	p0 =	seq.s32 s5, $0x0;
	s5 =	sld [smem:$0x3FAD]  }
0x2b: {  	s6 =	sld [smem:$0x3FAE]  }
0x2c: {  	s7 =	sld [smem:$0x3FAF]  }
0x2d: {  	s3 =	simm.s32 $0x108;
	s8 =	sld [smem:$0x3FB0]  }
0x2e: {  	s3 =	simm.s32 @!p0 $0x1082;
	s9 =	sld [smem:$0x3FB1]  }
0x2f: {  	lr =	sadd.s32 s0, s3;
	s0 =	sld [smem:$0x3FA8]  }
0x30: {  	s3 =	sld [smem:$0x3FAB]  }
0x31: {  	[smem:$0x3FB4] =	sst s10  }
0x32: {  	s10 =	sld [smem:$0x3FB2];
	_ =	sdelay $0x3  }
0x33: {  	p0 =	seq.s32 s10, $0x1;
	s10 =	sld [smem:$0x3FB4];
	_ =	sdelay $0x3  }
0x34: {  	[smem:$0x3FB4] =	sst s10  }
0x35: {  	s10 =	sld [smem:$0x3FB3];
	_ =	sdelay $0x3  }
0x36: {  	p1 =	seq.s32 s10, $0x1;
	s10 =	sld [smem:$0x3FB4];
	_ =	sdelay $0x3  }
0x37: {  	[smem:$0x3FB4] =	sst s10  }
0x38: {  	s10 =	sld [smem:$0x3FB5]  }
0x39: {  	_ = 	snop;
	(pc) =	sbr.ind lr, $3  }
0x3a: {  	_ = 	snop  }
0x3b: {  	_ = 	snop  }
0x3c: {  	p2 =	seq.s32 s10, $0x1;
	s10 =	sld [smem:$0x3FB4]  }
0x3d: {  	_ =	shalt  }
0x3e: {  	_ =	shalt  }
0x3f: {  	_ =	shalt  }
0x40: {  	_ =	shalt  }
0x41: {  	_ =	shalt  }
0x42: {  	_ =	shalt  }
0x43: {  	_ =	shalt  }
0x44: {  	_ =	shalt  }
0x45: {  	_ =	shalt  }
0x46: {  	_ =	shalt  }
0x47: {  	_ =	shalt  }
0x48: {  	_ =	shalt  }
0x49: {  	_ =	shalt  }
0x4a: {  	_ =	shalt  }
0x4b: {  	_ =	shalt  }
0x4c: {  	_ =	shalt  }
0x4d: {  	_ =	shalt  }
0x4e: {  	_ =	shalt  }
0x4f: {  	_ =	shalt  }
0x50: {  	_ =	shalt  }
0x51: {  	_ =	shalt  }
0x52: {  	_ =	shalt  }
0x53: {  	_ =	shalt  }
0x54: {  	_ =	shalt  }
0x55: {  	_ =	shalt  }
0x56: {  	_ =	shalt  }
0x57: {  	_ =	shalt  }
0x58: {  	_ =	shalt  }
0x59: {  	_ =	shalt  }
0x5a: {  	_ =	shalt  }
0x5b: {  	_ =	shalt  }
0x5c: {  	_ =	shalt  }
0x5d: {  	_ =	shalt  }
0x5e: {  	_ =	shalt  }
0x5f: {  	_ =	shalt  }
0x60: {  	_ =	shalt  }
0x61: {  	_ =	shalt  }
0x62: {  	_ =	shalt  }
0x63: {  	_ =	shalt  }
0x64: {  	_ =	shalt  }
0x65: {  	_ =	shalt  }
0x66: {  	_ =	shalt  }
0x67: {  	_ =	shalt  }
0x68: {  	_ =	shalt  }
0x69: {  	_ =	shalt  }
0x6a: {  	_ =	shalt  }
0x6b: {  	_ =	shalt  }
0x6c: {  	_ =	shalt  }
0x6d: {  	_ =	shalt  }
0x6e: {  	_ =	shalt  }
0x6f: {  	_ =	shalt  }
0x70: {  	_ =	shalt  }
0x71: {  	_ =	shalt  }
0x72: {  	_ =	shalt  }
0x73: {  	_ =	shalt  }
0x74: {  	_ =	shalt  }
0x75: {  	_ =	shalt  }
0x76: {  	_ =	shalt  }
0x77: {  	_ =	shalt  }
0x78: {  	_ =	shalt  }
0x79: {  	_ =	shalt  }
0x7a: {  	_ =	shalt  }
0x7b: {  	_ =	shalt  }
0x7c: {  	_ =	shalt  }
0x7d: {  	_ =	shalt  }
0x7e: {  	_ =	shalt  }
0x7f: {  	_ =	shalt  }
0x80: {  	_ =	shalt  }
0x81: {  	_ =	shalt  }
0x82: {  	_ =	shalt  }
0x83: {  	_ =	shalt  }
0x84: {  	_ =	shalt  }
0x85: {  	_ =	shalt  }
0x86: {  	_ =	shalt  }
0x87: {  	_ =	shalt  }
.Lfunc_end0:
.L_simem_size_0:
called_computation_lowered:
.L_overlay_start_0:
0x88: {  	s2 =	sld [smem:$0x3FD9]  }
0x89: {  	s3 =	sld [smem:$0x3FFE];
	_ =	sdelay $0x1  }
0x8a: {  	s1 =	srdreg.scid  }
0x8b: {  	s0 =	sand.u32 $0x1, s1  }
0x8c: {  	s16 =	sshll.u32 s0, $0xA;
	s2 =	sadd.s32 s3, s2  }
0x8d: {  	s2 =	sadd.s32 s2, s16  }
0x8e: {  	[smem:$0x3FC0] =	sst s2  }
0x8f: {  	_ = 	snop  }
0x90: {  	(tm) =	ssettm $0x1  }
0x91: {  	s17 =	sld [smem:$0x3FFB];
	_ =	sdelay $0x3  }
0x92: {  	_ =	strace s17  }
0x93: {  	s2 =	sld [smem:$0x3FFC];
	_ =	sdelay $0x3  }
0x94: {  	_ =	strace s2  }
0x95: {  	s2 =	sld [smem:$0x3FFD];
	_ =	sdelay $0x3  }
0x96: {  	_ =	strace s2  }
0x97: {  	_ =	strace $0x8FFFFFFF  }
0x98: {  	s18 =	sld [smem:$0x3FDB];
	_ =	sdelay $0x1  }
0x99: {  	s19 =	simm.s32 $_scs_section_size  }
0x9a: {  	s4 =	simm.s32 $_size__tile_overlayer_lowered;
	s5 =	simm.s32 $_tile_overlayer_lowered  }
0x9b: {  	s22 =	simm.s32 $0x1BFF;
	s21 =	sshll.u32 s5, $0x1;
	s2 =	sadd.s32 s19, s18  }
0x9c: {  	s6 =	simm.s32 $0x0;
	s20 =	sshll.u32 s4, $0x1;
	s4 =	sadd.s32 s21, s2  }
0x9d: {  	[timem:s6], [sflag:s22] =	dma.local [hbm:s4], s20  }
0x9e: {  	_ =	swait.ge [sflag:s22], s20  }
0x9f: {  	s3 =	ssub.s32 $0x0, s20;
	[sflag:s22] =	ssyncset.done $0x0  }
0xa0: {  	[sflag:s22] =	ssyncadd.s32 s3;
	_ =	sdelay $0x1  }
0xa1: {  	s23 =	simm.s32 $0x1B8B  }
0xa2: {  	_ =	swait.ge [sflag:s23], $0x1  }
0xa3: {  	[sflag:s23] =	ssyncset.done $0x0  }
0xa4: {  	s25 =	simm.s32 $0x1B8E;
	s24 =	sld [smem:$0x3FFE];
	[sflag:s23] =	ssyncadd.s32 $0xFFFFFFFF  }
0xa5: {  	s26 =	simm.s32 $execute0_lowered;
	[smem:$0x3FD2] =	sst s25  }
0xa6: {  	s4 =	sshll.u32 s26, $0x1;
	_ =	strace $0x80000046;
	[dreg:$0x1] =	wrdreg $0xFFFFFFFF  }
0xa7: {  	s28 =	simm.s32 $_size_execute0_lowered;
	s2 =	sadd.s32 s2, s4;
	[dreg:$0x0] =	wrdreg $0x0  }
0xa8: {  	s4 =	sshll.u32 s28, $0x1;
	[dreg:$0x2] =	wrdreg s2  }
0xa9: {  	[dreg:$0x3] =	wrdreg s4  }
0xaa: {  	[dreg:$0x4] =	wrdreg $0xC0  }
0xab: {  	_ =	task [dreg:s6], $0x5FFFF  }
0xac: {  	[dreg:$0x1] =	wrdreg $0xFFFFFFFF  }
0xad: {  	[dreg:$0x0] =	wrdreg $0x60  }
0xae: {  	[dreg:$0x2] =	wrdreg s24  }
0xaf: {  	[dreg:$0x3] =	wrdreg $0x0  }
0xb0: {  	[dreg:$0x4] =	wrdreg $0x9  }
0xb1: {  	_ =	task.clear_ibuf [dreg:s6], $0x5FFFF;
	_ =	strace $0x90000046  }
0xb2: {  	s29 =	simm.s32 $0x9;
	_ =	strace $0x80000048  }
0xb3: {  	_ =	swait.ge [sflag:s29], $0x1  }
0xb4: {  	[sflag:s29] =	ssyncadd.s32 $0xFFFFFFFF  }
0xb5: {  	_ =	strace $0x90000048  }
0xb6: {  	_ =	sfence  }
0xb7: {  	s30 =	sld [smem:$0x0];
	_ =	sdelay $0x2  }
0xb8: {  	s31 =	sshll.u32 s1, $0xD;
	s1 =	sshrl.u32 s1, $0x2  }
0xb9: {  	s3 =	sand.u32 $0x4000, s31;
	s1 =	sadd.s32 s1, s30  }
0xba: {  	s0 =	sor.u32 s3, s0;
	s1 =	sshll.u32 s1, $0x11  }
0xbb: {  	s0 =	sor.u32 s1, s0  }
0xbc: {  	s0 =	sadd.s32 $0x8F2B, s0  }
0xbd: {  	[sflag:s0] =	ssyncadd.remote.s32 $0x1  }
0xbe: {  	_ =	sfence.sel $0xFFFF  }
0xbf: {  	[dreg:$0x0] =	wrdreg $0xFFFFFFFF;
	(pc) =	sbr.abs _section_cstart, $3  }
0xc0: {  	[dreg:$0x1] =	wrdreg $0xFFFFFFFF  }
0xc1: {  	_ =	task.clear_ibuf [dreg:s6], $0x2FFFF;
	_ =	strace $0x9FFFFFFF  }
0xc2: {  	(tm) =	ssettm $0x7FFFFFFF  }
0xc3: {  	_ =	shalt  }
tec
execute0_lowered:
.L_overlay_start_1:
0x0: {  	(tag) =	ssettag $0x1  }
0x1: {  	s1 =	srdreg.scid;
	s4 =	rddreg [dreg:$0x0]  }
0x2: {  	s0 =	stileid.u32;
	s2 =	rddreg [dreg:$0x1];
	s3 =	simm.s32 $0x0  }
0x3: {  	s12 =	simm.s32 $0x2A80;
	s15 =	simm.s32 $0x10;
	s16 =	simm.s32 $0x0  }
0x4: {  	s5 =	sand.u32 $0x1, s1;
	s29 =	sshll.u32 s0, $0x1;
	s1 =	rddreg [dreg:$0x2]  }
0x5: {  	[smem:$0x7FF] =	sst s3;
	s7 =	smul.u32 $0x280, s0;
	s31 =	sshll.u32 s0, $0x6  }
0x6: {  	s14 =	smul.u32 $0xA0, s0;
	s6 =	sor.u32 s5, s29;
	_ =	strace $0x80000047  }
0x7: {  	s9 =	sshll.u32 s5, $0x4;
	s5 =	ssub.s32 $0x2, s5;
	s6 =	smul.u32 $0x500, s6  }
0x8: {  	s8 =	sshrl.u32 s7, $0x3;
	s9 =	sadd.s32 s9, s4;
	s30 =	sshrl.u32 s5, $0x1  }
0x9: {  	s11 =	sadd.s32 s7, s2;
	s8 =	sadd.s32 s8, s4;
	s10 =	ssub.s32 s5, s30  }
0xa: {  	s5 =	sor.u32 $0x1C01, s31;
	s13 =	sadd.s32 $0xD600, s9;
	s9 =	simm.s32 $0x1  }
0xb: {  	s6 =	sadd.s32 s6, s4;
	s4 =	sadd.s32 $0xD000, s8;
	s7 =	smax.u32 s10, $0x1  }
0xc: {  	s8 =	sshrl.u32 s11, $0x3;
	s10 =	simm.s32 $0x280;
	s11 =	simm.s32 $0x80  }
0xd: {  	v0 =	vimm.f32 $1.000000000e+00;
	s13 =	sadd.s32 s14, s13;
	s14 =	simm.s32 $0x20;
	s6 =	sadd.s32 $0x3000, s6  }
.LBB2_1:
0xe: {  	[spmem:s8], [sflag:s5] =	dma.local [hbm:s4], $0x50  }
0xf: {  	_ =	swait.ge [sflag:s9], $0x50  }
0x10: {  	[sflag:s9] =	ssyncset.done $0x0  }
0x11: {  	[sflag:s9] =	ssyncadd.s32 $0xFFFFFFB0  }
0x12: {  	[tilespmem:$0x2A80] =	vst v0  }
0x13: {  	[tilespmem:$0x2A90] =	vst v0  }
0x14: {  	[tilespmem:$0x2AA0] =	vst v0  }
0x15: {  	[tilespmem:$0x2AB0] =	vst v0  }
0x16: {  	[tilespmem:$0x2AC0] =	vst v0  }
0x17: {  	[tilespmem:$0x2AD0] =	vst v0  }
0x18: {  	[tilespmem:$0x2AE0] =	vst v0  }
0x19: {  	[tilespmem:$0x2AF0] =	vst v0  }
0x1a: {  	[tilespmem:s10], [sflag:$0x1] =	stream.linear.gather [hbm4b:s6+s3], $0x2800, $0x38;
	[tilespmem:$0x2B00] =	vst v63  }
0x1b: {  	_ =	swait.ge [sflag:s9], $0x2800  }
0x1c: {  	[sflag:s9] =	ssyncset.done $0x0  }
0x1d: {  	[sflag:s9] =	ssyncadd.s32 $0xFFFFD800  }
0x1e: {  	s17 =	simm.s32 $0x280;
	[bflag:$0x0] =	sbarrier.arrive $0xFFFF  }
0x1f: {  	[spmem:s2] =	stream.indirect.scatter.add.f32 [tilespmem:s12], [sflag:$0x1], $0x1, s17, s11, $0xb8;
	[tilespmem:$0x2B00] =	vst v63  }
0x20: {  	s17 =	simm.s32 $0x200;
	_ =	swait.ge [sflag:s9], $0x80  }
.LBB2_2:
0x21: {  	s18 =	sshra.s32 s17, $0x2;
	[sflag:s9] =	ssyncset.done $0x0;
	p0 =	sne.s32 s17, $0x9E00  }
.Ltmp0:
0x22: {  	s18 =	sadd.s32 $0x280, s18;
	[sflag:s9] =	ssyncadd.s32 $0xFFFFFF80;
	(pc) =	sbr.rel @p0 .LBB2_2-.Ltmp0, $3  }
0x23: {  	[spmem:s2] =	stream.indirect.scatter.add.f32 [tilespmem:s12], [sflag:$0x1], $0x1, s18, s11, $0xb8;
	[tilespmem:$0x2B00] =	vst v63  }
0x24: {  	s17 =	sadd.s32 $0x200, s17;
	_ =	sdelay $0x1  }
0x25: {  	_ =	swait.ge [sflag:s9], $0x80  }
0x26: {  	[sflag:s9] =	ssyncset.done $0x0;
	s16 =	sadd.s32 $0x1, s16  }
0x27: {  	[sflag:s9] =	ssyncadd.s32 $0xFFFFFF80;
	p0 =	sne.s32 s16, s7  }
.Ltmp1:
0x28: {  	[bflag:$0x0] =	sbarrier.arrive $0xFFFF;
	(pc) =	sbr.rel @p0 .LBB2_1-.Ltmp1, $4  }
0x29: {  	[hbm:s13@s14], [sflag:s5] =	dma.strided [spmem:s8@s15], $0x50, s9, $0x10   }
0x2a: {  	_ =	swait.ge [sflag:s9], $0x50  }
0x2b: {  	[sflag:s9] =	ssyncset.done $0x0  }
0x2c: {  	[sflag:s9] =	ssyncadd.s32 $0xFFFFFFB0  }
0x2d: {  	_ =	sfence.sel $0x180000  }
0x2e: {  	[bflag:$0x0] =	sbarrier.arrive $0xFFFF  }
0x2f: {  	p0 =	sne.s32 s0, $0x0;
	_ =	strace $0x90000047  }
0x30: {  	s0 =	sadd.s32 @!p0 $0x100000, s1;
	[bflag:$0x2] =	sbarrier.arrive $0xFFFF  }
0x31: {  	[sflag:s0] =	ssyncadd.tile.s32 @!p0 $0x1;
	_ =	shalt  }
.Lfunc_end2:
_tile_overlayer_lowered:
.L_overlay_start_2:
0x32: {  	(tag) =	ssettag $0x2  }
0x33: {  	s0 =	rddreg [dreg:$0x0];
	s2 =	stileid.u32  }
0x34: {  	s1 =	rddreg [dreg:$0x1];
	p0 =	sne.s32 s2, $0x0  }
0x35: {  	s3 =	rddreg [dreg:$0x2];
	[bflag:$0x3] =	sbarrier.arrive $0xFFFF;
	s2 =	simm.s32 @!p0 $0x1C01  }
0x36: {  	[timem:s3], [sflag:s2] =	dma.local @!p0 [hbm:s0], s1  }
0x37: {  	s0 =	simm.s32 @!p0 $0x1  }
0x38: {  	_ =	swait.ge @!p0 [sflag:s0], s1  }
0x39: {  	s1 =	ssub.s32 @!p0 $0x0, s1;
	[sflag:s0] =	ssyncset.done @!p0 $0x0  }
0x3a: {  	[sflag:s0] =	ssyncadd.s32 @!p0 s1  }
0x3b: {  	[bflag:$0x3] =	sbarrier.arrive $0xFFFF  }
0x3c: {  	_ =	shalt  }

// kernel: kernel.14.cloned.1.call-start
scs
__scs_entry_jumppad:
0x0: {  	(pc) =	sbr.rel $0x88, $3  }
0x1: {  	(tag) =	ssettag $0x0;
	lr =	simm.s32 $0x1  }
0x2: {  	[smem:$0x3F99] =	sst lr;
	_ =	strace $0xD0000000  }
0x3: {  	_ = 	snop  }
0x4: {  	_ = 	snop  }
0x5: {  	_ = 	snop  }
0x6: {  	_ = 	snop  }
0x7: {  	_ = 	snop  }
__scs_overlays_trampoline_lowered:
0x8: {  	[smem:$0x3FA8] =	sst s0  }
0x9: {  	[smem:$0x3FA9] =	sst s1  }
0xa: {  	[smem:$0x3FAA] =	sst s2  }
0xb: {  	[smem:$0x3FAB] =	sst s3  }
0xc: {  	[smem:$0x3FAC] =	sst s4  }
0xd: {  	[smem:$0x3FAD] =	sst s5  }
0xe: {  	[smem:$0x3FAE] =	sst s6  }
0xf: {  	[smem:$0x3FAF] =	sst s7  }
0x10: {  	[smem:$0x3FB0] =	sst s8  }
0x11: {  	[smem:$0x3FB1] =	sst s9;
	s0 =	simm.s32 @!p0 $0x0  }
0x12: {  	s1 =	sld [smem:$0x3F97];
	s0 =	simm.s32 @p0 $0x1  }
0x13: {  	[smem:$0x3FB2] =	sst s0;
	s0 =	simm.s32 @!p1 $0x0  }
0x14: {  	s2 =	sld [smem:$0x3F96];
	s0 =	simm.s32 @p1 $0x1  }
0x15: {  	[smem:$0x3FB3] =	sst s0;
	s0 =	simm.s32 @!p2 $0x0  }
0x16: {  	s3 =	sld [smem:$0x3FDB];
	s0 =	simm.s32 @p2 $0x1  }
0x17: {  	s4 =	simm.s32 $0x1BF5;
	[smem:$0x3FB5] =	sst s0  }
0x18: {  	s0 =	sld [smem:$0x3F98];
	_ =	swait.ge [sflag:s4], $0x0  }
0x19: {  	s7 =	sld [smem:$0x3F99]  }
0x1a: {  	s8 =	sadd.s32 $0xFFFFE003, lr  }
0x1b: {  	s9 =	sadd.s32 $0xFFFFFEF7, lr;
	s5 =	simm.s32 $0xFFFFFFFF;
	p2 =	slt.u32 s8, $0xFFFFF086  }
0x1c: {  	p1 =	slt.u32 s9, $0xF7A;
	s5 =	simm.s32 @!p2 $0x0  }
0x1d: {  	s5 =	simm.s32 @p1 $0x1;
	p0 =	seq.s32 s7, s2  }
0x1e: {  	s7 =	smul.u32 @!p0 $0xF7A, s2;
	p2 =	seq.s32 @!p0 s5, $0x0  }
0x1f: {  	s9 =	smul.u32 $0xF7A, s1;
	s8 =	simm.s32 @!p0 $0x1BF5;
	p2 =	por !p2, p0  }
0x20: {  	[sflag:s8] =	ssyncset.s32 @!p0 $0xFFFFF086;
	s6 =	sadd.s32 @!p0 s3, s7;
	s7 =	simm.s32 @!p0 $0x108  }
0x21: {  	s3 =	sadd.s32 s3, s9;
	s6 =	sadd.s32 @!p0 $0x88, s6;
	s7 =	simm.s32 @p2 $0x1082  }
0x22: {  	[simem:s7], [sflag:s8] =	dma.local @!p0 [hbm:s6], $0xF7A  }
0x23: {  	s9 =	sor.u32 $0xD0000000, s2;
	s6 =	simm.s32 $0x108;
	_ =	swait.ge @!p0 [sflag:s8], $0x0  }
0x24: {  	s3 =	sadd.s32 $0x88, s3;
	s6 =	simm.s32 @!p1 $0x1082;
	[sflag:s4] =	ssyncset.s32 $0xFFFFF086  }
0x25: {  	[simem:s6], [sflag:s4] =	dma.local [hbm:s3], $0xF7A  }
0x26: {  	[smem:$0x3F99] =	sst s1;
	(tag) =	ssettag s2;
	_ =	strace s9  }
0x27: {  	s1 =	sld [smem:$0x3FA9]  }
0x28: {  	s2 =	sld [smem:$0x3FAA]  }
0x29: {  	s4 =	sld [smem:$0x3FAC]  }
0x2a: {  	p0 =	seq.s32 s5, $0x0;
	s5 =	sld [smem:$0x3FAD]  }
0x2b: {  	s6 =	sld [smem:$0x3FAE]  }
0x2c: {  	s7 =	sld [smem:$0x3FAF]  }
0x2d: {  	s3 =	simm.s32 $0x108;
	s8 =	sld [smem:$0x3FB0]  }
0x2e: {  	s3 =	simm.s32 @!p0 $0x1082;
	s9 =	sld [smem:$0x3FB1]  }
0x2f: {  	lr =	sadd.s32 s0, s3;
	s0 =	sld [smem:$0x3FA8]  }
0x30: {  	s3 =	sld [smem:$0x3FAB]  }
0x31: {  	[smem:$0x3FB4] =	sst s10  }
0x32: {  	s10 =	sld [smem:$0x3FB2];
	_ =	sdelay $0x3  }
0x33: {  	p0 =	seq.s32 s10, $0x1;
	s10 =	sld [smem:$0x3FB4];
	_ =	sdelay $0x3  }
0x34: {  	[smem:$0x3FB4] =	sst s10  }
0x35: {  	s10 =	sld [smem:$0x3FB3];
	_ =	sdelay $0x3  }
0x36: {  	p1 =	seq.s32 s10, $0x1;
	s10 =	sld [smem:$0x3FB4];
	_ =	sdelay $0x3  }
0x37: {  	[smem:$0x3FB4] =	sst s10  }
0x38: {  	s10 =	sld [smem:$0x3FB5]  }
0x39: {  	_ = 	snop;
	(pc) =	sbr.ind lr, $3  }
0x3a: {  	_ = 	snop  }
0x3b: {  	_ = 	snop  }
0x3c: {  	p2 =	seq.s32 s10, $0x1;
	s10 =	sld [smem:$0x3FB4]  }
0x3d: {  	_ =	shalt  }
0x3e: {  	_ =	shalt  }
0x3f: {  	_ =	shalt  }
0x40: {  	_ =	shalt  }
0x41: {  	_ =	shalt  }
0x42: {  	_ =	shalt  }
0x43: {  	_ =	shalt  }
0x44: {  	_ =	shalt  }
0x45: {  	_ =	shalt  }
0x46: {  	_ =	shalt  }
0x47: {  	_ =	shalt  }
0x48: {  	_ =	shalt  }
0x49: {  	_ =	shalt  }
0x4a: {  	_ =	shalt  }
0x4b: {  	_ =	shalt  }
0x4c: {  	_ =	shalt  }
0x4d: {  	_ =	shalt  }
0x4e: {  	_ =	shalt  }
0x4f: {  	_ =	shalt  }
0x50: {  	_ =	shalt  }
0x51: {  	_ =	shalt  }
0x52: {  	_ =	shalt  }
0x53: {  	_ =	shalt  }
0x54: {  	_ =	shalt  }
0x55: {  	_ =	shalt  }
0x56: {  	_ =	shalt  }
0x57: {  	_ =	shalt  }
0x58: {  	_ =	shalt  }
0x59: {  	_ =	shalt  }
0x5a: {  	_ =	shalt  }
0x5b: {  	_ =	shalt  }
0x5c: {  	_ =	shalt  }
0x5d: {  	_ =	shalt  }
0x5e: {  	_ =	shalt  }
0x5f: {  	_ =	shalt  }
0x60: {  	_ =	shalt  }
0x61: {  	_ =	shalt  }
0x62: {  	_ =	shalt  }
0x63: {  	_ =	shalt  }
0x64: {  	_ =	shalt  }
0x65: {  	_ =	shalt  }
0x66: {  	_ =	shalt  }
0x67: {  	_ =	shalt  }
0x68: {  	_ =	shalt  }
0x69: {  	_ =	shalt  }
0x6a: {  	_ =	shalt  }
0x6b: {  	_ =	shalt  }
0x6c: {  	_ =	shalt  }
0x6d: {  	_ =	shalt  }
0x6e: {  	_ =	shalt  }
0x6f: {  	_ =	shalt  }
0x70: {  	_ =	shalt  }
0x71: {  	_ =	shalt  }
0x72: {  	_ =	shalt  }
0x73: {  	_ =	shalt  }
0x74: {  	_ =	shalt  }
0x75: {  	_ =	shalt  }
0x76: {  	_ =	shalt  }
0x77: {  	_ =	shalt  }
0x78: {  	_ =	shalt  }
0x79: {  	_ =	shalt  }
0x7a: {  	_ =	shalt  }
0x7b: {  	_ =	shalt  }
0x7c: {  	_ =	shalt  }
0x7d: {  	_ =	shalt  }
0x7e: {  	_ =	shalt  }
0x7f: {  	_ =	shalt  }
0x80: {  	_ =	shalt  }
0x81: {  	_ =	shalt  }
0x82: {  	_ =	shalt  }
0x83: {  	_ =	shalt  }
0x84: {  	_ =	shalt  }
0x85: {  	_ =	shalt  }
0x86: {  	_ =	shalt  }
0x87: {  	_ =	shalt  }
.Lfunc_end0:
.L_simem_size_0:
called_computation.1_lowered:
.L_overlay_start_0:
0x88: {  	s2 =	sld [smem:$0x3FD9]  }
0x89: {  	s3 =	sld [smem:$0x3FFE];
	_ =	sdelay $0x1  }
0x8a: {  	s1 =	srdreg.scid  }
0x8b: {  	s0 =	sand.u32 $0x1, s1  }
0x8c: {  	s17 =	sshll.u32 s0, $0xA;
	s2 =	sadd.s32 s3, s2  }
0x8d: {  	s2 =	sadd.s32 s2, s17  }
0x8e: {  	[smem:$0x3FC0] =	sst s2  }
0x8f: {  	_ = 	snop  }
0x90: {  	s2 =	sld [smem:$0x3FD0];
	(tm) =	ssettm $0x1  }
0x91: {  	s18 =	sld [smem:$0x3FFB];
	_ =	sdelay $0x3  }
0x92: {  	_ =	strace s18  }
0x93: {  	s3 =	sld [smem:$0x3FFC];
	_ =	sdelay $0x3  }
0x94: {  	_ =	strace s3  }
0x95: {  	s3 =	sld [smem:$0x3FFD];
	_ =	sdelay $0x3  }
0x96: {  	_ =	strace s3  }
0x97: {  	_ =	strace $0x8FFFFFFF  }
0x98: {  	s19 =	sld [smem:$0x3FDB];
	_ =	sdelay $0x1  }
0x99: {  	s4 =	simm.s32 $_scs_section_size  }
0x9a: {  	s5 =	simm.s32 $_size__tile_overlayer_lowered;
	s6 =	simm.s32 $_tile_overlayer_lowered  }
0x9b: {  	s22 =	simm.s32 $0x1BFF;
	s21 =	sshll.u32 s6, $0x1;
	s3 =	sadd.s32 s4, s19  }
0x9c: {  	s7 =	simm.s32 $0x0;
	s20 =	sshll.u32 s5, $0x1;
	s5 =	sadd.s32 s21, s3  }
0x9d: {  	[timem:s7], [sflag:s22] =	dma.local [hbm:s5], s20  }
0x9e: {  	_ =	swait.ge [sflag:s22], s20  }
0x9f: {  	s4 =	ssub.s32 $0x0, s20;
	[sflag:s22] =	ssyncset.done $0x0  }
0xa0: {  	[sflag:s22] =	ssyncadd.s32 s4;
	_ =	sdelay $0x1  }
0xa1: {  	s23 =	simm.s32 $0x1B8B  }
0xa2: {  	_ =	swait.ge [sflag:s23], $0x1  }
0xa3: {  	[sflag:s23] =	ssyncset.done $0x0  }
0xa4: {  	s25 =	simm.s32 $0x1B8E;
	s24 =	sld [smem:$0x3FFE];
	[sflag:s23] =	ssyncadd.s32 $0xFFFFFFFF  }
0xa5: {  	s26 =	simm.s32 $execute0_lowered;
	[smem:$0x3FD2] =	sst s25  }
0xa6: {  	s5 =	sshll.u32 s26, $0x1;
	_ =	strace $0x80000049;
	[dreg:$0x1] =	wrdreg $0xFFFFFFFF  }
0xa7: {  	s28 =	simm.s32 $_size_execute0_lowered;
	s3 =	sadd.s32 s3, s5;
	[dreg:$0x0] =	wrdreg $0x0  }
0xa8: {  	s5 =	sshll.u32 s28, $0x1;
	[dreg:$0x2] =	wrdreg s3  }
0xa9: {  	[dreg:$0x3] =	wrdreg s5  }
0xaa: {  	[dreg:$0x4] =	wrdreg $0xC0  }
0xab: {  	_ =	task [dreg:s7], $0x5FFFF  }
0xac: {  	[dreg:$0x1] =	wrdreg $0xFFFFFFFF  }
0xad: {  	[dreg:$0x0] =	wrdreg $0x60  }
0xae: {  	[dreg:$0x2] =	wrdreg s24  }
0xaf: {  	[dreg:$0x3] =	wrdreg s2  }
0xb0: {  	[dreg:$0x4] =	wrdreg $0x0  }
0xb1: {  	[dreg:$0x5] =	wrdreg $0x9  }
0xb2: {  	_ =	task.clear_ibuf [dreg:s7], $0x6FFFF;
	_ =	strace $0x90000049  }
0xb3: {  	s29 =	simm.s32 $0x9;
	_ =	strace $0x8000004B  }
0xb4: {  	_ =	swait.ge [sflag:s29], $0x1  }
0xb5: {  	[sflag:s29] =	ssyncadd.s32 $0xFFFFFFFF  }
0xb6: {  	_ =	strace $0x9000004B  }
0xb7: {  	_ =	sfence  }
0xb8: {  	s30 =	sld [smem:$0x0];
	_ =	sdelay $0x2  }
0xb9: {  	s31 =	sshll.u32 s1, $0xD;
	s1 =	sshrl.u32 s1, $0x2  }
0xba: {  	s3 =	sand.u32 $0x4000, s31;
	s1 =	sadd.s32 s1, s30  }
0xbb: {  	s0 =	sor.u32 s3, s0;
	s1 =	sshll.u32 s1, $0x11  }
0xbc: {  	s0 =	sor.u32 s1, s0  }
0xbd: {  	s0 =	sadd.s32 $0x8F2B, s0  }
0xbe: {  	[sflag:s0] =	ssyncadd.remote.s32 $0x1  }
0xbf: {  	_ =	sfence.sel $0xFFFF  }
0xc0: {  	[dreg:$0x0] =	wrdreg $0xFFFFFFFF;
	(pc) =	sbr.abs _section_cstart, $3  }
0xc1: {  	[dreg:$0x1] =	wrdreg $0xFFFFFFFF  }
0xc2: {  	_ =	task.clear_ibuf [dreg:s7], $0x2FFFF;
	_ =	strace $0x9FFFFFFF  }
0xc3: {  	(tm) =	ssettm $0x7FFFFFFF  }
tec
execute0_lowered:
.L_overlay_start_1:
0x0: {  	(tag) =	ssettag $0x1  }
0x1: {  	s5 =	rddreg [dreg:$0x0]  }
0x2: {  	s1 =	srdreg.scid;
	s8 =	rddreg [dreg:$0x1]  }
0x3: {  	s0 =	stileid.u32;
	s2 =	rddreg [dreg:$0x2]  }
0x4: {  	s3 =	simm.s32 $0x0;
	s16 =	simm.s32 $0x16800;
	s17 =	simm.s32 $0x3  }
0x5: {  	s18 =	simm.s32 $0x1A800;
	s19 =	simm.s32 $0x1;
	s20 =	simm.s32 $0x2  }
0x6: {  	s21 =	simm.s32 $0x15380;
	s22 =	simm.s32 $0x16700;
	s23 =	simm.s32 $0x16780  }
0x7: {  	s26 =	simm.s32 $0x0;
	s6 =	sand.u32 $0x1, s1;
	s24 =	smul.u32 $0x2800, s0  }
0x8: {  	s30 =	sshll.u32 s0, $0x1;
	[smem:$0x7FF] =	sst s3;
	s10 =	smul.u32 $0x50000, s0  }
0x9: {  	s4 =	sor.u32 s6, s30;
	_ =	strace $0x8000004A;
	s7 =	smul.u32 $0x28000, s6  }
0xa: {  	s6 =	ssub.s32 $0x2, s6;
	s9 =	smul.u32 $0x500, s4;
	s4 =	sadd.s32 $0xD000, s5  }
0xb: {  	s12 =	sadd.s32 s24, s5;
	s13 =	sshrl.u32 s6, $0x1;
	s31 =	sshrl.u32 s10, $0x2  }
0xc: {  	s14 =	sadd.s32 s7, s5;
	s13 =	ssub.s32 s6, s13;
	s15 =	sadd.s32 s31, s2  }
0xd: {  	s6 =	sshll.u32 s0, $0x6;
	s11 =	sadd.s32 s9, s5;
	s5 =	sadd.s32 $0x35000, s12  }
0xe: {  	s7 =	sor.u32 $0x1C03, s6;
	s8 =	sadd.s32 s8, s9;
	s25 =	sadd.s32 $0x5D000, s14  }
0xf: {  	s10 =	smax.u32 s13, $0x1;
	s12 =	simm.s32 $0x14000;
	s13 =	simm.s32 $0x4  }
0x10: {  	s14 =	simm.s32 $0x15400;
	s9 =	sadd.s32 $0x3000, s11;
	s11 =	sshrl.u32 s15, $0x3  }
0x11: {  	s15 =	simm.s32 $0x80;
	s24 =	sadd.s32 s24, s25;
	s25 =	sadd.s32 $0x280, s8  }
.LBB2_1:
0x12: {  	[spmem:s11], [sflag:s7] =	dma.local [hbm:s5], $0x2800  }
0x13: {  	[tilespmem:s12], [sflag:$0x4] =	stream.linear.gather [hbm4b:s8+s3], $0x1400, $0x38;
	[tilespmem:$0x1E800] =	vst v63  }
0x14: {  	_ =	swait.ge [sflag:s13], $0x1400  }
0x15: {  	[sflag:s13] =	ssyncset.done $0x0  }
0x16: {  	[sflag:s13] =	ssyncadd.s32 $0xFFFFEC00  }
0x17: {  	[tilespmem:s14], [sflag:$0x4] =	stream.linear.gather [hbm4b:s9+s3], $0x1400, $0x38;
	[tilespmem:$0x1E800] =	vst v63  }
0x18: {  	_ =	swait.ge [sflag:s13], $0x1400  }
0x19: {  	[sflag:s13] =	ssyncset.done $0x0  }
0x1a: {  	[sflag:s13] =	ssyncadd.s32 $0xFFFFEC00  }
0x1b: {  	[tilespmem:s16], [sflag:$0x1] =	stream.indirect.gather [hbm4b:s4+s15], $0x80, s12, s15, $0xb8;
	[tilespmem:$0x1E800] =	vst v63  }
0x1c: {  	_ =	swait.ge [sflag:s17], $0x2800  }
0x1d: {  	[sflag:s17] =	ssyncset.done $0x0  }
0x1e: {  	[sflag:s17] =	ssyncadd.s32 $0xFFFFD800  }
0x1f: {  	s28 =	simm.s32 $0x14080;
	[bflag:$0x0] =	sbarrier.arrive $0xFFFF  }
0x20: {  	[tilespmem:s18], [sflag:$0x2] =	stream.indirect.gather [hbm4b:s4+s15], $0x80, s28, s15, $0xb8;
	[tilespmem:$0x1E800] =	vst v63  }
0x21: {  	_ =	swait.ge [sflag:s19], $0x4000  }
0x22: {  	[sflag:s19] =	ssyncset.done $0x0  }
0x23: {  	s28 =	simm.s32 $0x15400;
	[sflag:s19] =	ssyncadd.s32 $0xFFFFC000  }
0x24: {  	[spmem:s2] =	stream.indirect.scatter.add.f32 [tilespmem:s16], [sflag:$0x4], $0x80, s28, s15, $0xb8;
	[tilespmem:$0x1E800] =	vst v63  }
0x25: {  	_ =	swait.ge [sflag:s13], $0x4000  }
0x26: {  	[sflag:s13] =	ssyncset.done $0x0  }
0x27: {  	s28 =	simm.s32 $0x14100;
	[sflag:s13] =	ssyncadd.s32 $0xFFFFC000  }
0x28: {  	[tilespmem:s16], [sflag:$0x1] =	stream.indirect.gather [hbm4b:s4+s15], $0x80, s28, s15, $0xb8;
	[tilespmem:$0x1E800] =	vst v63  }
0x29: {  	_ =	swait.ge [sflag:s20], $0x4000  }
0x2a: {  	[sflag:s20] =	ssyncset.done $0x0  }
0x2b: {  	s28 =	simm.s32 $0x15480;
	[sflag:s20] =	ssyncadd.s32 $0xFFFFC000  }
0x2c: {  	[spmem:s2] =	stream.indirect.scatter.add.f32 [tilespmem:s18], [sflag:$0x4], $0x80, s28, s15, $0xb8;
	[tilespmem:$0x1E800] =	vst v63  }
0x2d: {  	_ =	swait.ge [sflag:s13], $0x4000  }
0x2e: {  	s29 =	simm.s32 $0x800;
	s28 =	simm.s32 $0x100;
	[sflag:s13] =	ssyncset.done $0x0  }
.LBB2_2:
0x2f: {  	s30 =	sadd.s32 $0x14080, s28  }
0x30: {  	[sflag:s13] =	ssyncadd.s32 $0xFFFFC000;
	s31 =	smov.u32 s29;
	s1 =	sadd.s32 $0x400, s29  }
0x31: {  	[tilespmem:s18], [sflag:$0x2] =	stream.indirect.gather [hbm4b:s4+s15], $0x80, s30, s15, $0xb8;
	[tilespmem:$0x1E800] =	vst v63  }
0x32: {  	p0 =	sne.s32 s29, $0x4800;
	_ =	swait.ge [sflag:s19], $0x4000  }
0x33: {  	[sflag:s19] =	ssyncset.done $0x0  }
0x34: {  	s29 =	sadd.s32 $0x15400, s28;
	[sflag:s19] =	ssyncadd.s32 $0xFFFFC000  }
0x35: {  	[spmem:s2] =	stream.indirect.scatter.add.f32 [tilespmem:s16], [sflag:$0x4], $0x80, s29, s15, $0xb8;
	[tilespmem:$0x1E800] =	vst v63  }
0x36: {  	_ =	swait.ge [sflag:s13], $0x4000  }
0x37: {  	[sflag:s13] =	ssyncset.done $0x0  }
0x38: {  	s29 =	sadd.s32 $0x14100, s28;
	[sflag:s13] =	ssyncadd.s32 $0xFFFFC000  }
0x39: {  	[tilespmem:s16], [sflag:$0x1] =	stream.indirect.gather [hbm4b:s4+s15], $0x80, s29, s15, $0xb8;
	[tilespmem:$0x1E800] =	vst v63  }
0x3a: {  	_ =	swait.ge [sflag:s20], $0x4000  }
.Ltmp0:
0x3b: {  	[sflag:s20] =	ssyncset.done $0x0;
	(pc) =	sbr.rel @p0 .LBB2_2-.Ltmp0, $4  }
0x3c: {  	s28 =	sadd.s32 $0x15480, s28;
	[sflag:s20] =	ssyncadd.s32 $0xFFFFC000  }
0x3d: {  	[spmem:s2] =	stream.indirect.scatter.add.f32 [tilespmem:s18], [sflag:$0x4], $0x80, s28, s15, $0xb8;
	[tilespmem:$0x1E800] =	vst v63  }
0x3e: {  	_ =	swait.ge [sflag:s13], $0x4000  }
0x3f: {  	s29 =	smov.u32 s1;
	s28 =	sshra.s32 s31, $0x2;
	[sflag:s13] =	ssyncset.done $0x0  }
0x40: {  	s1 =	sadd.s32 $0x14080, s28;
	[sflag:s13] =	ssyncadd.s32 $0xFFFFC000  }
0x41: {  	[tilespmem:s18], [sflag:$0x2] =	stream.indirect.gather [hbm4b:s4+s15], $0x80, s1, s15, $0xb8;
	[tilespmem:$0x1E800] =	vst v63  }
0x42: {  	_ =	swait.ge [sflag:s19], $0x4000  }
0x43: {  	[sflag:s19] =	ssyncset.done $0x0  }
0x44: {  	s30 =	sadd.s32 $0x15400, s28;
	[sflag:s19] =	ssyncadd.s32 $0xFFFFC000  }
0x45: {  	[spmem:s2] =	stream.indirect.scatter.add.f32 [tilespmem:s16], [sflag:$0x4], $0x80, s30, s15, $0xb8;
	[tilespmem:$0x1E800] =	vst v63  }
0x46: {  	_ =	swait.ge [sflag:s13], $0x4000  }
0x47: {  	[sflag:s13] =	ssyncset.done $0x0  }
0x48: {  	s31 =	sadd.s32 $0x14100, s28;
	[sflag:s13] =	ssyncadd.s32 $0xFFFFC000  }
0x49: {  	[tilespmem:s16], [sflag:$0x1] =	stream.indirect.gather [hbm4b:s4+s15], $0x80, s31, s15, $0xb8;
	[tilespmem:$0x1E800] =	vst v63  }
0x4a: {  	_ =	swait.ge [sflag:s20], $0x4000  }
0x4b: {  	[sflag:s20] =	ssyncset.done $0x0  }
0x4c: {  	s30 =	sadd.s32 $0x15480, s28;
	[sflag:s20] =	ssyncadd.s32 $0xFFFFC000  }
0x4d: {  	[spmem:s2] =	stream.indirect.scatter.add.f32 [tilespmem:s18], [sflag:$0x4], $0x80, s30, s15, $0xb8;
	[tilespmem:$0x1E800] =	vst v63  }
0x4e: {  	_ =	swait.ge [sflag:s13], $0x4000  }
0x4f: {  	[sflag:s13] =	ssyncset.done $0x0  }
0x50: {  	[sflag:s13] =	ssyncadd.s32 $0xFFFFC000  }
0x51: {  	[tilespmem:s18], [sflag:$0x2] =	stream.indirect.gather [hbm4b:s4+s15], $0x80, s21, s15, $0xb8;
	[tilespmem:$0x1E800] =	vst v63  }
0x52: {  	_ =	swait.ge [sflag:s19], $0x4000  }
0x53: {  	[sflag:s19] =	ssyncset.done $0x0  }
0x54: {  	[sflag:s19] =	ssyncadd.s32 $0xFFFFC000  }
0x55: {  	[spmem:s2] =	stream.indirect.scatter.add.f32 [tilespmem:s16], [sflag:$0x4], $0x80, s22, s15, $0xb8;
	[tilespmem:$0x1E800] =	vst v63  }
0x56: {  	_ =	swait.ge [sflag:s13], $0x4000  }
0x57: {  	[sflag:s13] =	ssyncset.done $0x0  }
0x58: {  	[sflag:s13] =	ssyncadd.s32 $0xFFFFC000  }
0x59: {  	_ =	swait.ge [sflag:s20], $0x4000  }
0x5a: {  	[sflag:s20] =	ssyncset.done $0x0  }
0x5b: {  	[sflag:s20] =	ssyncadd.s32 $0xFFFFC000  }
0x5c: {  	[spmem:s2] =	stream.indirect.scatter.add.f32 [tilespmem:s18], [sflag:$0x4], $0x80, s23, s15, $0xb8;
	[tilespmem:$0x1E800] =	vst v63  }
0x5d: {  	_ =	swait.ge [sflag:s13], $0x4000  }
0x5e: {  	[sflag:s13] =	ssyncset.done $0x0  }
0x5f: {  	s31 =	simm.s32 $0x0;
	[sflag:s13] =	ssyncadd.s32 $0xFFFFC000  }
0x60: {  	[tilespmem:s12], [sflag:$0x4] =	stream.linear.gather [hbm4b:s25+s31], $0x1400, $0x38;
	[tilespmem:$0x1E800] =	vst v63  }
0x61: {  	_ =	swait.ge [sflag:s13], $0x1400  }
0x62: {  	[sflag:s13] =	ssyncset.done $0x0  }
0x63: {  	s28 =	sadd.s32 $0x280, s9;
	[sflag:s13] =	ssyncadd.s32 $0xFFFFEC00  }
0x64: {  	[tilespmem:s14], [sflag:$0x4] =	stream.linear.gather [hbm4b:s28+s31], $0x1400, $0x38;
	[tilespmem:$0x1E800] =	vst v63  }
0x65: {  	_ =	swait.ge [sflag:s13], $0x1400  }
0x66: {  	[sflag:s13] =	ssyncset.done $0x0  }
0x67: {  	[sflag:s13] =	ssyncadd.s32 $0xFFFFEC00  }
0x68: {  	[tilespmem:s16], [sflag:$0x1] =	stream.indirect.gather [hbm4b:s4+s15], $0x80, s12, s15, $0xb8;
	[tilespmem:$0x1E800] =	vst v63  }
0x69: {  	s30 =	simm.s32 $0x14080  }
0x6a: {  	[tilespmem:s18], [sflag:$0x2] =	stream.indirect.gather [hbm4b:s4+s15], $0x80, s30, s15, $0xb8;
	[tilespmem:$0x1E800] =	vst v63  }
0x6b: {  	_ =	swait.ge [sflag:s19], $0x4000  }
0x6c: {  	[sflag:s19] =	ssyncset.done $0x0  }
0x6d: {  	s31 =	simm.s32 $0x15400;
	[sflag:s19] =	ssyncadd.s32 $0xFFFFC000  }
0x6e: {  	[spmem:s2] =	stream.indirect.scatter.add.f32 [tilespmem:s16], [sflag:$0x4], $0x80, s31, s15, $0xb8;
	[tilespmem:$0x1E800] =	vst v63  }
0x6f: {  	_ =	swait.ge [sflag:s13], $0x4000  }
0x70: {  	[sflag:s13] =	ssyncset.done $0x0  }
0x71: {  	s30 =	simm.s32 $0x14100;
	[sflag:s13] =	ssyncadd.s32 $0xFFFFC000  }
0x72: {  	[tilespmem:s16], [sflag:$0x1] =	stream.indirect.gather [hbm4b:s4+s15], $0x80, s30, s15, $0xb8;
	[tilespmem:$0x1E800] =	vst v63  }
0x73: {  	_ =	swait.ge [sflag:s20], $0x4000  }
0x74: {  	[sflag:s20] =	ssyncset.done $0x0  }
0x75: {  	s31 =	simm.s32 $0x15480;
	[sflag:s20] =	ssyncadd.s32 $0xFFFFC000  }
0x76: {  	[spmem:s2] =	stream.indirect.scatter.add.f32 [tilespmem:s18], [sflag:$0x4], $0x80, s31, s15, $0xb8;
	[tilespmem:$0x1E800] =	vst v63  }
0x77: {  	_ =	swait.ge [sflag:s13], $0x4000  }
0x78: {  	s29 =	simm.s32 $0x800;
	s28 =	simm.s32 $0x100;
	[sflag:s13] =	ssyncset.done $0x0  }
.LBB2_4:
0x79: {  	s1 =	sadd.s32 $0x14080, s28  }
0x7a: {  	[sflag:s13] =	ssyncadd.s32 $0xFFFFC000;
	s30 =	smov.u32 s29;
	s31 =	sadd.s32 $0x400, s29  }
0x7b: {  	[tilespmem:s18], [sflag:$0x2] =	stream.indirect.gather [hbm4b:s4+s15], $0x80, s1, s15, $0xb8;
	[tilespmem:$0x1E800] =	vst v63  }
0x7c: {  	p0 =	sne.s32 s29, $0x4800;
	_ =	swait.ge [sflag:s19], $0x4000  }
0x7d: {  	[sflag:s19] =	ssyncset.done $0x0  }
0x7e: {  	s1 =	sadd.s32 $0x15400, s28;
	[sflag:s19] =	ssyncadd.s32 $0xFFFFC000  }
0x7f: {  	[spmem:s2] =	stream.indirect.scatter.add.f32 [tilespmem:s16], [sflag:$0x4], $0x80, s1, s15, $0xb8;
	[tilespmem:$0x1E800] =	vst v63  }
0x80: {  	_ =	swait.ge [sflag:s13], $0x4000  }
0x81: {  	[sflag:s13] =	ssyncset.done $0x0  }
0x82: {  	s1 =	sadd.s32 $0x14100, s28;
	[sflag:s13] =	ssyncadd.s32 $0xFFFFC000  }
0x83: {  	[tilespmem:s16], [sflag:$0x1] =	stream.indirect.gather [hbm4b:s4+s15], $0x80, s1, s15, $0xb8;
	[tilespmem:$0x1E800] =	vst v63  }
0x84: {  	_ =	swait.ge [sflag:s20], $0x4000  }
.Ltmp1:
0x85: {  	[sflag:s20] =	ssyncset.done $0x0;
	(pc) =	sbr.rel @p0 .LBB2_4-.Ltmp1, $4  }
0x86: {  	s1 =	sadd.s32 $0x15480, s28;
	[sflag:s20] =	ssyncadd.s32 $0xFFFFC000  }
0x87: {  	[spmem:s2] =	stream.indirect.scatter.add.f32 [tilespmem:s18], [sflag:$0x4], $0x80, s1, s15, $0xb8;
	[tilespmem:$0x1E800] =	vst v63  }
0x88: {  	_ =	swait.ge [sflag:s13], $0x4000  }
0x89: {  	s29 =	smov.u32 s31;
	s28 =	sshra.s32 s30, $0x2;
	[sflag:s13] =	ssyncset.done $0x0  }
0x8a: {  	s1 =	sadd.s32 $0x14080, s28;
	[sflag:s13] =	ssyncadd.s32 $0xFFFFC000  }
0x8b: {  	[tilespmem:s18], [sflag:$0x2] =	stream.indirect.gather [hbm4b:s4+s15], $0x80, s1, s15, $0xb8;
	[tilespmem:$0x1E800] =	vst v63  }
0x8c: {  	_ =	swait.ge [sflag:s19], $0x4000  }
0x8d: {  	[sflag:s19] =	ssyncset.done $0x0  }
0x8e: {  	s31 =	sadd.s32 $0x15400, s28;
	[sflag:s19] =	ssyncadd.s32 $0xFFFFC000  }
0x8f: {  	[spmem:s2] =	stream.indirect.scatter.add.f32 [tilespmem:s16], [sflag:$0x4], $0x80, s31, s15, $0xb8;
	[tilespmem:$0x1E800] =	vst v63  }
0x90: {  	_ =	swait.ge [sflag:s13], $0x4000  }
0x91: {  	[sflag:s13] =	ssyncset.done $0x0  }
0x92: {  	s29 =	sadd.s32 $0x14100, s28;
	[sflag:s13] =	ssyncadd.s32 $0xFFFFC000  }
0x93: {  	[tilespmem:s16], [sflag:$0x1] =	stream.indirect.gather [hbm4b:s4+s15], $0x80, s29, s15, $0xb8;
	[tilespmem:$0x1E800] =	vst v63  }
0x94: {  	_ =	swait.ge [sflag:s20], $0x4000  }
0x95: {  	[sflag:s20] =	ssyncset.done $0x0  }
0x96: {  	s30 =	sadd.s32 $0x15480, s28;
	[sflag:s20] =	ssyncadd.s32 $0xFFFFC000  }
0x97: {  	[spmem:s2] =	stream.indirect.scatter.add.f32 [tilespmem:s18], [sflag:$0x4], $0x80, s30, s15, $0xb8;
	[tilespmem:$0x1E800] =	vst v63  }
0x98: {  	_ =	swait.ge [sflag:s13], $0x4000  }
0x99: {  	[sflag:s13] =	ssyncset.done $0x0  }
0x9a: {  	[sflag:s13] =	ssyncadd.s32 $0xFFFFC000  }
0x9b: {  	[tilespmem:s18], [sflag:$0x2] =	stream.indirect.gather [hbm4b:s4+s15], $0x80, s21, s15, $0xb8;
	[tilespmem:$0x1E800] =	vst v63  }
0x9c: {  	_ =	swait.ge [sflag:s19], $0x4000  }
0x9d: {  	[sflag:s19] =	ssyncset.done $0x0  }
0x9e: {  	[sflag:s19] =	ssyncadd.s32 $0xFFFFC000  }
0x9f: {  	[spmem:s2] =	stream.indirect.scatter.add.f32 [tilespmem:s16], [sflag:$0x4], $0x80, s22, s15, $0xb8;
	[tilespmem:$0x1E800] =	vst v63  }
0xa0: {  	_ =	swait.ge [sflag:s13], $0x4000  }
0xa1: {  	[sflag:s13] =	ssyncset.done $0x0  }
0xa2: {  	[sflag:s13] =	ssyncadd.s32 $0xFFFFC000  }
0xa3: {  	_ =	swait.ge [sflag:s20], $0x4000  }
0xa4: {  	[sflag:s20] =	ssyncset.done $0x0  }
0xa5: {  	[sflag:s20] =	ssyncadd.s32 $0xFFFFC000  }
0xa6: {  	[spmem:s2] =	stream.indirect.scatter.add.f32 [tilespmem:s18], [sflag:$0x4], $0x80, s23, s15, $0xb8;
	[tilespmem:$0x1E800] =	vst v63  }
0xa7: {  	_ =	swait.ge [sflag:s13], $0x4000  }
0xa8: {  	s26 =	sadd.s32 $0x1, s26;
	[sflag:s13] =	ssyncset.done $0x0  }
0xa9: {  	p0 =	sne.s32 s26, s10;
	[sflag:s13] =	ssyncadd.s32 $0xFFFFC000  }
.Ltmp2:
0xaa: {  	s31 =	sor.u32 $0x1C04, s6;
	[bflag:$0x0] =	sbarrier.arrive $0xFFFF;
	(pc) =	sbr.rel @p0 .LBB2_1-.Ltmp2, $4  }
0xab: {  	[hbm:s24], [sflag:s31] =	dma.local [spmem:s11], $0x2800  }
0xac: {  	_ =	swait.ge [sflag:s13], $0x2800  }
0xad: {  	[sflag:s13] =	ssyncset.done $0x0  }
0xae: {  	[sflag:s13] =	ssyncadd.s32 $0xFFFFD800  }
0xaf: {  	_ =	sfence.sel $0x180000  }
0xb0: {  	[bflag:$0x0] =	sbarrier.arrive $0xFFFF  }
0xb1: {  	_ =	strace $0x9000004A  }
0xb2: {  	[bflag:$0x2] =	sbarrier.arrive $0xFFFF  }
0xb3: {  	p0 =	sne.s32 s0, $0x0;
	s0 =	rddreg [dreg:$0x3]  }
0xb4: {  	s0 =	sadd.s32 @!p0 $0x100000, s0  }
0xb5: {  	[sflag:s0] =	ssyncadd.tile.s32 @!p0 $0x1;
	_ =	shalt  }
.Lfunc_end2:
_tile_overlayer_lowered:
.L_overlay_start_2:
0xb6: {  	(tag) =	ssettag $0x2  }
0xb7: {  	s0 =	rddreg [dreg:$0x0];
	s2 =	stileid.u32  }
0xb8: {  	s1 =	rddreg [dreg:$0x1];
	p0 =	sne.s32 s2, $0x0  }
0xb9: {  	s3 =	rddreg [dreg:$0x2];
	[bflag:$0x3] =	sbarrier.arrive $0xFFFF;
	s2 =	simm.s32 @!p0 $0x1C04  }
0xba: {  	[timem:s3], [sflag:s2] =	dma.local @!p0 [hbm:s0], s1  }
0xbb: {  	s0 =	simm.s32 @!p0 $0x4  }
0xbc: {  	_ =	swait.ge @!p0 [sflag:s0], s1  }
0xbd: {  	s1 =	ssub.s32 @!p0 $0x0, s1;
	[sflag:s0] =	ssyncset.done @!p0 $0x0  }
0xbe: {  	[sflag:s0] =	ssyncadd.s32 @!p0 s1  }
0xbf: {  	[bflag:$0x3] =	sbarrier.arrive $0xFFFF  }
0xc0: {  	_ =	shalt  }

// kernel: kernel.17.cloned.1.call-start
scs
__scs_entry_jumppad:
0x0: {  	(pc) =	sbr.rel $0x88, $3  }
0x1: {  	(tag) =	ssettag $0x0;
	lr =	simm.s32 $0x1  }
0x2: {  	[smem:$0x3F99] =	sst lr;
	_ =	strace $0xD0000000  }
0x3: {  	_ = 	snop  }
0x4: {  	_ = 	snop  }
0x5: {  	_ = 	snop  }
0x6: {  	_ = 	snop  }
0x7: {  	_ = 	snop  }
__scs_overlays_trampoline_lowered:
0x8: {  	[smem:$0x3FA8] =	sst s0  }
0x9: {  	[smem:$0x3FA9] =	sst s1  }
0xa: {  	[smem:$0x3FAA] =	sst s2  }
0xb: {  	[smem:$0x3FAB] =	sst s3  }
0xc: {  	[smem:$0x3FAC] =	sst s4  }
0xd: {  	[smem:$0x3FAD] =	sst s5  }
0xe: {  	[smem:$0x3FAE] =	sst s6  }
0xf: {  	[smem:$0x3FAF] =	sst s7  }
0x10: {  	[smem:$0x3FB0] =	sst s8  }
0x11: {  	[smem:$0x3FB1] =	sst s9;
	s0 =	simm.s32 @!p0 $0x0  }
0x12: {  	s1 =	sld [smem:$0x3F97];
	s0 =	simm.s32 @p0 $0x1  }
0x13: {  	[smem:$0x3FB2] =	sst s0;
	s0 =	simm.s32 @!p1 $0x0  }
0x14: {  	s2 =	sld [smem:$0x3F96];
	s0 =	simm.s32 @p1 $0x1  }
0x15: {  	[smem:$0x3FB3] =	sst s0;
	s0 =	simm.s32 @!p2 $0x0  }
0x16: {  	s3 =	sld [smem:$0x3FDB];
	s0 =	simm.s32 @p2 $0x1  }
0x17: {  	s4 =	simm.s32 $0x1BF5;
	[smem:$0x3FB5] =	sst s0  }
0x18: {  	s0 =	sld [smem:$0x3F98];
	_ =	swait.ge [sflag:s4], $0x0  }
0x19: {  	s7 =	sld [smem:$0x3F99]  }
0x1a: {  	s8 =	sadd.s32 $0xFFFFE003, lr  }
0x1b: {  	s9 =	sadd.s32 $0xFFFFFEF7, lr;
	s5 =	simm.s32 $0xFFFFFFFF;
	p2 =	slt.u32 s8, $0xFFFFF086  }
0x1c: {  	p1 =	slt.u32 s9, $0xF7A;
	s5 =	simm.s32 @!p2 $0x0  }
0x1d: {  	s5 =	simm.s32 @p1 $0x1;
	p0 =	seq.s32 s7, s2  }
0x1e: {  	s7 =	smul.u32 @!p0 $0xF7A, s2;
	p2 =	seq.s32 @!p0 s5, $0x0  }
0x1f: {  	s9 =	smul.u32 $0xF7A, s1;
	s8 =	simm.s32 @!p0 $0x1BF5;
	p2 =	por !p2, p0  }
0x20: {  	[sflag:s8] =	ssyncset.s32 @!p0 $0xFFFFF086;
	s6 =	sadd.s32 @!p0 s3, s7;
	s7 =	simm.s32 @!p0 $0x108  }
0x21: {  	s3 =	sadd.s32 s3, s9;
	s6 =	sadd.s32 @!p0 $0x88, s6;
	s7 =	simm.s32 @p2 $0x1082  }
0x22: {  	[simem:s7], [sflag:s8] =	dma.local @!p0 [hbm:s6], $0xF7A  }
0x23: {  	s9 =	sor.u32 $0xD0000000, s2;
	s6 =	simm.s32 $0x108;
	_ =	swait.ge @!p0 [sflag:s8], $0x0  }
0x24: {  	s3 =	sadd.s32 $0x88, s3;
	s6 =	simm.s32 @!p1 $0x1082;
	[sflag:s4] =	ssyncset.s32 $0xFFFFF086  }
0x25: {  	[simem:s6], [sflag:s4] =	dma.local [hbm:s3], $0xF7A  }
0x26: {  	[smem:$0x3F99] =	sst s1;
	(tag) =	ssettag s2;
	_ =	strace s9  }
0x27: {  	s1 =	sld [smem:$0x3FA9]  }
0x28: {  	s2 =	sld [smem:$0x3FAA]  }
0x29: {  	s4 =	sld [smem:$0x3FAC]  }
0x2a: {  	p0 =	seq.s32 s5, $0x0;
	s5 =	sld [smem:$0x3FAD]  }
0x2b: {  	s6 =	sld [smem:$0x3FAE]  }
0x2c: {  	s7 =	sld [smem:$0x3FAF]  }
0x2d: {  	s3 =	simm.s32 $0x108;
	s8 =	sld [smem:$0x3FB0]  }
0x2e: {  	s3 =	simm.s32 @!p0 $0x1082;
	s9 =	sld [smem:$0x3FB1]  }
0x2f: {  	lr =	sadd.s32 s0, s3;
	s0 =	sld [smem:$0x3FA8]  }
0x30: {  	s3 =	sld [smem:$0x3FAB]  }
0x31: {  	[smem:$0x3FB4] =	sst s10  }
0x32: {  	s10 =	sld [smem:$0x3FB2];
	_ =	sdelay $0x3  }
0x33: {  	p0 =	seq.s32 s10, $0x1;
	s10 =	sld [smem:$0x3FB4];
	_ =	sdelay $0x3  }
0x34: {  	[smem:$0x3FB4] =	sst s10  }
0x35: {  	s10 =	sld [smem:$0x3FB3];
	_ =	sdelay $0x3  }
0x36: {  	p1 =	seq.s32 s10, $0x1;
	s10 =	sld [smem:$0x3FB4];
	_ =	sdelay $0x3  }
0x37: {  	[smem:$0x3FB4] =	sst s10  }
0x38: {  	s10 =	sld [smem:$0x3FB5]  }
0x39: {  	_ = 	snop;
	(pc) =	sbr.ind lr, $3  }
0x3a: {  	_ = 	snop  }
0x3b: {  	_ = 	snop  }
0x3c: {  	p2 =	seq.s32 s10, $0x1;
	s10 =	sld [smem:$0x3FB4]  }
0x3d: {  	_ =	shalt  }
0x3e: {  	_ =	shalt  }
0x3f: {  	_ =	shalt  }
0x40: {  	_ =	shalt  }
0x41: {  	_ =	shalt  }
0x42: {  	_ =	shalt  }
0x43: {  	_ =	shalt  }
0x44: {  	_ =	shalt  }
0x45: {  	_ =	shalt  }
0x46: {  	_ =	shalt  }
0x47: {  	_ =	shalt  }
0x48: {  	_ =	shalt  }
0x49: {  	_ =	shalt  }
0x4a: {  	_ =	shalt  }
0x4b: {  	_ =	shalt  }
0x4c: {  	_ =	shalt  }
0x4d: {  	_ =	shalt  }
0x4e: {  	_ =	shalt  }
0x4f: {  	_ =	shalt  }
0x50: {  	_ =	shalt  }
0x51: {  	_ =	shalt  }
0x52: {  	_ =	shalt  }
0x53: {  	_ =	shalt  }
0x54: {  	_ =	shalt  }
0x55: {  	_ =	shalt  }
0x56: {  	_ =	shalt  }
0x57: {  	_ =	shalt  }
0x58: {  	_ =	shalt  }
0x59: {  	_ =	shalt  }
0x5a: {  	_ =	shalt  }
0x5b: {  	_ =	shalt  }
0x5c: {  	_ =	shalt  }
0x5d: {  	_ =	shalt  }
0x5e: {  	_ =	shalt  }
0x5f: {  	_ =	shalt  }
0x60: {  	_ =	shalt  }
0x61: {  	_ =	shalt  }
0x62: {  	_ =	shalt  }
0x63: {  	_ =	shalt  }
0x64: {  	_ =	shalt  }
0x65: {  	_ =	shalt  }
0x66: {  	_ =	shalt  }
0x67: {  	_ =	shalt  }
0x68: {  	_ =	shalt  }
0x69: {  	_ =	shalt  }
0x6a: {  	_ =	shalt  }
0x6b: {  	_ =	shalt  }
0x6c: {  	_ =	shalt  }
0x6d: {  	_ =	shalt  }
0x6e: {  	_ =	shalt  }
0x6f: {  	_ =	shalt  }
0x70: {  	_ =	shalt  }
0x71: {  	_ =	shalt  }
0x72: {  	_ =	shalt  }
0x73: {  	_ =	shalt  }
0x74: {  	_ =	shalt  }
0x75: {  	_ =	shalt  }
0x76: {  	_ =	shalt  }
0x77: {  	_ =	shalt  }
0x78: {  	_ =	shalt  }
0x79: {  	_ =	shalt  }
0x7a: {  	_ =	shalt  }
0x7b: {  	_ =	shalt  }
0x7c: {  	_ =	shalt  }
0x7d: {  	_ =	shalt  }
0x7e: {  	_ =	shalt  }
0x7f: {  	_ =	shalt  }
0x80: {  	_ =	shalt  }
0x81: {  	_ =	shalt  }
0x82: {  	_ =	shalt  }
0x83: {  	_ =	shalt  }
0x84: {  	_ =	shalt  }
0x85: {  	_ =	shalt  }
0x86: {  	_ =	shalt  }
0x87: {  	_ =	shalt  }
.Lfunc_end0:
.L_simem_size_0:
called_computation.2_lowered:
.L_overlay_start_0:
0x88: {  	s2 =	sld [smem:$0x3FD9]  }
0x89: {  	s3 =	sld [smem:$0x3FFE];
	_ =	sdelay $0x1  }
0x8a: {  	s1 =	srdreg.scid  }
0x8b: {  	s0 =	sand.u32 $0x1, s1  }
0x8c: {  	s17 =	sshll.u32 s0, $0xA;
	s2 =	sadd.s32 s3, s2  }
0x8d: {  	s2 =	sadd.s32 s2, s17  }
0x8e: {  	[smem:$0x3FC0] =	sst s2  }
0x8f: {  	_ = 	snop  }
0x90: {  	s2 =	sld [smem:$0x3FD0];
	(tm) =	ssettm $0x1  }
0x91: {  	s18 =	sld [smem:$0x3FFB];
	_ =	sdelay $0x3  }
0x92: {  	_ =	strace s18  }
0x93: {  	s3 =	sld [smem:$0x3FFC];
	_ =	sdelay $0x3  }
0x94: {  	_ =	strace s3  }
0x95: {  	s3 =	sld [smem:$0x3FFD];
	_ =	sdelay $0x3  }
0x96: {  	_ =	strace s3  }
0x97: {  	_ =	strace $0x8FFFFFFF  }
0x98: {  	s19 =	sld [smem:$0x3FDB];
	_ =	sdelay $0x1  }
0x99: {  	s4 =	simm.s32 $_scs_section_size  }
0x9a: {  	s5 =	simm.s32 $_size__tile_overlayer_lowered;
	s6 =	simm.s32 $_tile_overlayer_lowered  }
0x9b: {  	s22 =	simm.s32 $0x1BFF;
	s21 =	sshll.u32 s6, $0x1;
	s3 =	sadd.s32 s4, s19  }
0x9c: {  	s7 =	simm.s32 $0x0;
	s20 =	sshll.u32 s5, $0x1;
	s5 =	sadd.s32 s21, s3  }
0x9d: {  	[timem:s7], [sflag:s22] =	dma.local [hbm:s5], s20  }
0x9e: {  	_ =	swait.ge [sflag:s22], s20  }
0x9f: {  	s4 =	ssub.s32 $0x0, s20;
	[sflag:s22] =	ssyncset.done $0x0  }
0xa0: {  	[sflag:s22] =	ssyncadd.s32 s4;
	_ =	sdelay $0x1  }
0xa1: {  	s23 =	simm.s32 $0x1B8B  }
0xa2: {  	_ =	swait.ge [sflag:s23], $0x1  }
0xa3: {  	[sflag:s23] =	ssyncset.done $0x0  }
0xa4: {  	s25 =	simm.s32 $0x1B8E;
	s24 =	sld [smem:$0x3FFE];
	[sflag:s23] =	ssyncadd.s32 $0xFFFFFFFF  }
0xa5: {  	s26 =	simm.s32 $execute0_lowered;
	[smem:$0x3FD2] =	sst s25  }
0xa6: {  	s5 =	sshll.u32 s26, $0x1;
	_ =	strace $0x8000004C;
	[dreg:$0x1] =	wrdreg $0xFFFFFFFF  }
0xa7: {  	s28 =	simm.s32 $_size_execute0_lowered;
	s3 =	sadd.s32 s3, s5;
	[dreg:$0x0] =	wrdreg $0x0  }
0xa8: {  	s5 =	sshll.u32 s28, $0x1;
	[dreg:$0x2] =	wrdreg s3  }
0xa9: {  	[dreg:$0x3] =	wrdreg s5  }
0xaa: {  	[dreg:$0x4] =	wrdreg $0xC0  }
0xab: {  	_ =	task [dreg:s7], $0x5FFFF  }
0xac: {  	[dreg:$0x1] =	wrdreg $0xFFFFFFFF  }
0xad: {  	[dreg:$0x0] =	wrdreg $0x60  }
0xae: {  	[dreg:$0x2] =	wrdreg s24  }
0xaf: {  	[dreg:$0x3] =	wrdreg s2  }
0xb0: {  	[dreg:$0x4] =	wrdreg $0x0  }
0xb1: {  	[dreg:$0x5] =	wrdreg $0x9  }
0xb2: {  	_ =	task.clear_ibuf [dreg:s7], $0x6FFFF;
	_ =	strace $0x9000004C  }
0xb3: {  	s29 =	simm.s32 $0x9;
	_ =	strace $0x8000004E  }
0xb4: {  	_ =	swait.ge [sflag:s29], $0x1  }
0xb5: {  	[sflag:s29] =	ssyncadd.s32 $0xFFFFFFFF  }
0xb6: {  	_ =	strace $0x9000004E  }
0xb7: {  	_ =	sfence  }
0xb8: {  	s30 =	sld [smem:$0x0];
	_ =	sdelay $0x2  }
0xb9: {  	s31 =	sshll.u32 s1, $0xD;
	s1 =	sshrl.u32 s1, $0x2  }
0xba: {  	s3 =	sand.u32 $0x4000, s31;
	s1 =	sadd.s32 s1, s30  }
0xbb: {  	s0 =	sor.u32 s3, s0;
	s1 =	sshll.u32 s1, $0x11  }
0xbc: {  	s0 =	sor.u32 s1, s0  }
0xbd: {  	s0 =	sadd.s32 $0x8F2B, s0  }
0xbe: {  	[sflag:s0] =	ssyncadd.remote.s32 $0x1  }
0xbf: {  	_ =	sfence.sel $0xFFFF  }
0xc0: {  	[dreg:$0x0] =	wrdreg $0xFFFFFFFF;
	(pc) =	sbr.abs _section_cstart, $3  }
0xc1: {  	[dreg:$0x1] =	wrdreg $0xFFFFFFFF  }
0xc2: {  	_ =	task.clear_ibuf [dreg:s7], $0x2FFFF;
	_ =	strace $0x9FFFFFFF  }
0xc3: {  	(tm) =	ssettm $0x7FFFFFFF  }
tec
execute0_lowered:
.L_overlay_start_1:
0x0: {  	(tag) =	ssettag $0x1  }
0x1: {  	s5 =	rddreg [dreg:$0x0]  }
0x2: {  	s1 =	srdreg.scid;
	s8 =	rddreg [dreg:$0x1]  }
0x3: {  	s0 =	stileid.u32;
	s2 =	rddreg [dreg:$0x2]  }
0x4: {  	s3 =	simm.s32 $0x0;
	s16 =	simm.s32 $0x16800;
	s17 =	simm.s32 $0x3  }
0x5: {  	s18 =	simm.s32 $0x1A800;
	s19 =	simm.s32 $0x1;
	s20 =	simm.s32 $0x2  }
0x6: {  	s21 =	simm.s32 $0x15380;
	s22 =	simm.s32 $0x16700;
	s23 =	simm.s32 $0x16780  }
0x7: {  	s26 =	simm.s32 $0x0;
	s6 =	sand.u32 $0x1, s1;
	s24 =	smul.u32 $0x2800, s0  }
0x8: {  	s30 =	sshll.u32 s0, $0x1;
	[smem:$0x7FF] =	sst s3;
	s10 =	smul.u32 $0x50000, s0  }
0x9: {  	s4 =	sor.u32 s6, s30;
	_ =	strace $0x8000004D;
	s7 =	smul.u32 $0x28000, s6  }
0xa: {  	s6 =	ssub.s32 $0x2, s6;
	s9 =	smul.u32 $0x500, s4;
	s4 =	sadd.s32 $0xD000, s5  }
0xb: {  	s12 =	sadd.s32 s24, s5;
	s13 =	sshrl.u32 s6, $0x1;
	s31 =	sshrl.u32 s10, $0x2  }
0xc: {  	s14 =	sadd.s32 s7, s5;
	s13 =	ssub.s32 s6, s13;
	s15 =	sadd.s32 s31, s2  }
0xd: {  	s6 =	sshll.u32 s0, $0x6;
	s11 =	sadd.s32 s9, s5;
	s5 =	sadd.s32 $0x35000, s12  }
0xe: {  	s7 =	sor.u32 $0x1C03, s6;
	s8 =	sadd.s32 s8, s9;
	s25 =	sadd.s32 $0x5D000, s14  }
0xf: {  	s10 =	smax.u32 s13, $0x1;
	s12 =	simm.s32 $0x14000;
	s13 =	simm.s32 $0x4  }
0x10: {  	s14 =	simm.s32 $0x15400;
	s9 =	sadd.s32 $0x3000, s11;
	s11 =	sshrl.u32 s15, $0x3  }
0x11: {  	s15 =	simm.s32 $0x80;
	s24 =	sadd.s32 s24, s25;
	s25 =	sadd.s32 $0x280, s8  }
.LBB2_1:
0x12: {  	[spmem:s11], [sflag:s7] =	dma.local [hbm:s5], $0x2800  }
0x13: {  	[tilespmem:s12], [sflag:$0x4] =	stream.linear.gather [hbm4b:s8+s3], $0x1400, $0x38;
	[tilespmem:$0x1E800] =	vst v63  }
0x14: {  	_ =	swait.ge [sflag:s13], $0x1400  }
0x15: {  	[sflag:s13] =	ssyncset.done $0x0  }
0x16: {  	[sflag:s13] =	ssyncadd.s32 $0xFFFFEC00  }
0x17: {  	[tilespmem:s14], [sflag:$0x4] =	stream.linear.gather [hbm4b:s9+s3], $0x1400, $0x38;
	[tilespmem:$0x1E800] =	vst v63  }
0x18: {  	_ =	swait.ge [sflag:s13], $0x1400  }
0x19: {  	[sflag:s13] =	ssyncset.done $0x0  }
0x1a: {  	[sflag:s13] =	ssyncadd.s32 $0xFFFFEC00  }
0x1b: {  	[tilespmem:s16], [sflag:$0x1] =	stream.indirect.gather [hbm4b:s4+s15], $0x80, s12, s15, $0xb8;
	[tilespmem:$0x1E800] =	vst v63  }
0x1c: {  	_ =	swait.ge [sflag:s17], $0x2800  }
0x1d: {  	[sflag:s17] =	ssyncset.done $0x0  }
0x1e: {  	[sflag:s17] =	ssyncadd.s32 $0xFFFFD800  }
0x1f: {  	s28 =	simm.s32 $0x14080;
	[bflag:$0x0] =	sbarrier.arrive $0xFFFF  }
0x20: {  	[tilespmem:s18], [sflag:$0x2] =	stream.indirect.gather [hbm4b:s4+s15], $0x80, s28, s15, $0xb8;
	[tilespmem:$0x1E800] =	vst v63  }
0x21: {  	_ =	swait.ge [sflag:s19], $0x4000  }
0x22: {  	[sflag:s19] =	ssyncset.done $0x0  }
0x23: {  	s28 =	simm.s32 $0x15400;
	[sflag:s19] =	ssyncadd.s32 $0xFFFFC000  }
0x24: {  	[spmem:s2] =	stream.indirect.scatter.add.f32 [tilespmem:s16], [sflag:$0x4], $0x80, s28, s15, $0xb8;
	[tilespmem:$0x1E800] =	vst v63  }
0x25: {  	_ =	swait.ge [sflag:s13], $0x4000  }
0x26: {  	[sflag:s13] =	ssyncset.done $0x0  }
0x27: {  	s28 =	simm.s32 $0x14100;
	[sflag:s13] =	ssyncadd.s32 $0xFFFFC000  }
0x28: {  	[tilespmem:s16], [sflag:$0x1] =	stream.indirect.gather [hbm4b:s4+s15], $0x80, s28, s15, $0xb8;
	[tilespmem:$0x1E800] =	vst v63  }
0x29: {  	_ =	swait.ge [sflag:s20], $0x4000  }
0x2a: {  	[sflag:s20] =	ssyncset.done $0x0  }
0x2b: {  	s28 =	simm.s32 $0x15480;
	[sflag:s20] =	ssyncadd.s32 $0xFFFFC000  }
0x2c: {  	[spmem:s2] =	stream.indirect.scatter.add.f32 [tilespmem:s18], [sflag:$0x4], $0x80, s28, s15, $0xb8;
	[tilespmem:$0x1E800] =	vst v63  }
0x2d: {  	_ =	swait.ge [sflag:s13], $0x4000  }
0x2e: {  	s29 =	simm.s32 $0x800;
	s28 =	simm.s32 $0x100;
	[sflag:s13] =	ssyncset.done $0x0  }
.LBB2_2:
0x2f: {  	s30 =	sadd.s32 $0x14080, s28  }
0x30: {  	[sflag:s13] =	ssyncadd.s32 $0xFFFFC000;
	s31 =	smov.u32 s29;
	s1 =	sadd.s32 $0x400, s29  }
0x31: {  	[tilespmem:s18], [sflag:$0x2] =	stream.indirect.gather [hbm4b:s4+s15], $0x80, s30, s15, $0xb8;
	[tilespmem:$0x1E800] =	vst v63  }
0x32: {  	p0 =	sne.s32 s29, $0x4800;
	_ =	swait.ge [sflag:s19], $0x4000  }
0x33: {  	[sflag:s19] =	ssyncset.done $0x0  }
0x34: {  	s29 =	sadd.s32 $0x15400, s28;
	[sflag:s19] =	ssyncadd.s32 $0xFFFFC000  }
0x35: {  	[spmem:s2] =	stream.indirect.scatter.add.f32 [tilespmem:s16], [sflag:$0x4], $0x80, s29, s15, $0xb8;
	[tilespmem:$0x1E800] =	vst v63  }
0x36: {  	_ =	swait.ge [sflag:s13], $0x4000  }
0x37: {  	[sflag:s13] =	ssyncset.done $0x0  }
0x38: {  	s29 =	sadd.s32 $0x14100, s28;
	[sflag:s13] =	ssyncadd.s32 $0xFFFFC000  }
0x39: {  	[tilespmem:s16], [sflag:$0x1] =	stream.indirect.gather [hbm4b:s4+s15], $0x80, s29, s15, $0xb8;
	[tilespmem:$0x1E800] =	vst v63  }
0x3a: {  	_ =	swait.ge [sflag:s20], $0x4000  }
.Ltmp0:
0x3b: {  	[sflag:s20] =	ssyncset.done $0x0;
	(pc) =	sbr.rel @p0 .LBB2_2-.Ltmp0, $4  }
0x3c: {  	s28 =	sadd.s32 $0x15480, s28;
	[sflag:s20] =	ssyncadd.s32 $0xFFFFC000  }
0x3d: {  	[spmem:s2] =	stream.indirect.scatter.add.f32 [tilespmem:s18], [sflag:$0x4], $0x80, s28, s15, $0xb8;
	[tilespmem:$0x1E800] =	vst v63  }
0x3e: {  	_ =	swait.ge [sflag:s13], $0x4000  }
0x3f: {  	s29 =	smov.u32 s1;
	s28 =	sshra.s32 s31, $0x2;
	[sflag:s13] =	ssyncset.done $0x0  }
0x40: {  	s1 =	sadd.s32 $0x14080, s28;
	[sflag:s13] =	ssyncadd.s32 $0xFFFFC000  }
0x41: {  	[tilespmem:s18], [sflag:$0x2] =	stream.indirect.gather [hbm4b:s4+s15], $0x80, s1, s15, $0xb8;
	[tilespmem:$0x1E800] =	vst v63  }
0x42: {  	_ =	swait.ge [sflag:s19], $0x4000  }
0x43: {  	[sflag:s19] =	ssyncset.done $0x0  }
0x44: {  	s30 =	sadd.s32 $0x15400, s28;
	[sflag:s19] =	ssyncadd.s32 $0xFFFFC000  }
0x45: {  	[spmem:s2] =	stream.indirect.scatter.add.f32 [tilespmem:s16], [sflag:$0x4], $0x80, s30, s15, $0xb8;
	[tilespmem:$0x1E800] =	vst v63  }
0x46: {  	_ =	swait.ge [sflag:s13], $0x4000  }
0x47: {  	[sflag:s13] =	ssyncset.done $0x0  }
0x48: {  	s31 =	sadd.s32 $0x14100, s28;
	[sflag:s13] =	ssyncadd.s32 $0xFFFFC000  }
0x49: {  	[tilespmem:s16], [sflag:$0x1] =	stream.indirect.gather [hbm4b:s4+s15], $0x80, s31, s15, $0xb8;
	[tilespmem:$0x1E800] =	vst v63  }
0x4a: {  	_ =	swait.ge [sflag:s20], $0x4000  }
0x4b: {  	[sflag:s20] =	ssyncset.done $0x0  }
0x4c: {  	s30 =	sadd.s32 $0x15480, s28;
	[sflag:s20] =	ssyncadd.s32 $0xFFFFC000  }
0x4d: {  	[spmem:s2] =	stream.indirect.scatter.add.f32 [tilespmem:s18], [sflag:$0x4], $0x80, s30, s15, $0xb8;
	[tilespmem:$0x1E800] =	vst v63  }
0x4e: {  	_ =	swait.ge [sflag:s13], $0x4000  }
0x4f: {  	[sflag:s13] =	ssyncset.done $0x0  }
0x50: {  	[sflag:s13] =	ssyncadd.s32 $0xFFFFC000  }
0x51: {  	[tilespmem:s18], [sflag:$0x2] =	stream.indirect.gather [hbm4b:s4+s15], $0x80, s21, s15, $0xb8;
	[tilespmem:$0x1E800] =	vst v63  }
0x52: {  	_ =	swait.ge [sflag:s19], $0x4000  }
0x53: {  	[sflag:s19] =	ssyncset.done $0x0  }
0x54: {  	[sflag:s19] =	ssyncadd.s32 $0xFFFFC000  }
0x55: {  	[spmem:s2] =	stream.indirect.scatter.add.f32 [tilespmem:s16], [sflag:$0x4], $0x80, s22, s15, $0xb8;
	[tilespmem:$0x1E800] =	vst v63  }
0x56: {  	_ =	swait.ge [sflag:s13], $0x4000  }
0x57: {  	[sflag:s13] =	ssyncset.done $0x0  }
0x58: {  	[sflag:s13] =	ssyncadd.s32 $0xFFFFC000  }
0x59: {  	_ =	swait.ge [sflag:s20], $0x4000  }
0x5a: {  	[sflag:s20] =	ssyncset.done $0x0  }
0x5b: {  	[sflag:s20] =	ssyncadd.s32 $0xFFFFC000  }
0x5c: {  	[spmem:s2] =	stream.indirect.scatter.add.f32 [tilespmem:s18], [sflag:$0x4], $0x80, s23, s15, $0xb8;
	[tilespmem:$0x1E800] =	vst v63  }
0x5d: {  	_ =	swait.ge [sflag:s13], $0x4000  }
0x5e: {  	[sflag:s13] =	ssyncset.done $0x0  }
0x5f: {  	s31 =	simm.s32 $0x0;
	[sflag:s13] =	ssyncadd.s32 $0xFFFFC000  }
0x60: {  	[tilespmem:s12], [sflag:$0x4] =	stream.linear.gather [hbm4b:s25+s31], $0x1400, $0x38;
	[tilespmem:$0x1E800] =	vst v63  }
0x61: {  	_ =	swait.ge [sflag:s13], $0x1400  }
0x62: {  	[sflag:s13] =	ssyncset.done $0x0  }
0x63: {  	s28 =	sadd.s32 $0x280, s9;
	[sflag:s13] =	ssyncadd.s32 $0xFFFFEC00  }
0x64: {  	[tilespmem:s14], [sflag:$0x4] =	stream.linear.gather [hbm4b:s28+s31], $0x1400, $0x38;
	[tilespmem:$0x1E800] =	vst v63  }
0x65: {  	_ =	swait.ge [sflag:s13], $0x1400  }
0x66: {  	[sflag:s13] =	ssyncset.done $0x0  }
0x67: {  	[sflag:s13] =	ssyncadd.s32 $0xFFFFEC00  }
0x68: {  	[tilespmem:s16], [sflag:$0x1] =	stream.indirect.gather [hbm4b:s4+s15], $0x80, s12, s15, $0xb8;
	[tilespmem:$0x1E800] =	vst v63  }
0x69: {  	s30 =	simm.s32 $0x14080  }
0x6a: {  	[tilespmem:s18], [sflag:$0x2] =	stream.indirect.gather [hbm4b:s4+s15], $0x80, s30, s15, $0xb8;
	[tilespmem:$0x1E800] =	vst v63  }
0x6b: {  	_ =	swait.ge [sflag:s19], $0x4000  }
0x6c: {  	[sflag:s19] =	ssyncset.done $0x0  }
0x6d: {  	s31 =	simm.s32 $0x15400;
	[sflag:s19] =	ssyncadd.s32 $0xFFFFC000  }
0x6e: {  	[spmem:s2] =	stream.indirect.scatter.add.f32 [tilespmem:s16], [sflag:$0x4], $0x80, s31, s15, $0xb8;
	[tilespmem:$0x1E800] =	vst v63  }
0x6f: {  	_ =	swait.ge [sflag:s13], $0x4000  }
0x70: {  	[sflag:s13] =	ssyncset.done $0x0  }
0x71: {  	s30 =	simm.s32 $0x14100;
	[sflag:s13] =	ssyncadd.s32 $0xFFFFC000  }
0x72: {  	[tilespmem:s16], [sflag:$0x1] =	stream.indirect.gather [hbm4b:s4+s15], $0x80, s30, s15, $0xb8;
	[tilespmem:$0x1E800] =	vst v63  }
0x73: {  	_ =	swait.ge [sflag:s20], $0x4000  }
0x74: {  	[sflag:s20] =	ssyncset.done $0x0  }
0x75: {  	s31 =	simm.s32 $0x15480;
	[sflag:s20] =	ssyncadd.s32 $0xFFFFC000  }
0x76: {  	[spmem:s2] =	stream.indirect.scatter.add.f32 [tilespmem:s18], [sflag:$0x4], $0x80, s31, s15, $0xb8;
	[tilespmem:$0x1E800] =	vst v63  }
0x77: {  	_ =	swait.ge [sflag:s13], $0x4000  }
0x78: {  	s29 =	simm.s32 $0x800;
	s28 =	simm.s32 $0x100;
	[sflag:s13] =	ssyncset.done $0x0  }
.LBB2_4:
0x79: {  	s1 =	sadd.s32 $0x14080, s28  }
0x7a: {  	[sflag:s13] =	ssyncadd.s32 $0xFFFFC000;
	s30 =	smov.u32 s29;
	s31 =	sadd.s32 $0x400, s29  }
0x7b: {  	[tilespmem:s18], [sflag:$0x2] =	stream.indirect.gather [hbm4b:s4+s15], $0x80, s1, s15, $0xb8;
	[tilespmem:$0x1E800] =	vst v63  }
0x7c: {  	p0 =	sne.s32 s29, $0x4800;
	_ =	swait.ge [sflag:s19], $0x4000  }
0x7d: {  	[sflag:s19] =	ssyncset.done $0x0  }
0x7e: {  	s1 =	sadd.s32 $0x15400, s28;
	[sflag:s19] =	ssyncadd.s32 $0xFFFFC000  }
0x7f: {  	[spmem:s2] =	stream.indirect.scatter.add.f32 [tilespmem:s16], [sflag:$0x4], $0x80, s1, s15, $0xb8;
	[tilespmem:$0x1E800] =	vst v63  }
0x80: {  	_ =	swait.ge [sflag:s13], $0x4000  }
0x81: {  	[sflag:s13] =	ssyncset.done $0x0  }
0x82: {  	s1 =	sadd.s32 $0x14100, s28;
	[sflag:s13] =	ssyncadd.s32 $0xFFFFC000  }
0x83: {  	[tilespmem:s16], [sflag:$0x1] =	stream.indirect.gather [hbm4b:s4+s15], $0x80, s1, s15, $0xb8;
	[tilespmem:$0x1E800] =	vst v63  }
0x84: {  	_ =	swait.ge [sflag:s20], $0x4000  }
.Ltmp1:
0x85: {  	[sflag:s20] =	ssyncset.done $0x0;
	(pc) =	sbr.rel @p0 .LBB2_4-.Ltmp1, $4  }
0x86: {  	s1 =	sadd.s32 $0x15480, s28;
	[sflag:s20] =	ssyncadd.s32 $0xFFFFC000  }
0x87: {  	[spmem:s2] =	stream.indirect.scatter.add.f32 [tilespmem:s18], [sflag:$0x4], $0x80, s1, s15, $0xb8;
	[tilespmem:$0x1E800] =	vst v63  }
0x88: {  	_ =	swait.ge [sflag:s13], $0x4000  }
0x89: {  	s29 =	smov.u32 s31;
	s28 =	sshra.s32 s30, $0x2;
	[sflag:s13] =	ssyncset.done $0x0  }
0x8a: {  	s1 =	sadd.s32 $0x14080, s28;
	[sflag:s13] =	ssyncadd.s32 $0xFFFFC000  }
0x8b: {  	[tilespmem:s18], [sflag:$0x2] =	stream.indirect.gather [hbm4b:s4+s15], $0x80, s1, s15, $0xb8;
	[tilespmem:$0x1E800] =	vst v63  }
0x8c: {  	_ =	swait.ge [sflag:s19], $0x4000  }
0x8d: {  	[sflag:s19] =	ssyncset.done $0x0  }
0x8e: {  	s31 =	sadd.s32 $0x15400, s28;
	[sflag:s19] =	ssyncadd.s32 $0xFFFFC000  }
0x8f: {  	[spmem:s2] =	stream.indirect.scatter.add.f32 [tilespmem:s16], [sflag:$0x4], $0x80, s31, s15, $0xb8;
	[tilespmem:$0x1E800] =	vst v63  }
0x90: {  	_ =	swait.ge [sflag:s13], $0x4000  }
0x91: {  	[sflag:s13] =	ssyncset.done $0x0  }
0x92: {  	s29 =	sadd.s32 $0x14100, s28;
	[sflag:s13] =	ssyncadd.s32 $0xFFFFC000  }
0x93: {  	[tilespmem:s16], [sflag:$0x1] =	stream.indirect.gather [hbm4b:s4+s15], $0x80, s29, s15, $0xb8;
	[tilespmem:$0x1E800] =	vst v63  }
0x94: {  	_ =	swait.ge [sflag:s20], $0x4000  }
0x95: {  	[sflag:s20] =	ssyncset.done $0x0  }
0x96: {  	s30 =	sadd.s32 $0x15480, s28;
	[sflag:s20] =	ssyncadd.s32 $0xFFFFC000  }
0x97: {  	[spmem:s2] =	stream.indirect.scatter.add.f32 [tilespmem:s18], [sflag:$0x4], $0x80, s30, s15, $0xb8;
	[tilespmem:$0x1E800] =	vst v63  }
0x98: {  	_ =	swait.ge [sflag:s13], $0x4000  }
0x99: {  	[sflag:s13] =	ssyncset.done $0x0  }
0x9a: {  	[sflag:s13] =	ssyncadd.s32 $0xFFFFC000  }
0x9b: {  	[tilespmem:s18], [sflag:$0x2] =	stream.indirect.gather [hbm4b:s4+s15], $0x80, s21, s15, $0xb8;
	[tilespmem:$0x1E800] =	vst v63  }
0x9c: {  	_ =	swait.ge [sflag:s19], $0x4000  }
0x9d: {  	[sflag:s19] =	ssyncset.done $0x0  }
0x9e: {  	[sflag:s19] =	ssyncadd.s32 $0xFFFFC000  }
0x9f: {  	[spmem:s2] =	stream.indirect.scatter.add.f32 [tilespmem:s16], [sflag:$0x4], $0x80, s22, s15, $0xb8;
	[tilespmem:$0x1E800] =	vst v63  }
0xa0: {  	_ =	swait.ge [sflag:s13], $0x4000  }
0xa1: {  	[sflag:s13] =	ssyncset.done $0x0  }
0xa2: {  	[sflag:s13] =	ssyncadd.s32 $0xFFFFC000  }
0xa3: {  	_ =	swait.ge [sflag:s20], $0x4000  }
0xa4: {  	[sflag:s20] =	ssyncset.done $0x0  }
0xa5: {  	[sflag:s20] =	ssyncadd.s32 $0xFFFFC000  }
0xa6: {  	[spmem:s2] =	stream.indirect.scatter.add.f32 [tilespmem:s18], [sflag:$0x4], $0x80, s23, s15, $0xb8;
	[tilespmem:$0x1E800] =	vst v63  }
0xa7: {  	_ =	swait.ge [sflag:s13], $0x4000  }
0xa8: {  	s26 =	sadd.s32 $0x1, s26;
	[sflag:s13] =	ssyncset.done $0x0  }
0xa9: {  	p0 =	sne.s32 s26, s10;
	[sflag:s13] =	ssyncadd.s32 $0xFFFFC000  }
.Ltmp2:
0xaa: {  	s31 =	sor.u32 $0x1C04, s6;
	[bflag:$0x0] =	sbarrier.arrive $0xFFFF;
	(pc) =	sbr.rel @p0 .LBB2_1-.Ltmp2, $4  }
0xab: {  	[hbm:s24], [sflag:s31] =	dma.local [spmem:s11], $0x2800  }
0xac: {  	_ =	swait.ge [sflag:s13], $0x2800  }
0xad: {  	[sflag:s13] =	ssyncset.done $0x0  }
0xae: {  	[sflag:s13] =	ssyncadd.s32 $0xFFFFD800  }
0xaf: {  	_ =	sfence.sel $0x180000  }
0xb0: {  	[bflag:$0x0] =	sbarrier.arrive $0xFFFF  }
0xb1: {  	_ =	strace $0x9000004D  }
0xb2: {  	[bflag:$0x2] =	sbarrier.arrive $0xFFFF  }
0xb3: {  	p0 =	sne.s32 s0, $0x0;
	s0 =	rddreg [dreg:$0x3]  }
0xb4: {  	s0 =	sadd.s32 @!p0 $0x100000, s0  }
0xb5: {  	[sflag:s0] =	ssyncadd.tile.s32 @!p0 $0x1;
	_ =	shalt  }
.Lfunc_end2:
_tile_overlayer_lowered:
.L_overlay_start_2:
0xb6: {  	(tag) =	ssettag $0x2  }
0xb7: {  	s0 =	rddreg [dreg:$0x0];
	s2 =	stileid.u32  }
0xb8: {  	s1 =	rddreg [dreg:$0x1];
	p0 =	sne.s32 s2, $0x0  }
0xb9: {  	s3 =	rddreg [dreg:$0x2];
	[bflag:$0x3] =	sbarrier.arrive $0xFFFF;
	s2 =	simm.s32 @!p0 $0x1C04  }
0xba: {  	[timem:s3], [sflag:s2] =	dma.local @!p0 [hbm:s0], s1  }
0xbb: {  	s0 =	simm.s32 @!p0 $0x4  }
0xbc: {  	_ =	swait.ge @!p0 [sflag:s0], s1  }
0xbd: {  	s1 =	ssub.s32 @!p0 $0x0, s1;
	[sflag:s0] =	ssyncset.done @!p0 $0x0  }
0xbe: {  	[sflag:s0] =	ssyncadd.s32 @!p0 s1  }
0xbf: {  	[bflag:$0x3] =	sbarrier.arrive $0xFFFF  }
0xc0: {  	_ =	shalt  }

// kernel: kernel.20.cloned.1.call-start
scs
__scs_entry_jumppad:
0x0: {  	(pc) =	sbr.rel $0x88, $3  }
0x1: {  	(tag) =	ssettag $0x0;
	lr =	simm.s32 $0x1  }
0x2: {  	[smem:$0x3F99] =	sst lr;
	_ =	strace $0xD0000000  }
0x3: {  	_ = 	snop  }
0x4: {  	_ = 	snop  }
0x5: {  	_ = 	snop  }
0x6: {  	_ = 	snop  }
0x7: {  	_ = 	snop  }
__scs_overlays_trampoline_lowered:
0x8: {  	[smem:$0x3FA8] =	sst s0  }
0x9: {  	[smem:$0x3FA9] =	sst s1  }
0xa: {  	[smem:$0x3FAA] =	sst s2  }
0xb: {  	[smem:$0x3FAB] =	sst s3  }
0xc: {  	[smem:$0x3FAC] =	sst s4  }
0xd: {  	[smem:$0x3FAD] =	sst s5  }
0xe: {  	[smem:$0x3FAE] =	sst s6  }
0xf: {  	[smem:$0x3FAF] =	sst s7  }
0x10: {  	[smem:$0x3FB0] =	sst s8  }
0x11: {  	[smem:$0x3FB1] =	sst s9;
	s0 =	simm.s32 @!p0 $0x0  }
0x12: {  	s1 =	sld [smem:$0x3F97];
	s0 =	simm.s32 @p0 $0x1  }
0x13: {  	[smem:$0x3FB2] =	sst s0;
	s0 =	simm.s32 @!p1 $0x0  }
0x14: {  	s2 =	sld [smem:$0x3F96];
	s0 =	simm.s32 @p1 $0x1  }
0x15: {  	[smem:$0x3FB3] =	sst s0;
	s0 =	simm.s32 @!p2 $0x0  }
0x16: {  	s3 =	sld [smem:$0x3FDB];
	s0 =	simm.s32 @p2 $0x1  }
0x17: {  	s4 =	simm.s32 $0x1BF5;
	[smem:$0x3FB5] =	sst s0  }
0x18: {  	s0 =	sld [smem:$0x3F98];
	_ =	swait.ge [sflag:s4], $0x0  }
0x19: {  	s7 =	sld [smem:$0x3F99]  }
0x1a: {  	s8 =	sadd.s32 $0xFFFFE003, lr  }
0x1b: {  	s9 =	sadd.s32 $0xFFFFFEF7, lr;
	s5 =	simm.s32 $0xFFFFFFFF;
	p2 =	slt.u32 s8, $0xFFFFF086  }
0x1c: {  	p1 =	slt.u32 s9, $0xF7A;
	s5 =	simm.s32 @!p2 $0x0  }
0x1d: {  	s5 =	simm.s32 @p1 $0x1;
	p0 =	seq.s32 s7, s2  }
0x1e: {  	s7 =	smul.u32 @!p0 $0xF7A, s2;
	p2 =	seq.s32 @!p0 s5, $0x0  }
0x1f: {  	s9 =	smul.u32 $0xF7A, s1;
	s8 =	simm.s32 @!p0 $0x1BF5;
	p2 =	por !p2, p0  }
0x20: {  	[sflag:s8] =	ssyncset.s32 @!p0 $0xFFFFF086;
	s6 =	sadd.s32 @!p0 s3, s7;
	s7 =	simm.s32 @!p0 $0x108  }
0x21: {  	s3 =	sadd.s32 s3, s9;
	s6 =	sadd.s32 @!p0 $0x88, s6;
	s7 =	simm.s32 @p2 $0x1082  }
0x22: {  	[simem:s7], [sflag:s8] =	dma.local @!p0 [hbm:s6], $0xF7A  }
0x23: {  	s9 =	sor.u32 $0xD0000000, s2;
	s6 =	simm.s32 $0x108;
	_ =	swait.ge @!p0 [sflag:s8], $0x0  }
0x24: {  	s3 =	sadd.s32 $0x88, s3;
	s6 =	simm.s32 @!p1 $0x1082;
	[sflag:s4] =	ssyncset.s32 $0xFFFFF086  }
0x25: {  	[simem:s6], [sflag:s4] =	dma.local [hbm:s3], $0xF7A  }
0x26: {  	[smem:$0x3F99] =	sst s1;
	(tag) =	ssettag s2;
	_ =	strace s9  }
0x27: {  	s1 =	sld [smem:$0x3FA9]  }
0x28: {  	s2 =	sld [smem:$0x3FAA]  }
0x29: {  	s4 =	sld [smem:$0x3FAC]  }
0x2a: {  	p0 =	seq.s32 s5, $0x0;
	s5 =	sld [smem:$0x3FAD]  }
0x2b: {  	s6 =	sld [smem:$0x3FAE]  }
0x2c: {  	s7 =	sld [smem:$0x3FAF]  }
0x2d: {  	s3 =	simm.s32 $0x108;
	s8 =	sld [smem:$0x3FB0]  }
0x2e: {  	s3 =	simm.s32 @!p0 $0x1082;
	s9 =	sld [smem:$0x3FB1]  }
0x2f: {  	lr =	sadd.s32 s0, s3;
	s0 =	sld [smem:$0x3FA8]  }
0x30: {  	s3 =	sld [smem:$0x3FAB]  }
0x31: {  	[smem:$0x3FB4] =	sst s10  }
0x32: {  	s10 =	sld [smem:$0x3FB2];
	_ =	sdelay $0x3  }
0x33: {  	p0 =	seq.s32 s10, $0x1;
	s10 =	sld [smem:$0x3FB4];
	_ =	sdelay $0x3  }
0x34: {  	[smem:$0x3FB4] =	sst s10  }
0x35: {  	s10 =	sld [smem:$0x3FB3];
	_ =	sdelay $0x3  }
0x36: {  	p1 =	seq.s32 s10, $0x1;
	s10 =	sld [smem:$0x3FB4];
	_ =	sdelay $0x3  }
0x37: {  	[smem:$0x3FB4] =	sst s10  }
0x38: {  	s10 =	sld [smem:$0x3FB5]  }
0x39: {  	_ = 	snop;
	(pc) =	sbr.ind lr, $3  }
0x3a: {  	_ = 	snop  }
0x3b: {  	_ = 	snop  }
0x3c: {  	p2 =	seq.s32 s10, $0x1;
	s10 =	sld [smem:$0x3FB4]  }
0x3d: {  	_ =	shalt  }
0x3e: {  	_ =	shalt  }
0x3f: {  	_ =	shalt  }
0x40: {  	_ =	shalt  }
0x41: {  	_ =	shalt  }
0x42: {  	_ =	shalt  }
0x43: {  	_ =	shalt  }
0x44: {  	_ =	shalt  }
0x45: {  	_ =	shalt  }
0x46: {  	_ =	shalt  }
0x47: {  	_ =	shalt  }
0x48: {  	_ =	shalt  }
0x49: {  	_ =	shalt  }
0x4a: {  	_ =	shalt  }
0x4b: {  	_ =	shalt  }
0x4c: {  	_ =	shalt  }
0x4d: {  	_ =	shalt  }
0x4e: {  	_ =	shalt  }
0x4f: {  	_ =	shalt  }
0x50: {  	_ =	shalt  }
0x51: {  	_ =	shalt  }
0x52: {  	_ =	shalt  }
0x53: {  	_ =	shalt  }
0x54: {  	_ =	shalt  }
0x55: {  	_ =	shalt  }
0x56: {  	_ =	shalt  }
0x57: {  	_ =	shalt  }
0x58: {  	_ =	shalt  }
0x59: {  	_ =	shalt  }
0x5a: {  	_ =	shalt  }
0x5b: {  	_ =	shalt  }
0x5c: {  	_ =	shalt  }
0x5d: {  	_ =	shalt  }
0x5e: {  	_ =	shalt  }
0x5f: {  	_ =	shalt  }
0x60: {  	_ =	shalt  }
0x61: {  	_ =	shalt  }
0x62: {  	_ =	shalt  }
0x63: {  	_ =	shalt  }
0x64: {  	_ =	shalt  }
0x65: {  	_ =	shalt  }
0x66: {  	_ =	shalt  }
0x67: {  	_ =	shalt  }
0x68: {  	_ =	shalt  }
0x69: {  	_ =	shalt  }
0x6a: {  	_ =	shalt  }
0x6b: {  	_ =	shalt  }
0x6c: {  	_ =	shalt  }
0x6d: {  	_ =	shalt  }
0x6e: {  	_ =	shalt  }
0x6f: {  	_ =	shalt  }
0x70: {  	_ =	shalt  }
0x71: {  	_ =	shalt  }
0x72: {  	_ =	shalt  }
0x73: {  	_ =	shalt  }
0x74: {  	_ =	shalt  }
0x75: {  	_ =	shalt  }
0x76: {  	_ =	shalt  }
0x77: {  	_ =	shalt  }
0x78: {  	_ =	shalt  }
0x79: {  	_ =	shalt  }
0x7a: {  	_ =	shalt  }
0x7b: {  	_ =	shalt  }
0x7c: {  	_ =	shalt  }
0x7d: {  	_ =	shalt  }
0x7e: {  	_ =	shalt  }
0x7f: {  	_ =	shalt  }
0x80: {  	_ =	shalt  }
0x81: {  	_ =	shalt  }
0x82: {  	_ =	shalt  }
0x83: {  	_ =	shalt  }
0x84: {  	_ =	shalt  }
0x85: {  	_ =	shalt  }
0x86: {  	_ =	shalt  }
0x87: {  	_ =	shalt  }
.Lfunc_end0:
.L_simem_size_0:
called_computation.3_lowered:
.L_overlay_start_0:
0x88: {  	s2 =	sld [smem:$0x3FD9]  }
0x89: {  	s3 =	sld [smem:$0x3FFE];
	_ =	sdelay $0x1  }
0x8a: {  	s1 =	srdreg.scid  }
0x8b: {  	s0 =	sand.u32 $0x1, s1  }
0x8c: {  	s17 =	sshll.u32 s0, $0xA;
	s2 =	sadd.s32 s3, s2  }
0x8d: {  	s2 =	sadd.s32 s2, s17  }
0x8e: {  	[smem:$0x3FC0] =	sst s2  }
0x8f: {  	_ = 	snop  }
0x90: {  	s2 =	sld [smem:$0x3FD0];
	(tm) =	ssettm $0x1  }
0x91: {  	s18 =	sld [smem:$0x3FFB];
	_ =	sdelay $0x3  }
0x92: {  	_ =	strace s18  }
0x93: {  	s3 =	sld [smem:$0x3FFC];
	_ =	sdelay $0x3  }
0x94: {  	_ =	strace s3  }
0x95: {  	s3 =	sld [smem:$0x3FFD];
	_ =	sdelay $0x3  }
0x96: {  	_ =	strace s3  }
0x97: {  	_ =	strace $0x8FFFFFFF  }
0x98: {  	s19 =	sld [smem:$0x3FDB];
	_ =	sdelay $0x1  }
0x99: {  	s4 =	simm.s32 $_scs_section_size  }
0x9a: {  	s5 =	simm.s32 $_size__tile_overlayer_lowered;
	s6 =	simm.s32 $_tile_overlayer_lowered  }
0x9b: {  	s22 =	simm.s32 $0x1BFF;
	s21 =	sshll.u32 s6, $0x1;
	s3 =	sadd.s32 s4, s19  }
0x9c: {  	s7 =	simm.s32 $0x0;
	s20 =	sshll.u32 s5, $0x1;
	s5 =	sadd.s32 s21, s3  }
0x9d: {  	[timem:s7], [sflag:s22] =	dma.local [hbm:s5], s20  }
0x9e: {  	_ =	swait.ge [sflag:s22], s20  }
0x9f: {  	s4 =	ssub.s32 $0x0, s20;
	[sflag:s22] =	ssyncset.done $0x0  }
0xa0: {  	[sflag:s22] =	ssyncadd.s32 s4;
	_ =	sdelay $0x1  }
0xa1: {  	s23 =	simm.s32 $0x1B8B  }
0xa2: {  	_ =	swait.ge [sflag:s23], $0x1  }
0xa3: {  	[sflag:s23] =	ssyncset.done $0x0  }
0xa4: {  	s25 =	simm.s32 $0x1B8E;
	s24 =	sld [smem:$0x3FFE];
	[sflag:s23] =	ssyncadd.s32 $0xFFFFFFFF  }
0xa5: {  	s26 =	simm.s32 $execute0_lowered;
	[smem:$0x3FD2] =	sst s25  }
0xa6: {  	s5 =	sshll.u32 s26, $0x1;
	_ =	strace $0x8000004F;
	[dreg:$0x1] =	wrdreg $0xFFFFFFFF  }
0xa7: {  	s28 =	simm.s32 $_size_execute0_lowered;
	s3 =	sadd.s32 s3, s5;
	[dreg:$0x0] =	wrdreg $0x0  }
0xa8: {  	s5 =	sshll.u32 s28, $0x1;
	[dreg:$0x2] =	wrdreg s3  }
0xa9: {  	[dreg:$0x3] =	wrdreg s5  }
0xaa: {  	[dreg:$0x4] =	wrdreg $0xC0  }
0xab: {  	_ =	task [dreg:s7], $0x5FFFF  }
0xac: {  	[dreg:$0x1] =	wrdreg $0xFFFFFFFF  }
0xad: {  	[dreg:$0x0] =	wrdreg $0x60  }
0xae: {  	[dreg:$0x2] =	wrdreg s24  }
0xaf: {  	[dreg:$0x3] =	wrdreg s2  }
0xb0: {  	[dreg:$0x4] =	wrdreg $0x0  }
0xb1: {  	[dreg:$0x5] =	wrdreg $0x9  }
0xb2: {  	_ =	task.clear_ibuf [dreg:s7], $0x6FFFF;
	_ =	strace $0x9000004F  }
0xb3: {  	s29 =	simm.s32 $0x9;
	_ =	strace $0x80000051  }
0xb4: {  	_ =	swait.ge [sflag:s29], $0x1  }
0xb5: {  	[sflag:s29] =	ssyncadd.s32 $0xFFFFFFFF  }
0xb6: {  	_ =	strace $0x90000051  }
0xb7: {  	_ =	sfence  }
0xb8: {  	s30 =	sld [smem:$0x0];
	_ =	sdelay $0x2  }
0xb9: {  	s31 =	sshll.u32 s1, $0xD;
	s1 =	sshrl.u32 s1, $0x2  }
0xba: {  	s3 =	sand.u32 $0x4000, s31;
	s1 =	sadd.s32 s1, s30  }
0xbb: {  	s0 =	sor.u32 s3, s0;
	s1 =	sshll.u32 s1, $0x11  }
0xbc: {  	s0 =	sor.u32 s1, s0  }
0xbd: {  	s0 =	sadd.s32 $0x8F2B, s0  }
0xbe: {  	[sflag:s0] =	ssyncadd.remote.s32 $0x1  }
0xbf: {  	_ =	sfence.sel $0xFFFF  }
0xc0: {  	[dreg:$0x0] =	wrdreg $0xFFFFFFFF;
	(pc) =	sbr.abs _section_cstart, $3  }
0xc1: {  	[dreg:$0x1] =	wrdreg $0xFFFFFFFF  }
0xc2: {  	_ =	task.clear_ibuf [dreg:s7], $0x2FFFF;
	_ =	strace $0x9FFFFFFF  }
0xc3: {  	(tm) =	ssettm $0x7FFFFFFF  }
tec
execute0_lowered:
.L_overlay_start_1:
0x0: {  	(tag) =	ssettag $0x1  }
0x1: {  	s5 =	rddreg [dreg:$0x0]  }
0x2: {  	s1 =	srdreg.scid;
	s8 =	rddreg [dreg:$0x1]  }
0x3: {  	s0 =	stileid.u32;
	s2 =	rddreg [dreg:$0x2]  }
0x4: {  	s3 =	simm.s32 $0x0;
	s16 =	simm.s32 $0x16800;
	s17 =	simm.s32 $0x3  }
0x5: {  	s18 =	simm.s32 $0x1A800;
	s19 =	simm.s32 $0x1;
	s20 =	simm.s32 $0x2  }
0x6: {  	s21 =	simm.s32 $0x15380;
	s22 =	simm.s32 $0x16700;
	s23 =	simm.s32 $0x16780  }
0x7: {  	s26 =	simm.s32 $0x0;
	s6 =	sand.u32 $0x1, s1;
	s24 =	smul.u32 $0x2800, s0  }
0x8: {  	s30 =	sshll.u32 s0, $0x1;
	[smem:$0x7FF] =	sst s3;
	s10 =	smul.u32 $0x50000, s0  }
0x9: {  	s4 =	sor.u32 s6, s30;
	_ =	strace $0x80000050;
	s7 =	smul.u32 $0x28000, s6  }
0xa: {  	s6 =	ssub.s32 $0x2, s6;
	s9 =	smul.u32 $0x500, s4;
	s4 =	sadd.s32 $0xD000, s5  }
0xb: {  	s12 =	sadd.s32 s24, s5;
	s13 =	sshrl.u32 s6, $0x1;
	s31 =	sshrl.u32 s10, $0x2  }
0xc: {  	s14 =	sadd.s32 s7, s5;
	s13 =	ssub.s32 s6, s13;
	s15 =	sadd.s32 s31, s2  }
0xd: {  	s6 =	sshll.u32 s0, $0x6;
	s11 =	sadd.s32 s9, s5;
	s5 =	sadd.s32 $0x35000, s12  }
0xe: {  	s7 =	sor.u32 $0x1C03, s6;
	s8 =	sadd.s32 s8, s9;
	s25 =	sadd.s32 $0x5D000, s14  }
0xf: {  	s10 =	smax.u32 s13, $0x1;
	s12 =	simm.s32 $0x14000;
	s13 =	simm.s32 $0x4  }
0x10: {  	s14 =	simm.s32 $0x15400;
	s9 =	sadd.s32 $0x3000, s11;
	s11 =	sshrl.u32 s15, $0x3  }
0x11: {  	s15 =	simm.s32 $0x80;
	s24 =	sadd.s32 s24, s25;
	s25 =	sadd.s32 $0x280, s8  }
.LBB2_1:
0x12: {  	[spmem:s11], [sflag:s7] =	dma.local [hbm:s5], $0x2800  }
0x13: {  	[tilespmem:s12], [sflag:$0x4] =	stream.linear.gather [hbm4b:s8+s3], $0x1400, $0x38;
	[tilespmem:$0x1E800] =	vst v63  }
0x14: {  	_ =	swait.ge [sflag:s13], $0x1400  }
0x15: {  	[sflag:s13] =	ssyncset.done $0x0  }
0x16: {  	[sflag:s13] =	ssyncadd.s32 $0xFFFFEC00  }
0x17: {  	[tilespmem:s14], [sflag:$0x4] =	stream.linear.gather [hbm4b:s9+s3], $0x1400, $0x38;
	[tilespmem:$0x1E800] =	vst v63  }
0x18: {  	_ =	swait.ge [sflag:s13], $0x1400  }
0x19: {  	[sflag:s13] =	ssyncset.done $0x0  }
0x1a: {  	[sflag:s13] =	ssyncadd.s32 $0xFFFFEC00  }
0x1b: {  	[tilespmem:s16], [sflag:$0x1] =	stream.indirect.gather [hbm4b:s4+s15], $0x80, s12, s15, $0xb8;
	[tilespmem:$0x1E800] =	vst v63  }
0x1c: {  	_ =	swait.ge [sflag:s17], $0x2800  }
0x1d: {  	[sflag:s17] =	ssyncset.done $0x0  }
0x1e: {  	[sflag:s17] =	ssyncadd.s32 $0xFFFFD800  }
0x1f: {  	s28 =	simm.s32 $0x14080;
	[bflag:$0x0] =	sbarrier.arrive $0xFFFF  }
0x20: {  	[tilespmem:s18], [sflag:$0x2] =	stream.indirect.gather [hbm4b:s4+s15], $0x80, s28, s15, $0xb8;
	[tilespmem:$0x1E800] =	vst v63  }
0x21: {  	_ =	swait.ge [sflag:s19], $0x4000  }
0x22: {  	[sflag:s19] =	ssyncset.done $0x0  }
0x23: {  	s28 =	simm.s32 $0x15400;
	[sflag:s19] =	ssyncadd.s32 $0xFFFFC000  }
0x24: {  	[spmem:s2] =	stream.indirect.scatter.add.f32 [tilespmem:s16], [sflag:$0x4], $0x80, s28, s15, $0xb8;
	[tilespmem:$0x1E800] =	vst v63  }
0x25: {  	_ =	swait.ge [sflag:s13], $0x4000  }
0x26: {  	[sflag:s13] =	ssyncset.done $0x0  }
0x27: {  	s28 =	simm.s32 $0x14100;
	[sflag:s13] =	ssyncadd.s32 $0xFFFFC000  }
0x28: {  	[tilespmem:s16], [sflag:$0x1] =	stream.indirect.gather [hbm4b:s4+s15], $0x80, s28, s15, $0xb8;
	[tilespmem:$0x1E800] =	vst v63  }
0x29: {  	_ =	swait.ge [sflag:s20], $0x4000  }
0x2a: {  	[sflag:s20] =	ssyncset.done $0x0  }
0x2b: {  	s28 =	simm.s32 $0x15480;
	[sflag:s20] =	ssyncadd.s32 $0xFFFFC000  }
0x2c: {  	[spmem:s2] =	stream.indirect.scatter.add.f32 [tilespmem:s18], [sflag:$0x4], $0x80, s28, s15, $0xb8;
	[tilespmem:$0x1E800] =	vst v63  }
0x2d: {  	_ =	swait.ge [sflag:s13], $0x4000  }
0x2e: {  	s29 =	simm.s32 $0x800;
	s28 =	simm.s32 $0x100;
	[sflag:s13] =	ssyncset.done $0x0  }
.LBB2_2:
0x2f: {  	s30 =	sadd.s32 $0x14080, s28  }
0x30: {  	[sflag:s13] =	ssyncadd.s32 $0xFFFFC000;
	s31 =	smov.u32 s29;
	s1 =	sadd.s32 $0x400, s29  }
0x31: {  	[tilespmem:s18], [sflag:$0x2] =	stream.indirect.gather [hbm4b:s4+s15], $0x80, s30, s15, $0xb8;
	[tilespmem:$0x1E800] =	vst v63  }
0x32: {  	p0 =	sne.s32 s29, $0x4800;
	_ =	swait.ge [sflag:s19], $0x4000  }
0x33: {  	[sflag:s19] =	ssyncset.done $0x0  }
0x34: {  	s29 =	sadd.s32 $0x15400, s28;
	[sflag:s19] =	ssyncadd.s32 $0xFFFFC000  }
0x35: {  	[spmem:s2] =	stream.indirect.scatter.add.f32 [tilespmem:s16], [sflag:$0x4], $0x80, s29, s15, $0xb8;
	[tilespmem:$0x1E800] =	vst v63  }
0x36: {  	_ =	swait.ge [sflag:s13], $0x4000  }
0x37: {  	[sflag:s13] =	ssyncset.done $0x0  }
0x38: {  	s29 =	sadd.s32 $0x14100, s28;
	[sflag:s13] =	ssyncadd.s32 $0xFFFFC000  }
0x39: {  	[tilespmem:s16], [sflag:$0x1] =	stream.indirect.gather [hbm4b:s4+s15], $0x80, s29, s15, $0xb8;
	[tilespmem:$0x1E800] =	vst v63  }
0x3a: {  	_ =	swait.ge [sflag:s20], $0x4000  }
.Ltmp0:
0x3b: {  	[sflag:s20] =	ssyncset.done $0x0;
	(pc) =	sbr.rel @p0 .LBB2_2-.Ltmp0, $4  }
0x3c: {  	s28 =	sadd.s32 $0x15480, s28;
	[sflag:s20] =	ssyncadd.s32 $0xFFFFC000  }
0x3d: {  	[spmem:s2] =	stream.indirect.scatter.add.f32 [tilespmem:s18], [sflag:$0x4], $0x80, s28, s15, $0xb8;
	[tilespmem:$0x1E800] =	vst v63  }
0x3e: {  	_ =	swait.ge [sflag:s13], $0x4000  }
0x3f: {  	s29 =	smov.u32 s1;
	s28 =	sshra.s32 s31, $0x2;
	[sflag:s13] =	ssyncset.done $0x0  }
0x40: {  	s1 =	sadd.s32 $0x14080, s28;
	[sflag:s13] =	ssyncadd.s32 $0xFFFFC000  }
0x41: {  	[tilespmem:s18], [sflag:$0x2] =	stream.indirect.gather [hbm4b:s4+s15], $0x80, s1, s15, $0xb8;
	[tilespmem:$0x1E800] =	vst v63  }
0x42: {  	_ =	swait.ge [sflag:s19], $0x4000  }
0x43: {  	[sflag:s19] =	ssyncset.done $0x0  }
0x44: {  	s30 =	sadd.s32 $0x15400, s28;
	[sflag:s19] =	ssyncadd.s32 $0xFFFFC000  }
0x45: {  	[spmem:s2] =	stream.indirect.scatter.add.f32 [tilespmem:s16], [sflag:$0x4], $0x80, s30, s15, $0xb8;
	[tilespmem:$0x1E800] =	vst v63  }
0x46: {  	_ =	swait.ge [sflag:s13], $0x4000  }
0x47: {  	[sflag:s13] =	ssyncset.done $0x0  }
0x48: {  	s31 =	sadd.s32 $0x14100, s28;
	[sflag:s13] =	ssyncadd.s32 $0xFFFFC000  }
0x49: {  	[tilespmem:s16], [sflag:$0x1] =	stream.indirect.gather [hbm4b:s4+s15], $0x80, s31, s15, $0xb8;
	[tilespmem:$0x1E800] =	vst v63  }
0x4a: {  	_ =	swait.ge [sflag:s20], $0x4000  }
0x4b: {  	[sflag:s20] =	ssyncset.done $0x0  }
0x4c: {  	s30 =	sadd.s32 $0x15480, s28;
	[sflag:s20] =	ssyncadd.s32 $0xFFFFC000  }
0x4d: {  	[spmem:s2] =	stream.indirect.scatter.add.f32 [tilespmem:s18], [sflag:$0x4], $0x80, s30, s15, $0xb8;
	[tilespmem:$0x1E800] =	vst v63  }
0x4e: {  	_ =	swait.ge [sflag:s13], $0x4000  }
0x4f: {  	[sflag:s13] =	ssyncset.done $0x0  }
0x50: {  	[sflag:s13] =	ssyncadd.s32 $0xFFFFC000  }
0x51: {  	[tilespmem:s18], [sflag:$0x2] =	stream.indirect.gather [hbm4b:s4+s15], $0x80, s21, s15, $0xb8;
	[tilespmem:$0x1E800] =	vst v63  }
0x52: {  	_ =	swait.ge [sflag:s19], $0x4000  }
0x53: {  	[sflag:s19] =	ssyncset.done $0x0  }
0x54: {  	[sflag:s19] =	ssyncadd.s32 $0xFFFFC000  }
0x55: {  	[spmem:s2] =	stream.indirect.scatter.add.f32 [tilespmem:s16], [sflag:$0x4], $0x80, s22, s15, $0xb8;
	[tilespmem:$0x1E800] =	vst v63  }
0x56: {  	_ =	swait.ge [sflag:s13], $0x4000  }
0x57: {  	[sflag:s13] =	ssyncset.done $0x0  }
0x58: {  	[sflag:s13] =	ssyncadd.s32 $0xFFFFC000  }
0x59: {  	_ =	swait.ge [sflag:s20], $0x4000  }
0x5a: {  	[sflag:s20] =	ssyncset.done $0x0  }
0x5b: {  	[sflag:s20] =	ssyncadd.s32 $0xFFFFC000  }
0x5c: {  	[spmem:s2] =	stream.indirect.scatter.add.f32 [tilespmem:s18], [sflag:$0x4], $0x80, s23, s15, $0xb8;
	[tilespmem:$0x1E800] =	vst v63  }
0x5d: {  	_ =	swait.ge [sflag:s13], $0x4000  }
0x5e: {  	[sflag:s13] =	ssyncset.done $0x0  }
0x5f: {  	s31 =	simm.s32 $0x0;
	[sflag:s13] =	ssyncadd.s32 $0xFFFFC000  }
0x60: {  	[tilespmem:s12], [sflag:$0x4] =	stream.linear.gather [hbm4b:s25+s31], $0x1400, $0x38;
	[tilespmem:$0x1E800] =	vst v63  }
0x61: {  	_ =	swait.ge [sflag:s13], $0x1400  }
0x62: {  	[sflag:s13] =	ssyncset.done $0x0  }
0x63: {  	s28 =	sadd.s32 $0x280, s9;
	[sflag:s13] =	ssyncadd.s32 $0xFFFFEC00  }
0x64: {  	[tilespmem:s14], [sflag:$0x4] =	stream.linear.gather [hbm4b:s28+s31], $0x1400, $0x38;
	[tilespmem:$0x1E800] =	vst v63  }
0x65: {  	_ =	swait.ge [sflag:s13], $0x1400  }
0x66: {  	[sflag:s13] =	ssyncset.done $0x0  }
0x67: {  	[sflag:s13] =	ssyncadd.s32 $0xFFFFEC00  }
0x68: {  	[tilespmem:s16], [sflag:$0x1] =	stream.indirect.gather [hbm4b:s4+s15], $0x80, s12, s15, $0xb8;
	[tilespmem:$0x1E800] =	vst v63  }
0x69: {  	s30 =	simm.s32 $0x14080  }
0x6a: {  	[tilespmem:s18], [sflag:$0x2] =	stream.indirect.gather [hbm4b:s4+s15], $0x80, s30, s15, $0xb8;
	[tilespmem:$0x1E800] =	vst v63  }
0x6b: {  	_ =	swait.ge [sflag:s19], $0x4000  }
0x6c: {  	[sflag:s19] =	ssyncset.done $0x0  }
0x6d: {  	s31 =	simm.s32 $0x15400;
	[sflag:s19] =	ssyncadd.s32 $0xFFFFC000  }
0x6e: {  	[spmem:s2] =	stream.indirect.scatter.add.f32 [tilespmem:s16], [sflag:$0x4], $0x80, s31, s15, $0xb8;
	[tilespmem:$0x1E800] =	vst v63  }
0x6f: {  	_ =	swait.ge [sflag:s13], $0x4000  }
0x70: {  	[sflag:s13] =	ssyncset.done $0x0  }
0x71: {  	s30 =	simm.s32 $0x14100;
	[sflag:s13] =	ssyncadd.s32 $0xFFFFC000  }
0x72: {  	[tilespmem:s16], [sflag:$0x1] =	stream.indirect.gather [hbm4b:s4+s15], $0x80, s30, s15, $0xb8;
	[tilespmem:$0x1E800] =	vst v63  }
0x73: {  	_ =	swait.ge [sflag:s20], $0x4000  }
0x74: {  	[sflag:s20] =	ssyncset.done $0x0  }
0x75: {  	s31 =	simm.s32 $0x15480;
	[sflag:s20] =	ssyncadd.s32 $0xFFFFC000  }
0x76: {  	[spmem:s2] =	stream.indirect.scatter.add.f32 [tilespmem:s18], [sflag:$0x4], $0x80, s31, s15, $0xb8;
	[tilespmem:$0x1E800] =	vst v63  }
0x77: {  	_ =	swait.ge [sflag:s13], $0x4000  }
0x78: {  	s29 =	simm.s32 $0x800;
	s28 =	simm.s32 $0x100;
	[sflag:s13] =	ssyncset.done $0x0  }
.LBB2_4:
0x79: {  	s1 =	sadd.s32 $0x14080, s28  }
0x7a: {  	[sflag:s13] =	ssyncadd.s32 $0xFFFFC000;
	s30 =	smov.u32 s29;
	s31 =	sadd.s32 $0x400, s29  }
0x7b: {  	[tilespmem:s18], [sflag:$0x2] =	stream.indirect.gather [hbm4b:s4+s15], $0x80, s1, s15, $0xb8;
	[tilespmem:$0x1E800] =	vst v63  }
0x7c: {  	p0 =	sne.s32 s29, $0x4800;
	_ =	swait.ge [sflag:s19], $0x4000  }
0x7d: {  	[sflag:s19] =	ssyncset.done $0x0  }
0x7e: {  	s1 =	sadd.s32 $0x15400, s28;
	[sflag:s19] =	ssyncadd.s32 $0xFFFFC000  }
0x7f: {  	[spmem:s2] =	stream.indirect.scatter.add.f32 [tilespmem:s16], [sflag:$0x4], $0x80, s1, s15, $0xb8;
	[tilespmem:$0x1E800] =	vst v63  }
0x80: {  	_ =	swait.ge [sflag:s13], $0x4000  }
0x81: {  	[sflag:s13] =	ssyncset.done $0x0  }
0x82: {  	s1 =	sadd.s32 $0x14100, s28;
	[sflag:s13] =	ssyncadd.s32 $0xFFFFC000  }
0x83: {  	[tilespmem:s16], [sflag:$0x1] =	stream.indirect.gather [hbm4b:s4+s15], $0x80, s1, s15, $0xb8;
	[tilespmem:$0x1E800] =	vst v63  }
0x84: {  	_ =	swait.ge [sflag:s20], $0x4000  }
.Ltmp1:
0x85: {  	[sflag:s20] =	ssyncset.done $0x0;
	(pc) =	sbr.rel @p0 .LBB2_4-.Ltmp1, $4  }
0x86: {  	s1 =	sadd.s32 $0x15480, s28;
	[sflag:s20] =	ssyncadd.s32 $0xFFFFC000  }
0x87: {  	[spmem:s2] =	stream.indirect.scatter.add.f32 [tilespmem:s18], [sflag:$0x4], $0x80, s1, s15, $0xb8;
	[tilespmem:$0x1E800] =	vst v63  }
0x88: {  	_ =	swait.ge [sflag:s13], $0x4000  }
0x89: {  	s29 =	smov.u32 s31;
	s28 =	sshra.s32 s30, $0x2;
	[sflag:s13] =	ssyncset.done $0x0  }
0x8a: {  	s1 =	sadd.s32 $0x14080, s28;
	[sflag:s13] =	ssyncadd.s32 $0xFFFFC000  }
0x8b: {  	[tilespmem:s18], [sflag:$0x2] =	stream.indirect.gather [hbm4b:s4+s15], $0x80, s1, s15, $0xb8;
	[tilespmem:$0x1E800] =	vst v63  }
0x8c: {  	_ =	swait.ge [sflag:s19], $0x4000  }
0x8d: {  	[sflag:s19] =	ssyncset.done $0x0  }
0x8e: {  	s31 =	sadd.s32 $0x15400, s28;
	[sflag:s19] =	ssyncadd.s32 $0xFFFFC000  }
0x8f: {  	[spmem:s2] =	stream.indirect.scatter.add.f32 [tilespmem:s16], [sflag:$0x4], $0x80, s31, s15, $0xb8;
	[tilespmem:$0x1E800] =	vst v63  }
0x90: {  	_ =	swait.ge [sflag:s13], $0x4000  }
0x91: {  	[sflag:s13] =	ssyncset.done $0x0  }
0x92: {  	s29 =	sadd.s32 $0x14100, s28;
	[sflag:s13] =	ssyncadd.s32 $0xFFFFC000  }
0x93: {  	[tilespmem:s16], [sflag:$0x1] =	stream.indirect.gather [hbm4b:s4+s15], $0x80, s29, s15, $0xb8;
	[tilespmem:$0x1E800] =	vst v63  }
0x94: {  	_ =	swait.ge [sflag:s20], $0x4000  }
0x95: {  	[sflag:s20] =	ssyncset.done $0x0  }
0x96: {  	s30 =	sadd.s32 $0x15480, s28;
	[sflag:s20] =	ssyncadd.s32 $0xFFFFC000  }
0x97: {  	[spmem:s2] =	stream.indirect.scatter.add.f32 [tilespmem:s18], [sflag:$0x4], $0x80, s30, s15, $0xb8;
	[tilespmem:$0x1E800] =	vst v63  }
0x98: {  	_ =	swait.ge [sflag:s13], $0x4000  }
0x99: {  	[sflag:s13] =	ssyncset.done $0x0  }
0x9a: {  	[sflag:s13] =	ssyncadd.s32 $0xFFFFC000  }
0x9b: {  	[tilespmem:s18], [sflag:$0x2] =	stream.indirect.gather [hbm4b:s4+s15], $0x80, s21, s15, $0xb8;
	[tilespmem:$0x1E800] =	vst v63  }
0x9c: {  	_ =	swait.ge [sflag:s19], $0x4000  }
0x9d: {  	[sflag:s19] =	ssyncset.done $0x0  }
0x9e: {  	[sflag:s19] =	ssyncadd.s32 $0xFFFFC000  }
0x9f: {  	[spmem:s2] =	stream.indirect.scatter.add.f32 [tilespmem:s16], [sflag:$0x4], $0x80, s22, s15, $0xb8;
	[tilespmem:$0x1E800] =	vst v63  }
0xa0: {  	_ =	swait.ge [sflag:s13], $0x4000  }
0xa1: {  	[sflag:s13] =	ssyncset.done $0x0  }
0xa2: {  	[sflag:s13] =	ssyncadd.s32 $0xFFFFC000  }
0xa3: {  	_ =	swait.ge [sflag:s20], $0x4000  }
0xa4: {  	[sflag:s20] =	ssyncset.done $0x0  }
0xa5: {  	[sflag:s20] =	ssyncadd.s32 $0xFFFFC000  }
0xa6: {  	[spmem:s2] =	stream.indirect.scatter.add.f32 [tilespmem:s18], [sflag:$0x4], $0x80, s23, s15, $0xb8;
	[tilespmem:$0x1E800] =	vst v63  }
0xa7: {  	_ =	swait.ge [sflag:s13], $0x4000  }
0xa8: {  	s26 =	sadd.s32 $0x1, s26;
	[sflag:s13] =	ssyncset.done $0x0  }
0xa9: {  	p0 =	sne.s32 s26, s10;
	[sflag:s13] =	ssyncadd.s32 $0xFFFFC000  }
.Ltmp2:
0xaa: {  	s31 =	sor.u32 $0x1C04, s6;
	[bflag:$0x0] =	sbarrier.arrive $0xFFFF;
	(pc) =	sbr.rel @p0 .LBB2_1-.Ltmp2, $4  }
0xab: {  	[hbm:s24], [sflag:s31] =	dma.local [spmem:s11], $0x2800  }
0xac: {  	_ =	swait.ge [sflag:s13], $0x2800  }
0xad: {  	[sflag:s13] =	ssyncset.done $0x0  }
0xae: {  	[sflag:s13] =	ssyncadd.s32 $0xFFFFD800  }
0xaf: {  	_ =	sfence.sel $0x180000  }
0xb0: {  	[bflag:$0x0] =	sbarrier.arrive $0xFFFF  }
0xb1: {  	_ =	strace $0x90000050  }
0xb2: {  	[bflag:$0x2] =	sbarrier.arrive $0xFFFF  }
0xb3: {  	p0 =	sne.s32 s0, $0x0;
	s0 =	rddreg [dreg:$0x3]  }
0xb4: {  	s0 =	sadd.s32 @!p0 $0x100000, s0  }
0xb5: {  	[sflag:s0] =	ssyncadd.tile.s32 @!p0 $0x1;
	_ =	shalt  }
.Lfunc_end2:
_tile_overlayer_lowered:
.L_overlay_start_2:
0xb6: {  	(tag) =	ssettag $0x2  }
0xb7: {  	s0 =	rddreg [dreg:$0x0];
	s2 =	stileid.u32  }
0xb8: {  	s1 =	rddreg [dreg:$0x1];
	p0 =	sne.s32 s2, $0x0  }
0xb9: {  	s3 =	rddreg [dreg:$0x2];
	[bflag:$0x3] =	sbarrier.arrive $0xFFFF;
	s2 =	simm.s32 @!p0 $0x1C04  }
0xba: {  	[timem:s3], [sflag:s2] =	dma.local @!p0 [hbm:s0], s1  }
0xbb: {  	s0 =	simm.s32 @!p0 $0x4  }
0xbc: {  	_ =	swait.ge @!p0 [sflag:s0], s1  }
0xbd: {  	s1 =	ssub.s32 @!p0 $0x0, s1;
	[sflag:s0] =	ssyncset.done @!p0 $0x0  }
0xbe: {  	[sflag:s0] =	ssyncadd.s32 @!p0 s1  }
0xbf: {  	[bflag:$0x3] =	sbarrier.arrive $0xFFFF  }
0xc0: {  	_ =	shalt  }

</sc_bundles>
